<compile_context>
chip_gen: v7x
topology: tpu7x:2x2x1
jax: 0.10.2.dev20260603
libtpu: 0.0.44.dev20260713+nightly
codegen_flags: <defaults>
</compile_context>

<pallas_src>
import functools

import jax
import jax.numpy as jnp
from jax import lax
from jax.experimental import pallas as pl
from jax.experimental.pallas import tpu as pltpu
from jax.experimental.pallas import tpu_sc as plsc

NUM_C = 10000
DIM_S = 64
SIZE_M = 50
B = 8
L = 500

NC, NS, LANES = 2, 16, 16
NW = NC * NS
NPAD = 4096
BPW = NPAD // NW


PW_W = 80


def _sc_gather_body(kt, vt, pwt, ski, ansi, nxti,
                    kout, vout, pwout,
                    idx_v, idx2_v, rows_v, rows80_v, sem):
    wid = lax.axis_index("s") * NC + lax.axis_index("c")
    base = wid * BPW

    pltpu.sync_copy(ski.at[pl.ds(base, BPW)], idx_v)
    pltpu.async_copy(kt.at[idx_v], rows_v, sem).wait()
    pltpu.sync_copy(rows_v, kout.at[pl.ds(base, BPW)])

    pltpu.sync_copy(ansi.at[pl.ds(base, BPW)], idx2_v)
    for i in range(BPW // LANES):
        s = pl.ds(i * LANES, LANES)
        idx2_v[s] = idx_v[s] + NUM_C * idx2_v[s]
    pltpu.async_copy(vt.at[idx2_v], rows_v, sem).wait()
    pltpu.sync_copy(rows_v, vout.at[pl.ds(base, BPW)])

    pltpu.sync_copy(nxti.at[pl.ds(base, BPW)], idx_v)
    pltpu.async_copy(pwt.at[idx_v], rows80_v, sem).wait()
    pltpu.sync_copy(rows80_v, pwout.at[pl.ds(base, BPW)])


def _sc_gather(k_emb, v_emb, pw_aug, ski, ansi, nxti):
    mesh = plsc.VectorSubcoreMesh(core_axis_name="c", subcore_axis_name="s",
                                  num_cores=NC, num_subcores=NS)
    f = pl.kernel(
        _sc_gather_body,
        mesh=mesh,
        compiler_params=pltpu.CompilerParams(use_tc_tiling_on_sc=False),
        out_type=[
            jax.ShapeDtypeStruct((NPAD, DIM_S), jnp.float32),
            jax.ShapeDtypeStruct((NPAD, DIM_S), jnp.float32),
            jax.ShapeDtypeStruct((NPAD, PW_W), jnp.float32),
        ],
        scratch_types=[
            pltpu.VMEM((BPW,), jnp.int32),
            pltpu.VMEM((BPW,), jnp.int32),
            pltpu.VMEM((BPW, DIM_S), jnp.float32),
            pltpu.VMEM((BPW, PW_W), jnp.float32),
            pltpu.SemaphoreType.DMA,
        ],
    )
    return f(k_emb, v_emb, pw_aug, ski, ansi, nxti)


def _tc_body(skill_tm, dst_bm, k_tm, v_tm, pw_tm, pb_tm, pos_col,
             MkT, Mv0, W1, W2, eWT, e_b_row, aWT, a_b_row,
             fWrT, fWkT, f_b_row, gk_stu, gk_kT, gkb, gv_stu, gv_kT, gvb,
             b1row, b2row,
             out_ref,
             w_s, e_s, a_s, k_s, read_s):
    sm_z = pos_col[...]
    sm_z = sm_z - jnp.max(sm_z, axis=0, keepdims=True)
    sm_e = jnp.exp(sm_z)
    sm = sm_e / jnp.sum(sm_e, axis=0, keepdims=True)

    for b in range(B):
        sk_b = skill_tm[:, b:b + 1]
        ds_b = dst_bm[b:b + 1, :]
        E_b = (sk_b == ds_b).astype(jnp.float32)
        deg_b = 1.0 + jnp.sum(E_b, axis=1, keepdims=True)
        dinv_b = lax.rsqrt(deg_b)
        dinv2_b = dinv_b * dinv_b
        norm_b = dinv_b[:-1] * dinv_b[1:]

        k_b = k_tm[:, b, :]
        hk_b = jnp.dot(k_b, W1[...], preferred_element_type=jnp.float32)
        msg1 = norm_b * hk_b[:-1]
        agg1 = jnp.dot(E_b, msg1, preferred_element_type=jnp.float32)
        h1 = jnp.maximum(agg1 + dinv2_b * hk_b + b1row[...], 0.0)
        msg2 = norm_b * h1[:-1]
        agg2 = jnp.dot(E_b, msg2, preferred_element_type=jnp.float32)
        gout = jnp.dot(agg2 + dinv2_b * h1, W2[...],
                       preferred_element_type=jnp.float32) + b2row[...]

        stu_b = jnp.sum(gout * sm, axis=0, keepdims=True)

        g = (jnp.sum(stu_b * gk_stu[...], axis=1, keepdims=True)
             + jnp.dot(k_b, gk_kT[...], preferred_element_type=jnp.float32)
             + gkb[...])
        g = jax.nn.sigmoid(g)
        k_new = g * stu_b + (1.0 - g) * k_b

        v_b = v_tm[:, b, :]
        g = (jnp.sum(stu_b * gv_stu[...], axis=1, keepdims=True)
             + jnp.dot(v_b, gv_kT[...], preferred_element_type=jnp.float32)
             + gvb[...])
        g = jax.nn.sigmoid(g)
        v_new = g * stu_b + (1.0 - g) * v_b

        z = jnp.dot(k_new, MkT[...], preferred_element_type=jnp.float32)
        z = z - jnp.max(z, axis=1, keepdims=True)
        z = jnp.exp(z)
        w_b = z / jnp.sum(z, axis=1, keepdims=True)

        e_b = jax.nn.sigmoid(
            jnp.dot(v_new, eWT[...], preferred_element_type=jnp.float32)
            + e_b_row[...])
        a_b = jnp.tanh(
            jnp.dot(v_new, aWT[...], preferred_element_type=jnp.float32)
            + a_b_row[...])

        w_s[:, b:b + 1, :] = w_b[:, None, :]
        e_s[:, b:b + 1, :] = e_b[:, None, :]
        a_s[:, b:b + 1, :] = a_b[:, None, :]
        k_s[:, b:b + 1, :] = k_new[:, None, :]

    Mv0_b = jnp.broadcast_to(Mv0[...][None], (B, SIZE_M, DIM_S))

    def step(t, Mv):
        wbc = w_s[t][:, :, None]
        e_t = e_s[t][:, None, :]
        a_t = a_s[t][:, None, :]
        read_s[t] = jnp.sum(wbc * Mv, axis=1)
        return Mv - (Mv * e_t - a_t) * wbc

    UNROLL = 4
    def scan_body(i, Mv):
        t0 = i * UNROLL
        for j in range(UNROLL):
            Mv = step(t0 + j, Mv)
        return Mv

    Mv = lax.fori_loop(0, (L - 1) // UNROLL, scan_body, Mv0_b)
    for t in range((L - 1) // UNROLL * UNROLL, L - 1):
        Mv = step(t, Mv)

    read_all = read_s[...]
    k_all = k_s[...]
    cols = []
    for b in range(B):
        read_b = read_all[:, b, :]
        kf_b = k_all[:L - 1, b, :]
        f_b = jnp.tanh(
            jnp.dot(read_b, fWrT[...], preferred_element_type=jnp.float32)
            + jnp.dot(kf_b, fWkT[...], preferred_element_type=jnp.float32)
            + f_b_row[...])
        logit = (jnp.sum(f_b * pw_tm[:, b, :], axis=1, keepdims=True)
                 + pb_tm[:, b:b + 1])
        cols.append(jax.nn.sigmoid(logit))
    out_ref[...] = jnp.concatenate(cols, axis=1)


def _tc_call(*args):
    return pl.pallas_call(
        _tc_body,
        out_shape=jax.ShapeDtypeStruct((L - 1, B), jnp.float32),
        scratch_shapes=[
            pltpu.VMEM((L, B, SIZE_M), jnp.float32),
            pltpu.VMEM((L, B, DIM_S), jnp.float32),
            pltpu.VMEM((L, B, DIM_S), jnp.float32),
            pltpu.VMEM((L, B, DIM_S), jnp.float32),
            pltpu.VMEM((L - 1, B, DIM_S), jnp.float32),
        ],
    )(*args)


def kernel(skill, answer, k_emb, v_emb, Mk, Mv0, pos, gate_k_W, gate_k_b,
           gate_v_W, gate_v_b, f_W, f_b, p_W, p_b, e_W, e_b, a_W, a_b,
           gcn1_W, gcn1_b, gcn2_W, gcn2_b):
    skill = skill.astype(jnp.int32)
    answer = answer.astype(jnp.int32)

    n = B * L
    ski = jnp.pad(skill.transpose(1, 0).reshape(-1), (0, NPAD - n))
    ansi = jnp.pad(answer.transpose(1, 0).reshape(-1), (0, NPAD - n))
    nxti = jnp.pad(skill[:, 1:].transpose(1, 0).reshape(-1),
                   (0, NPAD - (n - B)))

    pw_aug = jnp.concatenate(
        [p_W, p_b.reshape(NUM_C, 1),
         jnp.zeros((NUM_C, PW_W - DIM_S - 1), jnp.float32)], axis=1)

    kout, vout, pwout = _sc_gather(k_emb, v_emb, pw_aug, ski, ansi, nxti)

    k_tm = kout[:n].reshape(L, B, DIM_S)
    v_tm = vout[:n].reshape(L, B, DIM_S)
    pw_tm = pwout[:n - B, :DIM_S].reshape(L - 1, B, DIM_S)
    pb_tm = pwout[:n - B, DIM_S].reshape(L - 1, B)

    skill_tm = skill.transpose(1, 0)
    dst_bm = skill[:, 1:]
    pos_col = pos[L - 1, :, 0].reshape(L, 1)

    out = _tc_call(
        skill_tm, dst_bm, k_tm, v_tm, pw_tm, pb_tm, pos_col,
        Mk.transpose(1, 0), Mv0, gcn1_W, gcn2_W,
        e_W.transpose(1, 0), e_b.reshape(1, DIM_S),
        a_W.transpose(1, 0), a_b.reshape(1, DIM_S),
        f_W[:, :DIM_S].transpose(1, 0), f_W[:, DIM_S:].transpose(1, 0),
        f_b.reshape(1, DIM_S),
        gate_k_W[:, :DIM_S], gate_k_W[:, DIM_S:].transpose(1, 0),
        gate_k_b.reshape(1, 1),
        gate_v_W[:, :DIM_S], gate_v_W[:, DIM_S:].transpose(1, 0),
        gate_v_b.reshape(1, 1),
        gcn1_b.reshape(1, 8), gcn2_b.reshape(1, DIM_S),
    )
    return out.transpose(1, 0)

# --- scband reference (transcript-rebuilt; emitter-appended) ---
"""Pipeline reference for scband-dkvmn-58944131170322 (READ-ONLY COPY).

The authoritative reference and input builder live on the scoring server;
editing this copy changes nothing except your own understanding.
"""

import jax, jax.numpy as jnp
import numpy as np

NUM_C = 10000
DIM_S = 64
SIZE_M = 50
B = 8
L = 500


def _gcn_conv(x, src, dst, W, b):
    # torch_geometric GCNConv: add self-loops, symmetric normalization,
    # aggregate messages from src (edge_index[0]) into dst (edge_index[1]).
    n = x.shape[0]
    loop = jnp.arange(n, dtype=src.dtype)
    s = jnp.concatenate([src, loop])
    d = jnp.concatenate([dst, loop])
    deg = jnp.zeros((n,), dtype=x.dtype).at[d].add(1.0)
    dinv = jnp.where(deg > 0, 1.0 / jnp.sqrt(deg), 0.0)
    norm = dinv[s] * dinv[d]
    h = x @ W
    out = jnp.zeros((n, W.shape[1]), dtype=x.dtype).at[d].add(h[s] * norm[:, None])
    return out + b


def setup_inputs(seed: int = 0) -> dict:
    key = jax.random.key(seed)
    ks = jax.random.split(key, 25)
    r = lambda i, shape, scale=0.05: jax.random.normal(ks[i], shape, dtype=jnp.float32) * scale
    inp = {}
    inp['skill'] = jax.random.randint(ks[0], (B, L), 0, NUM_C)
    inp['answer'] = jax.random.randint(ks[1], (B, L), 0, 2)
    inp['k_emb'] = r(2, (NUM_C + 1, DIM_S))
    inp['v_emb'] = r(3, (2 * NUM_C + 1, DIM_S))
    inp['Mk'] = r(4, (SIZE_M, DIM_S), 0.1)
    inp['Mv0'] = r(5, (SIZE_M, DIM_S), 0.1)
    inp['pos'] = jax.random.uniform(ks[6], (500, 500, 1), dtype=jnp.float32)
    inp['gate_k_W'] = r(7, (1, 2 * DIM_S)); inp['gate_k_b'] = r(8, (1,))
    inp['gate_v_W'] = r(9, (1, 2 * DIM_S)); inp['gate_v_b'] = r(10, (1,))
    inp['f_W'] = r(11, (DIM_S, 2 * DIM_S)); inp['f_b'] = r(12, (DIM_S,))
    inp['p_W'] = r(13, (NUM_C, DIM_S)); inp['p_b'] = r(14, (NUM_C,))
    inp['e_W'] = r(15, (DIM_S, DIM_S)); inp['e_b'] = r(16, (DIM_S,))
    inp['a_W'] = r(17, (DIM_S, DIM_S)); inp['a_b'] = r(18, (DIM_S,))
    inp['gcn1_W'] = r(19, (DIM_S, 8), 0.1); inp['gcn1_b'] = r(20, (8,))
    inp['gcn2_W'] = r(21, (8, DIM_S), 0.1); inp['gcn2_b'] = r(22, (DIM_S,))
    return inp


def reference(skill, answer, k_emb, v_emb, Mk, Mv0, pos, gate_k_W, gate_k_b, gate_v_W, gate_v_b, f_W, f_b, p_W, p_b, e_W, e_b, a_W, a_b, gcn1_W, gcn1_b, gcn2_W, gcn2_b):
    Bsz, Ls = skill.shape
    src = skill[:, :-1]
    dst = skill[:, 1:]

    def per_batch(s, d):
        h = jax.nn.relu(_gcn_conv(k_emb, s, d, gcn1_W, gcn1_b))
        return _gcn_conv(h, s, d, gcn2_W, gcn2_b)

    all_stu_h = jax.vmap(per_batch)(src, dst)  # [B, NUM_C+1, DIM_S]
    idx = jnp.broadcast_to(skill[:, :, None], (Bsz, Ls, DIM_S))
    all_stu_h = jnp.take_along_axis(all_stu_h, idx, axis=1)  # [B, L, DIM_S]
    mask = (answer != 2).astype(jnp.float32)[:, :, None]
    all_stu_h = all_stu_h * mask
    eff_len = jnp.sum(mask, axis=1)[:, 0].astype(jnp.int32)  # [B]
    expand_pos = pos[eff_len - 1]  # [B, 500, 1]
    expand_pos = jax.nn.softmax(expand_pos * mask, axis=1)
    stu = jnp.sum(all_stu_h * expand_pos, axis=1)  # [B, DIM_S]
    stu = jnp.broadcast_to(stu[:, None, :], (Bsz, Ls, DIM_S))

    answer_x = jnp.where(answer == 2, 1, answer)
    x = skill + NUM_C * answer_x
    k = k_emb[skill]
    g = jax.nn.sigmoid(jnp.concatenate([stu, k], axis=-1) @ gate_k_W.T + gate_k_b)
    k = g * stu + (1.0 - g) * k
    v = v_emb[x]
    g = jax.nn.sigmoid(jnp.concatenate([stu, v], axis=-1) @ gate_v_W.T + gate_v_b)
    v = g * stu + (1.0 - g) * v

    w = jax.nn.softmax(k @ Mk.T, axis=-1)  # [B, L, SIZE_M]
    e = jax.nn.sigmoid(v @ e_W.T + e_b)
    a = jnp.tanh(v @ a_W.T + a_b)

    Mvt0 = jnp.broadcast_to(Mv0[None], (Bsz, SIZE_M, DIM_S)) + jnp.zeros((Bsz, SIZE_M, DIM_S), jnp.float32)

    def step(Mvt, inps):
        et, at, wt = inps
        new = Mvt * (1.0 - wt[:, :, None] * et[:, None, :]) + wt[:, :, None] * at[:, None, :]
        return new, Mvt  # collect state BEFORE update (== Mv[:, :-1] in torch)

    _, Mv_prev = jax.lax.scan(step, Mvt0, (e.transpose(1, 0, 2), a.transpose(1, 0, 2), w.transpose(1, 0, 2)))
    Mv_prev = Mv_prev.transpose(1, 0, 2, 3)  # [B, L, SIZE_M, DIM_S]
    read = jnp.sum(w[..., None] * Mv_prev, axis=-2)  # [B, L, DIM_S]

    f = jnp.tanh(jnp.concatenate([read, k], axis=-1) @ f_W.T + f_b)
    # dropout is identity at inference
    p = jax.nn.sigmoid(f @ p_W.T + p_b)  # [B, L, NUM_C]
    p = p[:, :-1, :]

    one_hot = jnp.concatenate([jnp.eye(NUM_C, dtype=p.dtype), jnp.zeros((1, NUM_C), dtype=p.dtype)], axis=0)
    ohs = one_hot[skill[:, 1:]]
    pred = jnp.sum(p * ohs, axis=-1)  # [B, L-1]
    return pred

if __name__ == "__main__":
    import jax
    _d = setup_inputs()
    print(jax.jit(kernel)(*tuple(_d.values())))

</pallas_src>

<mosaic_0001>
#map = affine_map<(d0, d1) -> (0, 0)>
#map1 = affine_map<(d0, d1) -> (0)>
module attributes {stable_mosaic.version = 14 : i64} {
  func.func @_sc_gather_body(%arg0: i32, %arg1: i32, %arg2: memref<10001x64xf32, #tpu.memory_space<hbm>>, %arg3: memref<20001x64xf32, #tpu.memory_space<hbm>>, %arg4: memref<10000x80xf32, #tpu.memory_space<hbm>>, %arg5: memref<4096xi32, #tpu.memory_space<hbm>>, %arg6: memref<4096xi32, #tpu.memory_space<hbm>>, %arg7: memref<4096xi32, #tpu.memory_space<hbm>>, %arg8: memref<4096x64xf32, #tpu.memory_space<hbm>>, %arg9: memref<4096x64xf32, #tpu.memory_space<hbm>>, %arg10: memref<4096x80xf32, #tpu.memory_space<hbm>>, %arg11: memref<128xi32, #tpu.memory_space<vmem>>, %arg12: memref<128xi32, #tpu.memory_space<vmem>>, %arg13: memref<128x64xf32, #tpu.memory_space<vmem>>, %arg14: memref<128x80xf32, #tpu.memory_space<vmem>>, %arg15: memref<!tpu.dma_semaphore, #tpu.memory_space<semaphore_mem>>) attributes {dimension_semantics = [#tpu.dimension_semantics<core_parallel>, #tpu.dimension_semantics<subcore_parallel>], iteration_bounds = array<i64: 2, 16>, scalar_prefetch = 0 : i64, scratch_operands = 5 : i64, tpu.core_type = #tpu.core_type<sc_vector_subcore>, window_params = [{transform_indices = #map}, {transform_indices = #map}, {transform_indices = #map}, {transform_indices = #map1}, {transform_indices = #map1}, {transform_indices = #map1}, {transform_indices = #map}, {transform_indices = #map}, {transform_indices = #map}]} {
    %mul3A = arith.constant 2 : i32
    %mul3A_0 = arith.muli %arg1, %mul3A : i32
    %add3A = arith.addi %mul3A_0, %arg0 : i32
    %mul3A_1 = arith.constant 128 : i32
    %mul3A_2 = arith.muli %add3A, %mul3A_1 : i32
    "tpu.region"() ({
      %run_scoped3A = tpu.sem_alloc : memref<!tpu.dma_semaphore, #tpu.memory_space<semaphore_mem>>
      %dma_start3A_129 = tpu.memref_slice %arg5[%mul3A_2] : memref<4096xi32, #tpu.memory_space<hbm>> -> memref<128xi32, #tpu.memory_space<hbm>>
      %dma_start3A_130 = tpu.memref_slice %arg5[%mul3A_2] : memref<4096xi32, #tpu.memory_space<hbm>> -> memref<128xi32, #tpu.memory_space<hbm>>
      tpu.enqueue_dma source(%dma_start3A_130 : memref<128xi32, #tpu.memory_space<hbm>>) target(%arg11 : memref<128xi32, #tpu.memory_space<vmem>>) target_semaphore(%run_scoped3A : memref<!tpu.dma_semaphore, #tpu.memory_space<semaphore_mem>>)
      %dma_wait3A_131 = tpu.memref_slice %arg5[%mul3A_2] : memref<4096xi32, #tpu.memory_space<hbm>> -> memref<128xi32, #tpu.memory_space<hbm>>
      %dma_wait3A_132 = tpu.memref_slice %arg5[%mul3A_2] : memref<4096xi32, #tpu.memory_space<hbm>> -> memref<128xi32, #tpu.memory_space<hbm>>
      tpu.wait_dma2 semaphore(%run_scoped3A : memref<!tpu.dma_semaphore, #tpu.memory_space<semaphore_mem>>) src(%dma_wait3A_132 : memref<128xi32, #tpu.memory_space<hbm>>) dst(%arg11 : memref<128xi32, #tpu.memory_space<vmem>>)
      tpu.yield
    }) : () -> ()
    %dma_start3A = arith.constant 0 : i32
    %dma_start3A_3 = arith.constant 0 : i32
    %dma_start3A_4 = tpu.memref_slice %arg2[%dma_start3A, %dma_start3A_3] : memref<10001x64xf32, #tpu.memory_space<hbm>> -> memref<10001x64xf32, #tpu.memory_space<hbm>>
    tpu.enqueue_indirect_dma source(%dma_start3A_4 : memref<10001x64xf32, #tpu.memory_space<hbm>>) target(%arg13 : memref<128x64xf32, #tpu.memory_space<vmem>>) offsets(%arg11 : memref<128xi32, #tpu.memory_space<vmem>>) semaphore(%arg15 : memref<!tpu.dma_semaphore, #tpu.memory_space<semaphore_mem>>)
    %dma_wait3A = arith.constant 0 : i32
    %dma_wait3A_5 = arith.constant 0 : i32
    %dma_wait3A_6 = tpu.memref_slice %arg2[%dma_wait3A, %dma_wait3A_5] : memref<10001x64xf32, #tpu.memory_space<hbm>> -> memref<10001x64xf32, #tpu.memory_space<hbm>>
    tpu.wait_indirect_dma semaphore(%arg15 : memref<!tpu.dma_semaphore, #tpu.memory_space<semaphore_mem>>) src(%dma_wait3A_6 : memref<10001x64xf32, #tpu.memory_space<hbm>>) dst(%arg13 : memref<128x64xf32, #tpu.memory_space<vmem>>)
    "tpu.region"() ({
      %run_scoped3A = tpu.sem_alloc : memref<!tpu.dma_semaphore, #tpu.memory_space<semaphore_mem>>
      %dma_start3A_129 = arith.constant 0 : i32
      %dma_start3A_130 = tpu.memref_slice %arg8[%mul3A_2, %dma_start3A_129] : memref<4096x64xf32, #tpu.memory_space<hbm>> -> memref<128x64xf32, #tpu.memory_space<hbm>>
      %dma_start3A_131 = arith.constant 0 : i32
      %dma_start3A_132 = tpu.memref_slice %arg8[%mul3A_2, %dma_start3A_131] : memref<4096x64xf32, #tpu.memory_space<hbm>> -> memref<128x64xf32, #tpu.memory_space<hbm>>
      tpu.enqueue_dma source(%arg13 : memref<128x64xf32, #tpu.memory_space<vmem>>) target(%dma_start3A_132 : memref<128x64xf32, #tpu.memory_space<hbm>>) target_semaphore(%run_scoped3A : memref<!tpu.dma_semaphore, #tpu.memory_space<semaphore_mem>>)
      %dma_wait3A_133 = arith.constant 0 : i32
      %dma_wait3A_134 = tpu.memref_slice %arg8[%mul3A_2, %dma_wait3A_133] : memref<4096x64xf32, #tpu.memory_space<hbm>> -> memref<128x64xf32, #tpu.memory_space<hbm>>
      %dma_wait3A_135 = arith.constant 0 : i32
      %dma_wait3A_136 = tpu.memref_slice %arg8[%mul3A_2, %dma_wait3A_135] : memref<4096x64xf32, #tpu.memory_space<hbm>> -> memref<128x64xf32, #tpu.memory_space<hbm>>
      tpu.wait_dma2 semaphore(%run_scoped3A : memref<!tpu.dma_semaphore, #tpu.memory_space<semaphore_mem>>) src(%arg13 : memref<128x64xf32, #tpu.memory_space<vmem>>) dst(%dma_wait3A_136 : memref<128x64xf32, #tpu.memory_space<hbm>>)
      tpu.yield
    }) : () -> ()
    "tpu.region"() ({
      %run_scoped3A = tpu.sem_alloc : memref<!tpu.dma_semaphore, #tpu.memory_space<semaphore_mem>>
      %dma_start3A_129 = tpu.memref_slice %arg6[%mul3A_2] : memref<4096xi32, #tpu.memory_space<hbm>> -> memref<128xi32, #tpu.memory_space<hbm>>
      %dma_start3A_130 = tpu.memref_slice %arg6[%mul3A_2] : memref<4096xi32, #tpu.memory_space<hbm>> -> memref<128xi32, #tpu.memory_space<hbm>>
      tpu.enqueue_dma source(%dma_start3A_130 : memref<128xi32, #tpu.memory_space<hbm>>) target(%arg12 : memref<128xi32, #tpu.memory_space<vmem>>) target_semaphore(%run_scoped3A : memref<!tpu.dma_semaphore, #tpu.memory_space<semaphore_mem>>)
      %dma_wait3A_131 = tpu.memref_slice %arg6[%mul3A_2] : memref<4096xi32, #tpu.memory_space<hbm>> -> memref<128xi32, #tpu.memory_space<hbm>>
      %dma_wait3A_132 = tpu.memref_slice %arg6[%mul3A_2] : memref<4096xi32, #tpu.memory_space<hbm>> -> memref<128xi32, #tpu.memory_space<hbm>>
      tpu.wait_dma2 semaphore(%run_scoped3A : memref<!tpu.dma_semaphore, #tpu.memory_space<semaphore_mem>>) src(%dma_wait3A_132 : memref<128xi32, #tpu.memory_space<hbm>>) dst(%arg12 : memref<128xi32, #tpu.memory_space<vmem>>)
      tpu.yield
    }) : () -> ()
    %get3A = arith.constant 0 : index
    %get3A_7 = tpu.vector_load %arg11[%get3A] {strides = array<i32>} : memref<128xi32, #tpu.memory_space<vmem>>, vector<16xi32>,
    %get3A_8 = vector.shape_cast %get3A_7 : vector<16xi32> to vector<16xi32>
    %get3A_9 = arith.constant 0 : index
    %get3A_10 = tpu.vector_load %arg12[%get3A_9] {strides = array<i32>} : memref<128xi32, #tpu.memory_space<vmem>>, vector<16xi32>,
    %get3A_11 = vector.shape_cast %get3A_10 : vector<16xi32> to vector<16xi32>
    %mul3A_12 = arith.constant 10000 : i32
    %mul3A_13 = vector.broadcast %mul3A_12 : i32 to vector<16xi32>
    %mul3A_14 = arith.muli %mul3A_13, %get3A_11 : vector<16xi32>
    %add3A_15 = arith.addi %get3A_8, %mul3A_14 : vector<16xi32>
    %swap3A = arith.constant 0 : index
    %swap3A_16 = tpu.vector_load %arg12[%swap3A] {strides = array<i32>} : memref<128xi32, #tpu.memory_space<vmem>>, vector<16xi32>,
    %swap3A_17 = vector.shape_cast %swap3A_16 : vector<16xi32> to vector<16xi32>
    %swap3A_18 = vector.shape_cast %add3A_15 : vector<16xi32> to vector<16xi32>
    tpu.vector_store %arg12[%swap3A], %swap3A_18 {strides = array<i32>} : memref<128xi32, #tpu.memory_space<vmem>>, vector<16xi32>,
    %get3A_19 = arith.constant 16 : index
    %get3A_20 = tpu.vector_load %arg11[%get3A_19] {strides = array<i32>} : memref<128xi32, #tpu.memory_space<vmem>>, vector<16xi32>,
    %get3A_21 = vector.shape_cast %get3A_20 : vector<16xi32> to vector<16xi32>
    %get3A_22 = arith.constant 16 : index
    %get3A_23 = tpu.vector_load %arg12[%get3A_22] {strides = array<i32>} : memref<128xi32, #tpu.memory_space<vmem>>, vector<16xi32>,
    %get3A_24 = vector.shape_cast %get3A_23 : vector<16xi32> to vector<16xi32>
    %mul3A_25 = arith.constant 10000 : i32
    %mul3A_26 = vector.broadcast %mul3A_25 : i32 to vector<16xi32>
    %mul3A_27 = arith.muli %mul3A_26, %get3A_24 : vector<16xi32>
    %add3A_28 = arith.addi %get3A_21, %mul3A_27 : vector<16xi32>
    %swap3A_29 = arith.constant 16 : index
    %swap3A_30 = tpu.vector_load %arg12[%swap3A_29] {strides = array<i32>} : memref<128xi32, #tpu.memory_space<vmem>>, vector<16xi32>,
    %swap3A_31 = vector.shape_cast %swap3A_30 : vector<16xi32> to vector<16xi32>
    %swap3A_32 = vector.shape_cast %add3A_28 : vector<16xi32> to vector<16xi32>
    tpu.vector_store %arg12[%swap3A_29], %swap3A_32 {strides = array<i32>} : memref<128xi32, #tpu.memory_space<vmem>>, vector<16xi32>,
    %get3A_33 = arith.constant 32 : index
    %get3A_34 = tpu.vector_load %arg11[%get3A_33] {strides = array<i32>} : memref<128xi32, #tpu.memory_space<vmem>>, vector<16xi32>,
    %get3A_35 = vector.shape_cast %get3A_34 : vector<16xi32> to vector<16xi32>
    %get3A_36 = arith.constant 32 : index
    %get3A_37 = tpu.vector_load %arg12[%get3A_36] {strides = array<i32>} : memref<128xi32, #tpu.memory_space<vmem>>, vector<16xi32>,
    %get3A_38 = vector.shape_cast %get3A_37 : vector<16xi32> to vector<16xi32>
    %mul3A_39 = arith.constant 10000 : i32
    %mul3A_40 = vector.broadcast %mul3A_39 : i32 to vector<16xi32>
    %mul3A_41 = arith.muli %mul3A_40, %get3A_38 : vector<16xi32>
    %add3A_42 = arith.addi %get3A_35, %mul3A_41 : vector<16xi32>
    %swap3A_43 = arith.constant 32 : index
    %swap3A_44 = tpu.vector_load %arg12[%swap3A_43] {strides = array<i32>} : memref<128xi32, #tpu.memory_space<vmem>>, vector<16xi32>,
    %swap3A_45 = vector.shape_cast %swap3A_44 : vector<16xi32> to vector<16xi32>
    %swap3A_46 = vector.shape_cast %add3A_42 : vector<16xi32> to vector<16xi32>
    tpu.vector_store %arg12[%swap3A_43], %swap3A_46 {strides = array<i32>} : memref<128xi32, #tpu.memory_space<vmem>>, vector<16xi32>,
    %get3A_47 = arith.constant 48 : index
    %get3A_48 = tpu.vector_load %arg11[%get3A_47] {strides = array<i32>} : memref<128xi32, #tpu.memory_space<vmem>>, vector<16xi32>,
    %get3A_49 = vector.shape_cast %get3A_48 : vector<16xi32> to vector<16xi32>
    %get3A_50 = arith.constant 48 : index
    %get3A_51 = tpu.vector_load %arg12[%get3A_50] {strides = array<i32>} : memref<128xi32, #tpu.memory_space<vmem>>, vector<16xi32>,
    %get3A_52 = vector.shape_cast %get3A_51 : vector<16xi32> to vector<16xi32>
    %mul3A_53 = arith.constant 10000 : i32
    %mul3A_54 = vector.broadcast %mul3A_53 : i32 to vector<16xi32>
    %mul3A_55 = arith.muli %mul3A_54, %get3A_52 : vector<16xi32>
    %add3A_56 = arith.addi %get3A_49, %mul3A_55 : vector<16xi32>
    %swap3A_57 = arith.constant 48 : index
    %swap3A_58 = tpu.vector_load %arg12[%swap3A_57] {strides = array<i32>} : memref<128xi32, #tpu.memory_space<vmem>>, vector<16xi32>,
    %swap3A_59 = vector.shape_cast %swap3A_58 : vector<16xi32> to vector<16xi32>
    %swap3A_60 = vector.shape_cast %add3A_56 : vector<16xi32> to vector<16xi32>
    tpu.vector_store %arg12[%swap3A_57], %swap3A_60 {strides = array<i32>} : memref<128xi32, #tpu.memory_space<vmem>>, vector<16xi32>,
    %get3A_61 = arith.constant 64 : index
    %get3A_62 = tpu.vector_load %arg11[%get3A_61] {strides = array<i32>} : memref<128xi32, #tpu.memory_space<vmem>>, vector<16xi32>,
    %get3A_63 = vector.shape_cast %get3A_62 : vector<16xi32> to vector<16xi32>
    %get3A_64 = arith.constant 64 : index
    %get3A_65 = tpu.vector_load %arg12[%get3A_64] {strides = array<i32>} : memref<128xi32, #tpu.memory_space<vmem>>, vector<16xi32>,
    %get3A_66 = vector.shape_cast %get3A_65 : vector<16xi32> to vector<16xi32>
    %mul3A_67 = arith.constant 10000 : i32
    %mul3A_68 = vector.broadcast %mul3A_67 : i32 to vector<16xi32>
    %mul3A_69 = arith.muli %mul3A_68, %get3A_66 : vector<16xi32>
    %add3A_70 = arith.addi %get3A_63, %mul3A_69 : vector<16xi32>
    %swap3A_71 = arith.constant 64 : index
    %swap3A_72 = tpu.vector_load %arg12[%swap3A_71] {strides = array<i32>} : memref<128xi32, #tpu.memory_space<vmem>>, vector<16xi32>,
    %swap3A_73 = vector.shape_cast %swap3A_72 : vector<16xi32> to vector<16xi32>
    %swap3A_74 = vector.shape_cast %add3A_70 : vector<16xi32> to vector<16xi32>
    tpu.vector_store %arg12[%swap3A_71], %swap3A_74 {strides = array<i32>} : memref<128xi32, #tpu.memory_space<vmem>>, vector<16xi32>,
    %get3A_75 = arith.constant 80 : index
    %get3A_76 = tpu.vector_load %arg11[%get3A_75] {strides = array<i32>} : memref<128xi32, #tpu.memory_space<vmem>>, vector<16xi32>,
    %get3A_77 = vector.shape_cast %get3A_76 : vector<16xi32> to vector<16xi32>
    %get3A_78 = arith.constant 80 : index
    %get3A_79 = tpu.vector_load %arg12[%get3A_78] {strides = array<i32>} : memref<128xi32, #tpu.memory_space<vmem>>, vector<16xi32>,
    %get3A_80 = vector.shape_cast %get3A_79 : vector<16xi32> to vector<16xi32>
    %mul3A_81 = arith.constant 10000 : i32
    %mul3A_82 = vector.broadcast %mul3A_81 : i32 to vector<16xi32>
    %mul3A_83 = arith.muli %mul3A_82, %get3A_80 : vector<16xi32>
    %add3A_84 = arith.addi %get3A_77, %mul3A_83 : vector<16xi32>
    %swap3A_85 = arith.constant 80 : index
    %swap3A_86 = tpu.vector_load %arg12[%swap3A_85] {strides = array<i32>} : memref<128xi32, #tpu.memory_space<vmem>>, vector<16xi32>,
    %swap3A_87 = vector.shape_cast %swap3A_86 : vector<16xi32> to vector<16xi32>
    %swap3A_88 = vector.shape_cast %add3A_84 : vector<16xi32> to vector<16xi32>
    tpu.vector_store %arg12[%swap3A_85], %swap3A_88 {strides = array<i32>} : memref<128xi32, #tpu.memory_space<vmem>>, vector<16xi32>,
    %get3A_89 = arith.constant 96 : index
    %get3A_90 = tpu.vector_load %arg11[%get3A_89] {strides = array<i32>} : memref<128xi32, #tpu.memory_space<vmem>>, vector<16xi32>,
    %get3A_91 = vector.shape_cast %get3A_90 : vector<16xi32> to vector<16xi32>
    %get3A_92 = arith.constant 96 : index
    %get3A_93 = tpu.vector_load %arg12[%get3A_92] {strides = array<i32>} : memref<128xi32, #tpu.memory_space<vmem>>, vector<16xi32>,
    %get3A_94 = vector.shape_cast %get3A_93 : vector<16xi32> to vector<16xi32>
    %mul3A_95 = arith.constant 10000 : i32
    %mul3A_96 = vector.broadcast %mul3A_95 : i32 to vector<16xi32>
    %mul3A_97 = arith.muli %mul3A_96, %get3A_94 : vector<16xi32>
    %add3A_98 = arith.addi %get3A_91, %mul3A_97 : vector<16xi32>
    %swap3A_99 = arith.constant 96 : index
    %swap3A_100 = tpu.vector_load %arg12[%swap3A_99] {strides = array<i32>} : memref<128xi32, #tpu.memory_space<vmem>>, vector<16xi32>,
    %swap3A_101 = vector.shape_cast %swap3A_100 : vector<16xi32> to vector<16xi32>
    %swap3A_102 = vector.shape_cast %add3A_98 : vector<16xi32> to vector<16xi32>
    tpu.vector_store %arg12[%swap3A_99], %swap3A_102 {strides = array<i32>} : memref<128xi32, #tpu.memory_space<vmem>>, vector<16xi32>,
    %get3A_103 = arith.constant 112 : index
    %get3A_104 = tpu.vector_load %arg11[%get3A_103] {strides = array<i32>} : memref<128xi32, #tpu.memory_space<vmem>>, vector<16xi32>,
    %get3A_105 = vector.shape_cast %get3A_104 : vector<16xi32> to vector<16xi32>
    %get3A_106 = arith.constant 112 : index
    %get3A_107 = tpu.vector_load %arg12[%get3A_106] {strides = array<i32>} : memref<128xi32, #tpu.memory_space<vmem>>, vector<16xi32>,
    %get3A_108 = vector.shape_cast %get3A_107 : vector<16xi32> to vector<16xi32>
    %mul3A_109 = arith.constant 10000 : i32
    %mul3A_110 = vector.broadcast %mul3A_109 : i32 to vector<16xi32>
    %mul3A_111 = arith.muli %mul3A_110, %get3A_108 : vector<16xi32>
    %add3A_112 = arith.addi %get3A_105, %mul3A_111 : vector<16xi32>
    %swap3A_113 = arith.constant 112 : index
    %swap3A_114 = tpu.vector_load %arg12[%swap3A_113] {strides = array<i32>} : memref<128xi32, #tpu.memory_space<vmem>>, vector<16xi32>,
    %swap3A_115 = vector.shape_cast %swap3A_114 : vector<16xi32> to vector<16xi32>
    %swap3A_116 = vector.shape_cast %add3A_112 : vector<16xi32> to vector<16xi32>
    tpu.vector_store %arg12[%swap3A_113], %swap3A_116 {strides = array<i32>} : memref<128xi32, #tpu.memory_space<vmem>>, vector<16xi32>,
    %dma_start3A_117 = arith.constant 0 : i32
    %dma_start3A_118 = arith.constant 0 : i32
    %dma_start3A_119 = tpu.memref_slice %arg3[%dma_start3A_117, %dma_start3A_118] : memref<20001x64xf32, #tpu.memory_space<hbm>> -> memref<20001x64xf32, #tpu.memory_space<hbm>>
    tpu.enqueue_indirect_dma source(%dma_start3A_119 : memref<20001x64xf32, #tpu.memory_space<hbm>>) target(%arg13 : memref<128x64xf32, #tpu.memory_space<vmem>>) offsets(%arg12 : memref<128xi32, #tpu.memory_space<vmem>>) semaphore(%arg15 : memref<!tpu.dma_semaphore, #tpu.memory_space<semaphore_mem>>)
    %dma_wait3A_120 = arith.constant 0 : i32
    %dma_wait3A_121 = arith.constant 0 : i32
    %dma_wait3A_122 = tpu.memref_slice %arg3[%dma_wait3A_120, %dma_wait3A_121] : memref<20001x64xf32, #tpu.memory_space<hbm>> -> memref<20001x64xf32, #tpu.memory_space<hbm>>
    tpu.wait_indirect_dma semaphore(%arg15 : memref<!tpu.dma_semaphore, #tpu.memory_space<semaphore_mem>>) src(%dma_wait3A_122 : memref<20001x64xf32, #tpu.memory_space<hbm>>) dst(%arg13 : memref<128x64xf32, #tpu.memory_space<vmem>>)
    "tpu.region"() ({
      %run_scoped3A = tpu.sem_alloc : memref<!tpu.dma_semaphore, #tpu.memory_space<semaphore_mem>>
      %dma_start3A_129 = arith.constant 0 : i32
      %dma_start3A_130 = tpu.memref_slice %arg9[%mul3A_2, %dma_start3A_129] : memref<4096x64xf32, #tpu.memory_space<hbm>> -> memref<128x64xf32, #tpu.memory_space<hbm>>
      %dma_start3A_131 = arith.constant 0 : i32
      %dma_start3A_132 = tpu.memref_slice %arg9[%mul3A_2, %dma_start3A_131] : memref<4096x64xf32, #tpu.memory_space<hbm>> -> memref<128x64xf32, #tpu.memory_space<hbm>>
      tpu.enqueue_dma source(%arg13 : memref<128x64xf32, #tpu.memory_space<vmem>>) target(%dma_start3A_132 : memref<128x64xf32, #tpu.memory_space<hbm>>) target_semaphore(%run_scoped3A : memref<!tpu.dma_semaphore, #tpu.memory_space<semaphore_mem>>)
      %dma_wait3A_133 = arith.constant 0 : i32
      %dma_wait3A_134 = tpu.memref_slice %arg9[%mul3A_2, %dma_wait3A_133] : memref<4096x64xf32, #tpu.memory_space<hbm>> -> memref<128x64xf32, #tpu.memory_space<hbm>>
      %dma_wait3A_135 = arith.constant 0 : i32
      %dma_wait3A_136 = tpu.memref_slice %arg9[%mul3A_2, %dma_wait3A_135] : memref<4096x64xf32, #tpu.memory_space<hbm>> -> memref<128x64xf32, #tpu.memory_space<hbm>>
      tpu.wait_dma2 semaphore(%run_scoped3A : memref<!tpu.dma_semaphore, #tpu.memory_space<semaphore_mem>>) src(%arg13 : memref<128x64xf32, #tpu.memory_space<vmem>>) dst(%dma_wait3A_136 : memref<128x64xf32, #tpu.memory_space<hbm>>)
      tpu.yield
    }) : () -> ()
    "tpu.region"() ({
      %run_scoped3A = tpu.sem_alloc : memref<!tpu.dma_semaphore, #tpu.memory_space<semaphore_mem>>
      %dma_start3A_129 = tpu.memref_slice %arg7[%mul3A_2] : memref<4096xi32, #tpu.memory_space<hbm>> -> memref<128xi32, #tpu.memory_space<hbm>>
      %dma_start3A_130 = tpu.memref_slice %arg7[%mul3A_2] : memref<4096xi32, #tpu.memory_space<hbm>> -> memref<128xi32, #tpu.memory_space<hbm>>
      tpu.enqueue_dma source(%dma_start3A_130 : memref<128xi32, #tpu.memory_space<hbm>>) target(%arg11 : memref<128xi32, #tpu.memory_space<vmem>>) target_semaphore(%run_scoped3A : memref<!tpu.dma_semaphore, #tpu.memory_space<semaphore_mem>>)
      %dma_wait3A_131 = tpu.memref_slice %arg7[%mul3A_2] : memref<4096xi32, #tpu.memory_space<hbm>> -> memref<128xi32, #tpu.memory_space<hbm>>
      %dma_wait3A_132 = tpu.memref_slice %arg7[%mul3A_2] : memref<4096xi32, #tpu.memory_space<hbm>> -> memref<128xi32, #tpu.memory_space<hbm>>
      tpu.wait_dma2 semaphore(%run_scoped3A : memref<!tpu.dma_semaphore, #tpu.memory_space<semaphore_mem>>) src(%dma_wait3A_132 : memref<128xi32, #tpu.memory_space<hbm>>) dst(%arg11 : memref<128xi32, #tpu.memory_space<vmem>>)
      tpu.yield
    }) : () -> ()
    %dma_start3A_123 = arith.constant 0 : i32
    %dma_start3A_124 = arith.constant 0 : i32
    %dma_start3A_125 = tpu.memref_slice %arg4[%dma_start3A_123, %dma_start3A_124] : memref<10000x80xf32, #tpu.memory_space<hbm>> -> memref<10000x80xf32, #tpu.memory_space<hbm>>
    tpu.enqueue_indirect_dma source(%dma_start3A_125 : memref<10000x80xf32, #tpu.memory_space<hbm>>) target(%arg14 : memref<128x80xf32, #tpu.memory_space<vmem>>) offsets(%arg11 : memref<128xi32, #tpu.memory_space<vmem>>) semaphore(%arg15 : memref<!tpu.dma_semaphore, #tpu.memory_space<semaphore_mem>>)
    %dma_wait3A_126 = arith.constant 0 : i32
    %dma_wait3A_127 = arith.constant 0 : i32
    %dma_wait3A_128 = tpu.memref_slice %arg4[%dma_wait3A_126, %dma_wait3A_127] : memref<10000x80xf32, #tpu.memory_space<hbm>> -> memref<10000x80xf32, #tpu.memory_space<hbm>>
    tpu.wait_indirect_dma semaphore(%arg15 : memref<!tpu.dma_semaphore, #tpu.memory_space<semaphore_mem>>) src(%dma_wait3A_128 : memref<10000x80xf32, #tpu.memory_space<hbm>>) dst(%arg14 : memref<128x80xf32, #tpu.memory_space<vmem>>)
    "tpu.region"() ({
      %run_scoped3A = tpu.sem_alloc : memref<!tpu.dma_semaphore, #tpu.memory_space<semaphore_mem>>
      %dma_start3A_129 = arith.constant 0 : i32
      %dma_start3A_130 = tpu.memref_slice %arg10[%mul3A_2, %dma_start3A_129] : memref<4096x80xf32, #tpu.memory_space<hbm>> -> memref<128x80xf32, #tpu.memory_space<hbm>>
      %dma_start3A_131 = arith.constant 0 : i32
      %dma_start3A_132 = tpu.memref_slice %arg10[%mul3A_2, %dma_start3A_131] : memref<4096x80xf32, #tpu.memory_space<hbm>> -> memref<128x80xf32, #tpu.memory_space<hbm>>
      tpu.enqueue_dma source(%arg14 : memref<128x80xf32, #tpu.memory_space<vmem>>) target(%dma_start3A_132 : memref<128x80xf32, #tpu.memory_space<hbm>>) target_semaphore(%run_scoped3A : memref<!tpu.dma_semaphore, #tpu.memory_space<semaphore_mem>>)
      %dma_wait3A_133 = arith.constant 0 : i32
      %dma_wait3A_134 = tpu.memref_slice %arg10[%mul3A_2, %dma_wait3A_133] : memref<4096x80xf32, #tpu.memory_space<hbm>> -> memref<128x80xf32, #tpu.memory_space<hbm>>
      %dma_wait3A_135 = arith.constant 0 : i32
      %dma_wait3A_136 = tpu.memref_slice %arg10[%mul3A_2, %dma_wait3A_135] : memref<4096x80xf32, #tpu.memory_space<hbm>> -> memref<128x80xf32, #tpu.memory_space<hbm>>
      tpu.wait_dma2 semaphore(%run_scoped3A : memref<!tpu.dma_semaphore, #tpu.memory_space<semaphore_mem>>) src(%arg14 : memref<128x80xf32, #tpu.memory_space<vmem>>) dst(%dma_wait3A_136 : memref<128x80xf32, #tpu.memory_space<hbm>>)
      tpu.yield
    }) : () -> ()
    return
  }
}

module attributes {stable_mosaic.version = 14 : i64} {
  func.func @_tc_body(%arg0: memref<500x8xi32, #tpu.memory_space<vmem>>, %arg1: memref<8x499xi32, #tpu.memory_space<vmem>>, %arg2: memref<500x8x64xf32, #tpu.memory_space<vmem>>, %arg3: memref<500x8x64xf32, #tpu.memory_space<vmem>>, %arg4: memref<499x8x64xf32, #tpu.memory_space<vmem>>, %arg5: memref<499x8xf32, #tpu.memory_space<vmem>>, %arg6: memref<500x1xf32, #tpu.memory_space<vmem>>, %arg7: memref<64x50xf32, #tpu.memory_space<vmem>>, %arg8: memref<50x64xf32, #tpu.memory_space<vmem>>, %arg9: memref<64x8xf32, #tpu.memory_space<vmem>>, %arg10: memref<8x64xf32, #tpu.memory_space<vmem>>, %arg11: memref<64x64xf32, #tpu.memory_space<vmem>>, %arg12: memref<1x64xf32, #tpu.memory_space<vmem>>, %arg13: memref<64x64xf32, #tpu.memory_space<vmem>>, %arg14: memref<1x64xf32, #tpu.memory_space<vmem>>, %arg15: memref<64x64xf32, #tpu.memory_space<vmem>>, %arg16: memref<64x64xf32, #tpu.memory_space<vmem>>, %arg17: memref<1x64xf32, #tpu.memory_space<vmem>>, %arg18: memref<1x64xf32, #tpu.memory_space<vmem>>, %arg19: memref<64x1xf32, #tpu.memory_space<vmem>>, %arg20: memref<1x1xf32, #tpu.memory_space<vmem>>, %arg21: memref<1x64xf32, #tpu.memory_space<vmem>>, %arg22: memref<64x1xf32, #tpu.memory_space<vmem>>, %arg23: memref<1x1xf32, #tpu.memory_space<vmem>>, %arg24: memref<1x8xf32, #tpu.memory_space<vmem>>, %arg25: memref<1x64xf32, #tpu.memory_space<vmem>>, %arg26: memref<499x8xf32, #tpu.memory_space<vmem>>, %arg27: memref<500x8x50xf32, #tpu.memory_space<vmem>>, %arg28: memref<500x8x64xf32, #tpu.memory_space<vmem>>, %arg29: memref<500x8x64xf32, #tpu.memory_space<vmem>>, %arg30: memref<500x8x64xf32, #tpu.memory_space<vmem>>, %arg31: memref<499x8x64xf32, #tpu.memory_space<vmem>>) attributes {dimension_semantics = [], scalar_prefetch = 0 : i64, scratch_operands = 5 : i64, tpu.core_type = #tpu.core_type<tc>} {
    %get3A = arith.constant 0 : index
    %get3A_0 = arith.constant 0 : index
    %get3A_1 = vector.load %arg6[%get3A, %get3A_0] : memref<500x1xf32, #tpu.memory_space<vmem>>, vector<500x1xf32>
    %reduce_max3A = arith.constant dense<0xFF800000> : vector<1xf32>
    %reduce_max3A_2 = vector.multi_reduction <maximumf>, %get3A_1, %reduce_max3A [0] : vector<500x1xf32> to vector<1xf32>
    %broadcast_in_dim3A = vector.shape_cast %reduce_max3A_2 : vector<1xf32> to vector<1x1xf32>
    %sub3A = vector.broadcast %broadcast_in_dim3A : vector<1x1xf32> to vector<500x1xf32>
    %sub3A_3 = arith.subf %get3A_1, %sub3A : vector<500x1xf32>
    %exp3A = math.exp %sub3A_3 : vector<500x1xf32>
    %reduce_sum3A = arith.constant dense<0.000000e+00> : vector<1xf32>
    %reduce_sum3A_4 = vector.multi_reduction <add>, %exp3A, %reduce_sum3A [0] : vector<500x1xf32> to vector<1xf32>
    %broadcast_in_dim3A_5 = vector.shape_cast %reduce_sum3A_4 : vector<1xf32> to vector<1x1xf32>
    %div3A = vector.broadcast %broadcast_in_dim3A_5 : vector<1x1xf32> to vector<500x1xf32>
    %div3A_6 = arith.divf %exp3A, %div3A : vector<500x1xf32>
    %get3A_7 = arith.constant 0 : index
    %get3A_8 = arith.constant 0 : index
    %get3A_9 = vector.load %arg0[%get3A_7, %get3A_8] : memref<500x8xi32, #tpu.memory_space<vmem>>, vector<500x1xi32>
    %get3A_10 = arith.constant 0 : index
    %get3A_11 = arith.constant 0 : index
    %get3A_12 = vector.load %arg1[%get3A_10, %get3A_11] : memref<8x499xi32, #tpu.memory_space<vmem>>, vector<1x499xi32>
    %eq3A = vector.broadcast %get3A_9 : vector<500x1xi32> to vector<500x499xi32>
    %eq3A_13 = vector.broadcast %get3A_12 : vector<1x499xi32> to vector<500x499xi32>
    %eq3A_14 = arith.cmpi eq, %eq3A, %eq3A_13 : vector<500x499xi32>
    %convert_element_type3A = arith.extui %eq3A_14 : vector<500x499xi1> to vector<500x499xi32>
    %convert_element_type3A_15 = arith.sitofp %convert_element_type3A : vector<500x499xi32> to vector<500x499xf32>
    %reduce_sum3A_16 = arith.constant dense<0.000000e+00> : vector<500xf32>
    %reduce_sum3A_17 = vector.multi_reduction <add>, %convert_element_type3A_15, %reduce_sum3A_16 [1] : vector<500x499xf32> to vector<500xf32>
    %broadcast_in_dim3A_18 = vector.shape_cast %reduce_sum3A_17 : vector<500xf32> to vector<500x1xf32>
    %add3A = arith.constant 1.000000e+00 : f32
    %add3A_19 = vector.broadcast %add3A : f32 to vector<500x1xf32>
    %add3A_20 = arith.addf %add3A_19, %broadcast_in_dim3A_18 : vector<500x1xf32>
    %rsqrt3A = math.rsqrt %add3A_20 : vector<500x1xf32>
    %mul3A = arith.mulf %rsqrt3A, %rsqrt3A : vector<500x1xf32>
    %slice3A = vector.extract_strided_slice %rsqrt3A {offsets = [0, 0], sizes = [499, 1], strides = [1, 1]} : vector<500x1xf32> to vector<499x1xf32>
    %slice3A_21 = vector.extract_strided_slice %rsqrt3A {offsets = [1, 0], sizes = [499, 1], strides = [1, 1]} : vector<500x1xf32> to vector<499x1xf32>
    %mul3A_22 = arith.mulf %slice3A, %slice3A_21 : vector<499x1xf32>
    %get3A_23 = arith.constant 0 : index
    %get3A_24 = arith.constant 0 : index
    %get3A_25 = arith.constant 0 : index
    %get3A_26 = vector.load %arg2[%get3A_23, %get3A_24, %get3A_25] : memref<500x8x64xf32, #tpu.memory_space<vmem>>, vector<500x1x64xf32>
    %get3A_27 = vector.shape_cast %get3A_26 : vector<500x1x64xf32> to vector<500x64xf32>
    %get3A_28 = arith.constant 0 : index
    %get3A_29 = arith.constant 0 : index
    %get3A_30 = vector.load %arg9[%get3A_28, %get3A_29] : memref<64x8xf32, #tpu.memory_space<vmem>>, vector<64x8xf32>
    %dot_general3A = arith.constant dense<0.000000e+00> : vector<500x8xf32>
    %dot_general3A_31 = tpu.matmul %get3A_27, %get3A_30, %dot_general3A {dimension_numbers = #tpu.dot_dimension_numbers<[1], [0], [0], [1], [0, 0, 1, 1], [], []>, transpose_lhs_hint = false} : vector<500x64xf32>, vector<64x8xf32>, vector<500x8xf32> -> vector<500x8xf32>
    %slice3A_32 = vector.extract_strided_slice %dot_general3A_31 {offsets = [0, 0], sizes = [499, 8], strides = [1, 1]} : vector<500x8xf32> to vector<499x8xf32>
    %mul3A_33 = vector.broadcast %mul3A_22 : vector<499x1xf32> to vector<499x8xf32>
    %mul3A_34 = arith.mulf %mul3A_33, %slice3A_32 : vector<499x8xf32>
    %dot_general3A_35 = arith.constant dense<0.000000e+00> : vector<500x8xf32>
    %dot_general3A_36 = tpu.matmul %convert_element_type3A_15, %mul3A_34, %dot_general3A_35 {dimension_numbers = #tpu.dot_dimension_numbers<[1], [0], [0], [1], [0, 0, 1, 1], [], []>, transpose_lhs_hint = false} : vector<500x499xf32>, vector<499x8xf32>, vector<500x8xf32> -> vector<500x8xf32>
    %mul3A_37 = vector.broadcast %mul3A : vector<500x1xf32> to vector<500x8xf32>
    %mul3A_38 = arith.mulf %mul3A_37, %dot_general3A_31 : vector<500x8xf32>
    %add3A_39 = arith.addf %dot_general3A_36, %mul3A_38 : vector<500x8xf32>
    %get3A_40 = arith.constant 0 : index
    %get3A_41 = arith.constant 0 : index
    %get3A_42 = vector.load %arg24[%get3A_40, %get3A_41] : memref<1x8xf32, #tpu.memory_space<vmem>>, vector<1x8xf32>
    %add3A_43 = vector.broadcast %get3A_42 : vector<1x8xf32> to vector<500x8xf32>
    %add3A_44 = arith.addf %add3A_39, %add3A_43 : vector<500x8xf32>
    %max3A = arith.constant 0.000000e+00 : f32
    %max3A_45 = vector.broadcast %max3A : f32 to vector<500x8xf32>
    %max3A_46 = arith.maximumf %add3A_44, %max3A_45 : vector<500x8xf32>
    %slice3A_47 = vector.extract_strided_slice %max3A_46 {offsets = [0, 0], sizes = [499, 8], strides = [1, 1]} : vector<500x8xf32> to vector<499x8xf32>
    %mul3A_48 = vector.broadcast %mul3A_22 : vector<499x1xf32> to vector<499x8xf32>
    %mul3A_49 = arith.mulf %mul3A_48, %slice3A_47 : vector<499x8xf32>
    %dot_general3A_50 = arith.constant dense<0.000000e+00> : vector<500x8xf32>
    %dot_general3A_51 = tpu.matmul %convert_element_type3A_15, %mul3A_49, %dot_general3A_50 {dimension_numbers = #tpu.dot_dimension_numbers<[1], [0], [0], [1], [0, 0, 1, 1], [], []>, transpose_lhs_hint = false} : vector<500x499xf32>, vector<499x8xf32>, vector<500x8xf32> -> vector<500x8xf32>
    %mul3A_52 = vector.broadcast %mul3A : vector<500x1xf32> to vector<500x8xf32>
    %mul3A_53 = arith.mulf %mul3A_52, %max3A_46 : vector<500x8xf32>
    %add3A_54 = arith.addf %dot_general3A_51, %mul3A_53 : vector<500x8xf32>
    %get3A_55 = arith.constant 0 : index
    %get3A_56 = arith.constant 0 : index
    %get3A_57 = vector.load %arg10[%get3A_55, %get3A_56] : memref<8x64xf32, #tpu.memory_space<vmem>>, vector<8x64xf32>
    %dot_general3A_58 = arith.constant dense<0.000000e+00> : vector<500x64xf32>
    %dot_general3A_59 = tpu.matmul %add3A_54, %get3A_57, %dot_general3A_58 {dimension_numbers = #tpu.dot_dimension_numbers<[1], [0], [0], [1], [0, 0, 1, 1], [], []>, transpose_lhs_hint = false} : vector<500x8xf32>, vector<8x64xf32>, vector<500x64xf32> -> vector<500x64xf32>
    %get3A_60 = arith.constant 0 : index
    %get3A_61 = arith.constant 0 : index
    %get3A_62 = vector.load %arg25[%get3A_60, %get3A_61] : memref<1x64xf32, #tpu.memory_space<vmem>>, vector<1x64xf32>
    %add3A_63 = vector.broadcast %get3A_62 : vector<1x64xf32> to vector<500x64xf32>
    %add3A_64 = arith.addf %dot_general3A_59, %add3A_63 : vector<500x64xf32>
    %mul3A_65 = vector.broadcast %div3A_6 : vector<500x1xf32> to vector<500x64xf32>
    %mul3A_66 = arith.mulf %add3A_64, %mul3A_65 : vector<500x64xf32>
    %reduce_sum3A_67 = arith.constant dense<0.000000e+00> : vector<64xf32>
    %reduce_sum3A_68 = vector.multi_reduction <add>, %mul3A_66, %reduce_sum3A_67 [0] : vector<500x64xf32> to vector<64xf32>
    %broadcast_in_dim3A_69 = vector.shape_cast %reduce_sum3A_68 : vector<64xf32> to vector<1x64xf32>
    %get3A_70 = arith.constant 0 : index
    %get3A_71 = arith.constant 0 : index
    %get3A_72 = vector.load %arg18[%get3A_70, %get3A_71] : memref<1x64xf32, #tpu.memory_space<vmem>>, vector<1x64xf32>
    %mul3A_73 = arith.mulf %broadcast_in_dim3A_69, %get3A_72 : vector<1x64xf32>
    %reduce_sum3A_74 = arith.constant dense<0.000000e+00> : vector<1xf32>
    %reduce_sum3A_75 = vector.multi_reduction <add>, %mul3A_73, %reduce_sum3A_74 [1] : vector<1x64xf32> to vector<1xf32>
    %broadcast_in_dim3A_76 = vector.shape_cast %reduce_sum3A_75 : vector<1xf32> to vector<1x1xf32>
    %get3A_77 = arith.constant 0 : index
    %get3A_78 = arith.constant 0 : index
    %get3A_79 = vector.load %arg19[%get3A_77, %get3A_78] : memref<64x1xf32, #tpu.memory_space<vmem>>, vector<64x1xf32>
    %dot_general3A_80 = arith.constant dense<0.000000e+00> : vector<500x1xf32>
    %dot_general3A_81 = tpu.matmul %get3A_27, %get3A_79, %dot_general3A_80 {dimension_numbers = #tpu.dot_dimension_numbers<[1], [0], [0], [1], [0, 0, 1, 1], [], []>, transpose_lhs_hint = false} : vector<500x64xf32>, vector<64x1xf32>, vector<500x1xf32> -> vector<500x1xf32>
    %add3A_82 = vector.broadcast %broadcast_in_dim3A_76 : vector<1x1xf32> to vector<500x1xf32>
    %add3A_83 = arith.addf %add3A_82, %dot_general3A_81 : vector<500x1xf32>
    %get3A_84 = arith.constant 0 : index
    %get3A_85 = arith.constant 0 : index
    %get3A_86 = vector.load %arg20[%get3A_84, %get3A_85] : memref<1x1xf32, #tpu.memory_space<vmem>>, vector<1x1xf32>
    %add3A_87 = vector.broadcast %get3A_86 : vector<1x1xf32> to vector<500x1xf32>
    %add3A_88 = arith.addf %add3A_83, %add3A_87 : vector<500x1xf32>
    %logistic3A = arith.negf %add3A_88 : vector<500x1xf32>
    %logistic3A_89 = math.exp %logistic3A : vector<500x1xf32>
    %logistic3A_90 = arith.constant 1.000000e+00 : f32
    %logistic3A_91 = vector.broadcast %logistic3A_90 : f32 to vector<500x1xf32>
    %logistic3A_92 = arith.addf %logistic3A_91, %logistic3A_89 : vector<500x1xf32>
    %logistic3A_93 = arith.divf %logistic3A_91, %logistic3A_92 : vector<500x1xf32>
    %mul3A_94 = vector.broadcast %logistic3A_93 : vector<500x1xf32> to vector<500x64xf32>
    %mul3A_95 = vector.broadcast %broadcast_in_dim3A_69 : vector<1x64xf32> to vector<500x64xf32>
    %mul3A_96 = arith.mulf %mul3A_94, %mul3A_95 : vector<500x64xf32>
    %sub3A_97 = arith.constant 1.000000e+00 : f32
    %sub3A_98 = vector.broadcast %sub3A_97 : f32 to vector<500x1xf32>
    %sub3A_99 = arith.subf %sub3A_98, %logistic3A_93 : vector<500x1xf32>
    %mul3A_100 = vector.broadcast %sub3A_99 : vector<500x1xf32> to vector<500x64xf32>
    %mul3A_101 = arith.mulf %mul3A_100, %get3A_27 : vector<500x64xf32>
    %add3A_102 = arith.addf %mul3A_96, %mul3A_101 : vector<500x64xf32>
    %get3A_103 = arith.constant 0 : index
    %get3A_104 = arith.constant 0 : index
    %get3A_105 = arith.constant 0 : index
    %get3A_106 = vector.load %arg3[%get3A_103, %get3A_104, %get3A_105] : memref<500x8x64xf32, #tpu.memory_space<vmem>>, vector<500x1x64xf32>
    %get3A_107 = vector.shape_cast %get3A_106 : vector<500x1x64xf32> to vector<500x64xf32>
    %get3A_108 = arith.constant 0 : index
    %get3A_109 = arith.constant 0 : index
    %get3A_110 = vector.load %arg21[%get3A_108, %get3A_109] : memref<1x64xf32, #tpu.memory_space<vmem>>, vector<1x64xf32>
    %mul3A_111 = arith.mulf %broadcast_in_dim3A_69, %get3A_110 : vector<1x64xf32>
    %reduce_sum3A_112 = arith.constant dense<0.000000e+00> : vector<1xf32>
    %reduce_sum3A_113 = vector.multi_reduction <add>, %mul3A_111, %reduce_sum3A_112 [1] : vector<1x64xf32> to vector<1xf32>
    %broadcast_in_dim3A_114 = vector.shape_cast %reduce_sum3A_113 : vector<1xf32> to vector<1x1xf32>
    %get3A_115 = arith.constant 0 : index
    %get3A_116 = arith.constant 0 : index
    %get3A_117 = vector.load %arg22[%get3A_115, %get3A_116] : memref<64x1xf32, #tpu.memory_space<vmem>>, vector<64x1xf32>
    %dot_general3A_118 = arith.constant dense<0.000000e+00> : vector<500x1xf32>
    %dot_general3A_119 = tpu.matmul %get3A_107, %get3A_117, %dot_general3A_118 {dimension_numbers = #tpu.dot_dimension_numbers<[1], [0], [0], [1], [0, 0, 1, 1], [], []>, transpose_lhs_hint = false} : vector<500x64xf32>, vector<64x1xf32>, vector<500x1xf32> -> vector<500x1xf32>
    %add3A_120 = vector.broadcast %broadcast_in_dim3A_114 : vector<1x1xf32> to vector<500x1xf32>
    %add3A_121 = arith.addf %add3A_120, %dot_general3A_119 : vector<500x1xf32>
    %get3A_122 = arith.constant 0 : index
    %get3A_123 = arith.constant 0 : index
    %get3A_124 = vector.load %arg23[%get3A_122, %get3A_123] : memref<1x1xf32, #tpu.memory_space<vmem>>, vector<1x1xf32>
    %add3A_125 = vector.broadcast %get3A_124 : vector<1x1xf32> to vector<500x1xf32>
    %add3A_126 = arith.addf %add3A_121, %add3A_125 : vector<500x1xf32>
    %logistic3A_127 = arith.negf %add3A_126 : vector<500x1xf32>
    %logistic3A_128 = math.exp %logistic3A_127 : vector<500x1xf32>
    %logistic3A_129 = arith.constant 1.000000e+00 : f32
    %logistic3A_130 = vector.broadcast %logistic3A_129 : f32 to vector<500x1xf32>
    %logistic3A_131 = arith.addf %logistic3A_130, %logistic3A_128 : vector<500x1xf32>
    %logistic3A_132 = arith.divf %logistic3A_130, %logistic3A_131 : vector<500x1xf32>
    %mul3A_133 = vector.broadcast %logistic3A_132 : vector<500x1xf32> to vector<500x64xf32>
    %mul3A_134 = vector.broadcast %broadcast_in_dim3A_69 : vector<1x64xf32> to vector<500x64xf32>
    %mul3A_135 = arith.mulf %mul3A_133, %mul3A_134 : vector<500x64xf32>
    %sub3A_136 = arith.constant 1.000000e+00 : f32
    %sub3A_137 = vector.broadcast %sub3A_136 : f32 to vector<500x1xf32>
    %sub3A_138 = arith.subf %sub3A_137, %logistic3A_132 : vector<500x1xf32>
    %mul3A_139 = vector.broadcast %sub3A_138 : vector<500x1xf32> to vector<500x64xf32>
    %mul3A_140 = arith.mulf %mul3A_139, %get3A_107 : vector<500x64xf32>
    %add3A_141 = arith.addf %mul3A_135, %mul3A_140 : vector<500x64xf32>
    %get3A_142 = arith.constant 0 : index
    %get3A_143 = arith.constant 0 : index
    %get3A_144 = vector.load %arg7[%get3A_142, %get3A_143] : memref<64x50xf32, #tpu.memory_space<vmem>>, vector<64x50xf32>
    %dot_general3A_145 = arith.constant dense<0.000000e+00> : vector<500x50xf32>
    %dot_general3A_146 = tpu.matmul %add3A_102, %get3A_144, %dot_general3A_145 {dimension_numbers = #tpu.dot_dimension_numbers<[1], [0], [0], [1], [0, 0, 1, 1], [], []>, transpose_lhs_hint = false} : vector<500x64xf32>, vector<64x50xf32>, vector<500x50xf32> -> vector<500x50xf32>
    %reduce_max3A_147 = arith.constant dense<0xFF800000> : vector<500xf32>
    %reduce_max3A_148 = vector.multi_reduction <maximumf>, %dot_general3A_146, %reduce_max3A_147 [1] : vector<500x50xf32> to vector<500xf32>
    %broadcast_in_dim3A_149 = vector.shape_cast %reduce_max3A_148 : vector<500xf32> to vector<500x1xf32>
    %sub3A_150 = vector.broadcast %broadcast_in_dim3A_149 : vector<500x1xf32> to vector<500x50xf32>
    %sub3A_151 = arith.subf %dot_general3A_146, %sub3A_150 : vector<500x50xf32>
    %exp3A_152 = math.exp %sub3A_151 : vector<500x50xf32>
    %reduce_sum3A_153 = arith.constant dense<0.000000e+00> : vector<500xf32>
    %reduce_sum3A_154 = vector.multi_reduction <add>, %exp3A_152, %reduce_sum3A_153 [1] : vector<500x50xf32> to vector<500xf32>
    %broadcast_in_dim3A_155 = vector.shape_cast %reduce_sum3A_154 : vector<500xf32> to vector<500x1xf32>
    %div3A_156 = vector.broadcast %broadcast_in_dim3A_155 : vector<500x1xf32> to vector<500x50xf32>
    %div3A_157 = arith.divf %exp3A_152, %div3A_156 : vector<500x50xf32>
    %get3A_158 = arith.constant 0 : index
    %get3A_159 = arith.constant 0 : index
    %get3A_160 = vector.load %arg11[%get3A_158, %get3A_159] : memref<64x64xf32, #tpu.memory_space<vmem>>, vector<64x64xf32>
    %dot_general3A_161 = arith.constant dense<0.000000e+00> : vector<500x64xf32>
    %dot_general3A_162 = tpu.matmul %add3A_141, %get3A_160, %dot_general3A_161 {dimension_numbers = #tpu.dot_dimension_numbers<[1], [0], [0], [1], [0, 0, 1, 1], [], []>, transpose_lhs_hint = false} : vector<500x64xf32>, vector<64x64xf32>, vector<500x64xf32> -> vector<500x64xf32>
    %get3A_163 = arith.constant 0 : index
    %get3A_164 = arith.constant 0 : index
    %get3A_165 = vector.load %arg12[%get3A_163, %get3A_164] : memref<1x64xf32, #tpu.memory_space<vmem>>, vector<1x64xf32>
    %add3A_166 = vector.broadcast %get3A_165 : vector<1x64xf32> to vector<500x64xf32>
    %add3A_167 = arith.addf %dot_general3A_162, %add3A_166 : vector<500x64xf32>
    %logistic3A_168 = arith.negf %add3A_167 : vector<500x64xf32>
    %logistic3A_169 = math.exp %logistic3A_168 : vector<500x64xf32>
    %logistic3A_170 = arith.constant 1.000000e+00 : f32
    %logistic3A_171 = vector.broadcast %logistic3A_170 : f32 to vector<500x64xf32>
    %logistic3A_172 = arith.addf %logistic3A_171, %logistic3A_169 : vector<500x64xf32>
    %logistic3A_173 = arith.divf %logistic3A_171, %logistic3A_172 : vector<500x64xf32>
    %get3A_174 = arith.constant 0 : index
    %get3A_175 = arith.constant 0 : index
    %get3A_176 = vector.load %arg13[%get3A_174, %get3A_175] : memref<64x64xf32, #tpu.memory_space<vmem>>, vector<64x64xf32>
    %dot_general3A_177 = arith.constant dense<0.000000e+00> : vector<500x64xf32>
    %dot_general3A_178 = tpu.matmul %add3A_141, %get3A_176, %dot_general3A_177 {dimension_numbers = #tpu.dot_dimension_numbers<[1], [0], [0], [1], [0, 0, 1, 1], [], []>, transpose_lhs_hint = false} : vector<500x64xf32>, vector<64x64xf32>, vector<500x64xf32> -> vector<500x64xf32>
    %get3A_179 = arith.constant 0 : index
    %get3A_180 = arith.constant 0 : index
    %get3A_181 = vector.load %arg14[%get3A_179, %get3A_180] : memref<1x64xf32, #tpu.memory_space<vmem>>, vector<1x64xf32>
    %add3A_182 = vector.broadcast %get3A_181 : vector<1x64xf32> to vector<500x64xf32>
    %add3A_183 = arith.addf %dot_general3A_178, %add3A_182 : vector<500x64xf32>
    %tanh3A = math.tanh %add3A_183 : vector<500x64xf32>
    %broadcast_in_dim3A_184 = vector.shape_cast %div3A_157 : vector<500x50xf32> to vector<500x1x50xf32>
    %swap3A = arith.constant 0 : index
    %swap3A_185 = arith.constant 0 : index
    %swap3A_186 = arith.constant 0 : index
    %swap3A_187 = vector.load %arg27[%swap3A, %swap3A_185, %swap3A_186] : memref<500x8x50xf32, #tpu.memory_space<vmem>>, vector<500x1x50xf32>
    tpu.vector_store %arg27[%swap3A, %swap3A_185, %swap3A_186], %broadcast_in_dim3A_184 {strides = array<i32>} : memref<500x8x50xf32, #tpu.memory_space<vmem>>, vector<500x1x50xf32>,
    %broadcast_in_dim3A_188 = vector.shape_cast %logistic3A_173 : vector<500x64xf32> to vector<500x1x64xf32>
    %swap3A_189 = arith.constant 0 : index
    %swap3A_190 = arith.constant 0 : index
    %swap3A_191 = arith.constant 0 : index
    %swap3A_192 = vector.load %arg28[%swap3A_189, %swap3A_190, %swap3A_191] : memref<500x8x64xf32, #tpu.memory_space<vmem>>, vector<500x1x64xf32>
    tpu.vector_store %arg28[%swap3A_189, %swap3A_190, %swap3A_191], %broadcast_in_dim3A_188 {strides = array<i32>} : memref<500x8x64xf32, #tpu.memory_space<vmem>>, vector<500x1x64xf32>,
    %broadcast_in_dim3A_193 = vector.shape_cast %tanh3A : vector<500x64xf32> to vector<500x1x64xf32>
    %swap3A_194 = arith.constant 0 : index
    %swap3A_195 = arith.constant 0 : index
    %swap3A_196 = arith.constant 0 : index
    %swap3A_197 = vector.load %arg29[%swap3A_194, %swap3A_195, %swap3A_196] : memref<500x8x64xf32, #tpu.memory_space<vmem>>, vector<500x1x64xf32>
    tpu.vector_store %arg29[%swap3A_194, %swap3A_195, %swap3A_196], %broadcast_in_dim3A_193 {strides = array<i32>} : memref<500x8x64xf32, #tpu.memory_space<vmem>>, vector<500x1x64xf32>,
    %broadcast_in_dim3A_198 = vector.shape_cast %add3A_102 : vector<500x64xf32> to vector<500x1x64xf32>
    %swap3A_199 = arith.constant 0 : index
    %swap3A_200 = arith.constant 0 : index
    %swap3A_201 = arith.constant 0 : index
    %swap3A_202 = vector.load %arg30[%swap3A_199, %swap3A_200, %swap3A_201] : memref<500x8x64xf32, #tpu.memory_space<vmem>>, vector<500x1x64xf32>
    tpu.vector_store %arg30[%swap3A_199, %swap3A_200, %swap3A_201], %broadcast_in_dim3A_198 {strides = array<i32>} : memref<500x8x64xf32, #tpu.memory_space<vmem>>, vector<500x1x64xf32>,
    %get3A_203 = arith.constant 0 : index
    %get3A_204 = arith.constant 1 : index
    %get3A_205 = vector.load %arg0[%get3A_203, %get3A_204] : memref<500x8xi32, #tpu.memory_space<vmem>>, vector<500x1xi32>
    %get3A_206 = arith.constant 1 : index
    %get3A_207 = arith.constant 0 : index
    %get3A_208 = vector.load %arg1[%get3A_206, %get3A_207] : memref<8x499xi32, #tpu.memory_space<vmem>>, vector<1x499xi32>
    %eq3A_209 = vector.broadcast %get3A_205 : vector<500x1xi32> to vector<500x499xi32>
    %eq3A_210 = vector.broadcast %get3A_208 : vector<1x499xi32> to vector<500x499xi32>
    %eq3A_211 = arith.cmpi eq, %eq3A_209, %eq3A_210 : vector<500x499xi32>
    %convert_element_type3A_212 = arith.extui %eq3A_211 : vector<500x499xi1> to vector<500x499xi32>
    %convert_element_type3A_213 = arith.sitofp %convert_element_type3A_212 : vector<500x499xi32> to vector<500x499xf32>
    %reduce_sum3A_214 = arith.constant dense<0.000000e+00> : vector<500xf32>
    %reduce_sum3A_215 = vector.multi_reduction <add>, %convert_element_type3A_213, %reduce_sum3A_214 [1] : vector<500x499xf32> to vector<500xf32>
    %broadcast_in_dim3A_216 = vector.shape_cast %reduce_sum3A_215 : vector<500xf32> to vector<500x1xf32>
    %add3A_217 = arith.constant 1.000000e+00 : f32
    %add3A_218 = vector.broadcast %add3A_217 : f32 to vector<500x1xf32>
    %add3A_219 = arith.addf %add3A_218, %broadcast_in_dim3A_216 : vector<500x1xf32>
    %rsqrt3A_220 = math.rsqrt %add3A_219 : vector<500x1xf32>
    %mul3A_221 = arith.mulf %rsqrt3A_220, %rsqrt3A_220 : vector<500x1xf32>
    %slice3A_222 = vector.extract_strided_slice %rsqrt3A_220 {offsets = [0, 0], sizes = [499, 1], strides = [1, 1]} : vector<500x1xf32> to vector<499x1xf32>
    %slice3A_223 = vector.extract_strided_slice %rsqrt3A_220 {offsets = [1, 0], sizes = [499, 1], strides = [1, 1]} : vector<500x1xf32> to vector<499x1xf32>
    %mul3A_224 = arith.mulf %slice3A_222, %slice3A_223 : vector<499x1xf32>
    %get3A_225 = arith.constant 0 : index
    %get3A_226 = arith.constant 1 : index
    %get3A_227 = arith.constant 0 : index
    %get3A_228 = vector.load %arg2[%get3A_225, %get3A_226, %get3A_227] : memref<500x8x64xf32, #tpu.memory_space<vmem>>, vector<500x1x64xf32>
    %get3A_229 = vector.shape_cast %get3A_228 : vector<500x1x64xf32> to vector<500x64xf32>
    %get3A_230 = arith.constant 0 : index
    %get3A_231 = arith.constant 0 : index
    %get3A_232 = vector.load %arg9[%get3A_230, %get3A_231] : memref<64x8xf32, #tpu.memory_space<vmem>>, vector<64x8xf32>
    %dot_general3A_233 = arith.constant dense<0.000000e+00> : vector<500x8xf32>
    %dot_general3A_234 = tpu.matmul %get3A_229, %get3A_232, %dot_general3A_233 {dimension_numbers = #tpu.dot_dimension_numbers<[1], [0], [0], [1], [0, 0, 1, 1], [], []>, transpose_lhs_hint = false} : vector<500x64xf32>, vector<64x8xf32>, vector<500x8xf32> -> vector<500x8xf32>
    %slice3A_235 = vector.extract_strided_slice %dot_general3A_234 {offsets = [0, 0], sizes = [499, 8], strides = [1, 1]} : vector<500x8xf32> to vector<499x8xf32>
    %mul3A_236 = vector.broadcast %mul3A_224 : vector<499x1xf32> to vector<499x8xf32>
    %mul3A_237 = arith.mulf %mul3A_236, %slice3A_235 : vector<499x8xf32>
    %dot_general3A_238 = arith.constant dense<0.000000e+00> : vector<500x8xf32>
    %dot_general3A_239 = tpu.matmul %convert_element_type3A_213, %mul3A_237, %dot_general3A_238 {dimension_numbers = #tpu.dot_dimension_numbers<[1], [0], [0], [1], [0, 0, 1, 1], [], []>, transpose_lhs_hint = false} : vector<500x499xf32>, vector<499x8xf32>, vector<500x8xf32> -> vector<500x8xf32>
    %mul3A_240 = vector.broadcast %mul3A_221 : vector<500x1xf32> to vector<500x8xf32>
    %mul3A_241 = arith.mulf %mul3A_240, %dot_general3A_234 : vector<500x8xf32>
    %add3A_242 = arith.addf %dot_general3A_239, %mul3A_241 : vector<500x8xf32>
    %get3A_243 = arith.constant 0 : index
    %get3A_244 = arith.constant 0 : index
    %get3A_245 = vector.load %arg24[%get3A_243, %get3A_244] : memref<1x8xf32, #tpu.memory_space<vmem>>, vector<1x8xf32>
    %add3A_246 = vector.broadcast %get3A_245 : vector<1x8xf32> to vector<500x8xf32>
    %add3A_247 = arith.addf %add3A_242, %add3A_246 : vector<500x8xf32>
    %max3A_248 = arith.constant 0.000000e+00 : f32
    %max3A_249 = vector.broadcast %max3A_248 : f32 to vector<500x8xf32>
    %max3A_250 = arith.maximumf %add3A_247, %max3A_249 : vector<500x8xf32>
    %slice3A_251 = vector.extract_strided_slice %max3A_250 {offsets = [0, 0], sizes = [499, 8], strides = [1, 1]} : vector<500x8xf32> to vector<499x8xf32>
    %mul3A_252 = vector.broadcast %mul3A_224 : vector<499x1xf32> to vector<499x8xf32>
    %mul3A_253 = arith.mulf %mul3A_252, %slice3A_251 : vector<499x8xf32>
    %dot_general3A_254 = arith.constant dense<0.000000e+00> : vector<500x8xf32>
    %dot_general3A_255 = tpu.matmul %convert_element_type3A_213, %mul3A_253, %dot_general3A_254 {dimension_numbers = #tpu.dot_dimension_numbers<[1], [0], [0], [1], [0, 0, 1, 1], [], []>, transpose_lhs_hint = false} : vector<500x499xf32>, vector<499x8xf32>, vector<500x8xf32> -> vector<500x8xf32>
    %mul3A_256 = vector.broadcast %mul3A_221 : vector<500x1xf32> to vector<500x8xf32>
    %mul3A_257 = arith.mulf %mul3A_256, %max3A_250 : vector<500x8xf32>
    %add3A_258 = arith.addf %dot_general3A_255, %mul3A_257 : vector<500x8xf32>
    %get3A_259 = arith.constant 0 : index
    %get3A_260 = arith.constant 0 : index
    %get3A_261 = vector.load %arg10[%get3A_259, %get3A_260] : memref<8x64xf32, #tpu.memory_space<vmem>>, vector<8x64xf32>
    %dot_general3A_262 = arith.constant dense<0.000000e+00> : vector<500x64xf32>
    %dot_general3A_263 = tpu.matmul %add3A_258, %get3A_261, %dot_general3A_262 {dimension_numbers = #tpu.dot_dimension_numbers<[1], [0], [0], [1], [0, 0, 1, 1], [], []>, transpose_lhs_hint = false} : vector<500x8xf32>, vector<8x64xf32>, vector<500x64xf32> -> vector<500x64xf32>
    %get3A_264 = arith.constant 0 : index
    %get3A_265 = arith.constant 0 : index
    %get3A_266 = vector.load %arg25[%get3A_264, %get3A_265] : memref<1x64xf32, #tpu.memory_space<vmem>>, vector<1x64xf32>
    %add3A_267 = vector.broadcast %get3A_266 : vector<1x64xf32> to vector<500x64xf32>
    %add3A_268 = arith.addf %dot_general3A_263, %add3A_267 : vector<500x64xf32>
    %mul3A_269 = vector.broadcast %div3A_6 : vector<500x1xf32> to vector<500x64xf32>
    %mul3A_270 = arith.mulf %add3A_268, %mul3A_269 : vector<500x64xf32>
    %reduce_sum3A_271 = arith.constant dense<0.000000e+00> : vector<64xf32>
    %reduce_sum3A_272 = vector.multi_reduction <add>, %mul3A_270, %reduce_sum3A_271 [0] : vector<500x64xf32> to vector<64xf32>
    %broadcast_in_dim3A_273 = vector.shape_cast %reduce_sum3A_272 : vector<64xf32> to vector<1x64xf32>
    %get3A_274 = arith.constant 0 : index
    %get3A_275 = arith.constant 0 : index
    %get3A_276 = vector.load %arg18[%get3A_274, %get3A_275] : memref<1x64xf32, #tpu.memory_space<vmem>>, vector<1x64xf32>
    %mul3A_277 = arith.mulf %broadcast_in_dim3A_273, %get3A_276 : vector<1x64xf32>
    %reduce_sum3A_278 = arith.constant dense<0.000000e+00> : vector<1xf32>
    %reduce_sum3A_279 = vector.multi_reduction <add>, %mul3A_277, %reduce_sum3A_278 [1] : vector<1x64xf32> to vector<1xf32>
    %broadcast_in_dim3A_280 = vector.shape_cast %reduce_sum3A_279 : vector<1xf32> to vector<1x1xf32>
    %get3A_281 = arith.constant 0 : index
    %get3A_282 = arith.constant 0 : index
    %get3A_283 = vector.load %arg19[%get3A_281, %get3A_282] : memref<64x1xf32, #tpu.memory_space<vmem>>, vector<64x1xf32>
    %dot_general3A_284 = arith.constant dense<0.000000e+00> : vector<500x1xf32>
    %dot_general3A_285 = tpu.matmul %get3A_229, %get3A_283, %dot_general3A_284 {dimension_numbers = #tpu.dot_dimension_numbers<[1], [0], [0], [1], [0, 0, 1, 1], [], []>, transpose_lhs_hint = false} : vector<500x64xf32>, vector<64x1xf32>, vector<500x1xf32> -> vector<500x1xf32>
    %add3A_286 = vector.broadcast %broadcast_in_dim3A_280 : vector<1x1xf32> to vector<500x1xf32>
    %add3A_287 = arith.addf %add3A_286, %dot_general3A_285 : vector<500x1xf32>
    %get3A_288 = arith.constant 0 : index
    %get3A_289 = arith.constant 0 : index
    %get3A_290 = vector.load %arg20[%get3A_288, %get3A_289] : memref<1x1xf32, #tpu.memory_space<vmem>>, vector<1x1xf32>
    %add3A_291 = vector.broadcast %get3A_290 : vector<1x1xf32> to vector<500x1xf32>
    %add3A_292 = arith.addf %add3A_287, %add3A_291 : vector<500x1xf32>
    %logistic3A_293 = arith.negf %add3A_292 : vector<500x1xf32>
    %logistic3A_294 = math.exp %logistic3A_293 : vector<500x1xf32>
    %logistic3A_295 = arith.constant 1.000000e+00 : f32
    %logistic3A_296 = vector.broadcast %logistic3A_295 : f32 to vector<500x1xf32>
    %logistic3A_297 = arith.addf %logistic3A_296, %logistic3A_294 : vector<500x1xf32>
    %logistic3A_298 = arith.divf %logistic3A_296, %logistic3A_297 : vector<500x1xf32>
    %mul3A_299 = vector.broadcast %logistic3A_298 : vector<500x1xf32> to vector<500x64xf32>
    %mul3A_300 = vector.broadcast %broadcast_in_dim3A_273 : vector<1x64xf32> to vector<500x64xf32>
    %mul3A_301 = arith.mulf %mul3A_299, %mul3A_300 : vector<500x64xf32>
    %sub3A_302 = arith.constant 1.000000e+00 : f32
    %sub3A_303 = vector.broadcast %sub3A_302 : f32 to vector<500x1xf32>
    %sub3A_304 = arith.subf %sub3A_303, %logistic3A_298 : vector<500x1xf32>
    %mul3A_305 = vector.broadcast %sub3A_304 : vector<500x1xf32> to vector<500x64xf32>
    %mul3A_306 = arith.mulf %mul3A_305, %get3A_229 : vector<500x64xf32>
    %add3A_307 = arith.addf %mul3A_301, %mul3A_306 : vector<500x64xf32>
    %get3A_308 = arith.constant 0 : index
    %get3A_309 = arith.constant 1 : index
    %get3A_310 = arith.constant 0 : index
    %get3A_311 = vector.load %arg3[%get3A_308, %get3A_309, %get3A_310] : memref<500x8x64xf32, #tpu.memory_space<vmem>>, vector<500x1x64xf32>
    %get3A_312 = vector.shape_cast %get3A_311 : vector<500x1x64xf32> to vector<500x64xf32>
    %get3A_313 = arith.constant 0 : index
    %get3A_314 = arith.constant 0 : index
    %get3A_315 = vector.load %arg21[%get3A_313, %get3A_314] : memref<1x64xf32, #tpu.memory_space<vmem>>, vector<1x64xf32>
    %mul3A_316 = arith.mulf %broadcast_in_dim3A_273, %get3A_315 : vector<1x64xf32>
    %reduce_sum3A_317 = arith.constant dense<0.000000e+00> : vector<1xf32>
    %reduce_sum3A_318 = vector.multi_reduction <add>, %mul3A_316, %reduce_sum3A_317 [1] : vector<1x64xf32> to vector<1xf32>
    %broadcast_in_dim3A_319 = vector.shape_cast %reduce_sum3A_318 : vector<1xf32> to vector<1x1xf32>
    %get3A_320 = arith.constant 0 : index
    %get3A_321 = arith.constant 0 : index
    %get3A_322 = vector.load %arg22[%get3A_320, %get3A_321] : memref<64x1xf32, #tpu.memory_space<vmem>>, vector<64x1xf32>
    %dot_general3A_323 = arith.constant dense<0.000000e+00> : vector<500x1xf32>
    %dot_general3A_324 = tpu.matmul %get3A_312, %get3A_322, %dot_general3A_323 {dimension_numbers = #tpu.dot_dimension_numbers<[1], [0], [0], [1], [0, 0, 1, 1], [], []>, transpose_lhs_hint = false} : vector<500x64xf32>, vector<64x1xf32>, vector<500x1xf32> -> vector<500x1xf32>
    %add3A_325 = vector.broadcast %broadcast_in_dim3A_319 : vector<1x1xf32> to vector<500x1xf32>
    %add3A_326 = arith.addf %add3A_325, %dot_general3A_324 : vector<500x1xf32>
    %get3A_327 = arith.constant 0 : index
    %get3A_328 = arith.constant 0 : index
    %get3A_329 = vector.load %arg23[%get3A_327, %get3A_328] : memref<1x1xf32, #tpu.memory_space<vmem>>, vector<1x1xf32>
    %add3A_330 = vector.broadcast %get3A_329 : vector<1x1xf32> to vector<500x1xf32>
    %add3A_331 = arith.addf %add3A_326, %add3A_330 : vector<500x1xf32>
    %logistic3A_332 = arith.negf %add3A_331 : vector<500x1xf32>
    %logistic3A_333 = math.exp %logistic3A_332 : vector<500x1xf32>
    %logistic3A_334 = arith.constant 1.000000e+00 : f32
    %logistic3A_335 = vector.broadcast %logistic3A_334 : f32 to vector<500x1xf32>
    %logistic3A_336 = arith.addf %logistic3A_335, %logistic3A_333 : vector<500x1xf32>
    %logistic3A_337 = arith.divf %logistic3A_335, %logistic3A_336 : vector<500x1xf32>
    %mul3A_338 = vector.broadcast %logistic3A_337 : vector<500x1xf32> to vector<500x64xf32>
    %mul3A_339 = vector.broadcast %broadcast_in_dim3A_273 : vector<1x64xf32> to vector<500x64xf32>
    %mul3A_340 = arith.mulf %mul3A_338, %mul3A_339 : vector<500x64xf32>
    %sub3A_341 = arith.constant 1.000000e+00 : f32
    %sub3A_342 = vector.broadcast %sub3A_341 : f32 to vector<500x1xf32>
    %sub3A_343 = arith.subf %sub3A_342, %logistic3A_337 : vector<500x1xf32>
    %mul3A_344 = vector.broadcast %sub3A_343 : vector<500x1xf32> to vector<500x64xf32>
    %mul3A_345 = arith.mulf %mul3A_344, %get3A_312 : vector<500x64xf32>
    %add3A_346 = arith.addf %mul3A_340, %mul3A_345 : vector<500x64xf32>
    %get3A_347 = arith.constant 0 : index
    %get3A_348 = arith.constant 0 : index
    %get3A_349 = vector.load %arg7[%get3A_347, %get3A_348] : memref<64x50xf32, #tpu.memory_space<vmem>>, vector<64x50xf32>
    %dot_general3A_350 = arith.constant dense<0.000000e+00> : vector<500x50xf32>
    %dot_general3A_351 = tpu.matmul %add3A_307, %get3A_349, %dot_general3A_350 {dimension_numbers = #tpu.dot_dimension_numbers<[1], [0], [0], [1], [0, 0, 1, 1], [], []>, transpose_lhs_hint = false} : vector<500x64xf32>, vector<64x50xf32>, vector<500x50xf32> -> vector<500x50xf32>
    %reduce_max3A_352 = arith.constant dense<0xFF800000> : vector<500xf32>
    %reduce_max3A_353 = vector.multi_reduction <maximumf>, %dot_general3A_351, %reduce_max3A_352 [1] : vector<500x50xf32> to vector<500xf32>
    %broadcast_in_dim3A_354 = vector.shape_cast %reduce_max3A_353 : vector<500xf32> to vector<500x1xf32>
    %sub3A_355 = vector.broadcast %broadcast_in_dim3A_354 : vector<500x1xf32> to vector<500x50xf32>
    %sub3A_356 = arith.subf %dot_general3A_351, %sub3A_355 : vector<500x50xf32>
    %exp3A_357 = math.exp %sub3A_356 : vector<500x50xf32>
    %reduce_sum3A_358 = arith.constant dense<0.000000e+00> : vector<500xf32>
    %reduce_sum3A_359 = vector.multi_reduction <add>, %exp3A_357, %reduce_sum3A_358 [1] : vector<500x50xf32> to vector<500xf32>
    %broadcast_in_dim3A_360 = vector.shape_cast %reduce_sum3A_359 : vector<500xf32> to vector<500x1xf32>
    %div3A_361 = vector.broadcast %broadcast_in_dim3A_360 : vector<500x1xf32> to vector<500x50xf32>
    %div3A_362 = arith.divf %exp3A_357, %div3A_361 : vector<500x50xf32>
    %get3A_363 = arith.constant 0 : index
    %get3A_364 = arith.constant 0 : index
    %get3A_365 = vector.load %arg11[%get3A_363, %get3A_364] : memref<64x64xf32, #tpu.memory_space<vmem>>, vector<64x64xf32>
    %dot_general3A_366 = arith.constant dense<0.000000e+00> : vector<500x64xf32>
    %dot_general3A_367 = tpu.matmul %add3A_346, %get3A_365, %dot_general3A_366 {dimension_numbers = #tpu.dot_dimension_numbers<[1], [0], [0], [1], [0, 0, 1, 1], [], []>, transpose_lhs_hint = false} : vector<500x64xf32>, vector<64x64xf32>, vector<500x64xf32> -> vector<500x64xf32>
    %get3A_368 = arith.constant 0 : index
    %get3A_369 = arith.constant 0 : index
    %get3A_370 = vector.load %arg12[%get3A_368, %get3A_369] : memref<1x64xf32, #tpu.memory_space<vmem>>, vector<1x64xf32>
    %add3A_371 = vector.broadcast %get3A_370 : vector<1x64xf32> to vector<500x64xf32>
    %add3A_372 = arith.addf %dot_general3A_367, %add3A_371 : vector<500x64xf32>
    %logistic3A_373 = arith.negf %add3A_372 : vector<500x64xf32>
    %logistic3A_374 = math.exp %logistic3A_373 : vector<500x64xf32>
    %logistic3A_375 = arith.constant 1.000000e+00 : f32
    %logistic3A_376 = vector.broadcast %logistic3A_375 : f32 to vector<500x64xf32>
    %logistic3A_377 = arith.addf %logistic3A_376, %logistic3A_374 : vector<500x64xf32>
    %logistic3A_378 = arith.divf %logistic3A_376, %logistic3A_377 : vector<500x64xf32>
    %get3A_379 = arith.constant 0 : index
    %get3A_380 = arith.constant 0 : index
    %get3A_381 = vector.load %arg13[%get3A_379, %get3A_380] : memref<64x64xf32, #tpu.memory_space<vmem>>, vector<64x64xf32>
    %dot_general3A_382 = arith.constant dense<0.000000e+00> : vector<500x64xf32>
    %dot_general3A_383 = tpu.matmul %add3A_346, %get3A_381, %dot_general3A_382 {dimension_numbers = #tpu.dot_dimension_numbers<[1], [0], [0], [1], [0, 0, 1, 1], [], []>, transpose_lhs_hint = false} : vector<500x64xf32>, vector<64x64xf32>, vector<500x64xf32> -> vector<500x64xf32>
    %get3A_384 = arith.constant 0 : index
    %get3A_385 = arith.constant 0 : index
    %get3A_386 = vector.load %arg14[%get3A_384, %get3A_385] : memref<1x64xf32, #tpu.memory_space<vmem>>, vector<1x64xf32>
    %add3A_387 = vector.broadcast %get3A_386 : vector<1x64xf32> to vector<500x64xf32>
    %add3A_388 = arith.addf %dot_general3A_383, %add3A_387 : vector<500x64xf32>
    %tanh3A_389 = math.tanh %add3A_388 : vector<500x64xf32>
    %broadcast_in_dim3A_390 = vector.shape_cast %div3A_362 : vector<500x50xf32> to vector<500x1x50xf32>
    %swap3A_391 = arith.constant 0 : index
    %swap3A_392 = arith.constant 1 : index
    %swap3A_393 = arith.constant 0 : index
    %swap3A_394 = vector.load %arg27[%swap3A_391, %swap3A_392, %swap3A_393] : memref<500x8x50xf32, #tpu.memory_space<vmem>>, vector<500x1x50xf32>
    tpu.vector_store %arg27[%swap3A_391, %swap3A_392, %swap3A_393], %broadcast_in_dim3A_390 {strides = array<i32>} : memref<500x8x50xf32, #tpu.memory_space<vmem>>, vector<500x1x50xf32>,
    %broadcast_in_dim3A_395 = vector.shape_cast %logistic3A_378 : vector<500x64xf32> to vector<500x1x64xf32>
    %swap3A_396 = arith.constant 0 : index
    %swap3A_397 = arith.constant 1 : index
    %swap3A_398 = arith.constant 0 : index
    %swap3A_399 = vector.load %arg28[%swap3A_396, %swap3A_397, %swap3A_398] : memref<500x8x64xf32, #tpu.memory_space<vmem>>, vector<500x1x64xf32>
    tpu.vector_store %arg28[%swap3A_396, %swap3A_397, %swap3A_398], %broadcast_in_dim3A_395 {strides = array<i32>} : memref<500x8x64xf32, #tpu.memory_space<vmem>>, vector<500x1x64xf32>,
    %broadcast_in_dim3A_400 = vector.shape_cast %tanh3A_389 : vector<500x64xf32> to vector<500x1x64xf32>
    %swap3A_401 = arith.constant 0 : index
    %swap3A_402 = arith.constant 1 : index
    %swap3A_403 = arith.constant 0 : index
    %swap3A_404 = vector.load %arg29[%swap3A_401, %swap3A_402, %swap3A_403] : memref<500x8x64xf32, #tpu.memory_space<vmem>>, vector<500x1x64xf32>
    tpu.vector_store %arg29[%swap3A_401, %swap3A_402, %swap3A_403], %broadcast_in_dim3A_400 {strides = array<i32>} : memref<500x8x64xf32, #tpu.memory_space<vmem>>, vector<500x1x64xf32>,
    %broadcast_in_dim3A_405 = vector.shape_cast %add3A_307 : vector<500x64xf32> to vector<500x1x64xf32>
    %swap3A_406 = arith.constant 0 : index
    %swap3A_407 = arith.constant 1 : index
    %swap3A_408 = arith.constant 0 : index
    %swap3A_409 = vector.load %arg30[%swap3A_406, %swap3A_407, %swap3A_408] : memref<500x8x64xf32, #tpu.memory_space<vmem>>, vector<500x1x64xf32>
    tpu.vector_store %arg30[%swap3A_406, %swap3A_407, %swap3A_408], %broadcast_in_dim3A_405 {strides = array<i32>} : memref<500x8x64xf32, #tpu.memory_space<vmem>>, vector<500x1x64xf32>,
    %get3A_410 = arith.constant 0 : index
    %get3A_411 = arith.constant 2 : index
    %get3A_412 = vector.load %arg0[%get3A_410, %get3A_411] : memref<500x8xi32, #tpu.memory_space<vmem>>, vector<500x1xi32>
    %get3A_413 = arith.constant 2 : index
    %get3A_414 = arith.constant 0 : index
    %get3A_415 = vector.load %arg1[%get3A_413, %get3A_414] : memref<8x499xi32, #tpu.memory_space<vmem>>, vector<1x499xi32>
    %eq3A_416 = vector.broadcast %get3A_412 : vector<500x1xi32> to vector<500x499xi32>
    %eq3A_417 = vector.broadcast %get3A_415 : vector<1x499xi32> to vector<500x499xi32>
    %eq3A_418 = arith.cmpi eq, %eq3A_416, %eq3A_417 : vector<500x499xi32>
    %convert_element_type3A_419 = arith.extui %eq3A_418 : vector<500x499xi1> to vector<500x499xi32>
    %convert_element_type3A_420 = arith.sitofp %convert_element_type3A_419 : vector<500x499xi32> to vector<500x499xf32>
    %reduce_sum3A_421 = arith.constant dense<0.000000e+00> : vector<500xf32>
    %reduce_sum3A_422 = vector.multi_reduction <add>, %convert_element_type3A_420, %reduce_sum3A_421 [1] : vector<500x499xf32> to vector<500xf32>
    %broadcast_in_dim3A_423 = vector.shape_cast %reduce_sum3A_422 : vector<500xf32> to vector<500x1xf32>
    %add3A_424 = arith.constant 1.000000e+00 : f32
    %add3A_425 = vector.broadcast %add3A_424 : f32 to vector<500x1xf32>
    %add3A_426 = arith.addf %add3A_425, %broadcast_in_dim3A_423 : vector<500x1xf32>
    %rsqrt3A_427 = math.rsqrt %add3A_426 : vector<500x1xf32>
    %mul3A_428 = arith.mulf %rsqrt3A_427, %rsqrt3A_427 : vector<500x1xf32>
    %slice3A_429 = vector.extract_strided_slice %rsqrt3A_427 {offsets = [0, 0], sizes = [499, 1], strides = [1, 1]} : vector<500x1xf32> to vector<499x1xf32>
    %slice3A_430 = vector.extract_strided_slice %rsqrt3A_427 {offsets = [1, 0], sizes = [499, 1], strides = [1, 1]} : vector<500x1xf32> to vector<499x1xf32>
    %mul3A_431 = arith.mulf %slice3A_429, %slice3A_430 : vector<499x1xf32>
    %get3A_432 = arith.constant 0 : index
    %get3A_433 = arith.constant 2 : index
    %get3A_434 = arith.constant 0 : index
    %get3A_435 = vector.load %arg2[%get3A_432, %get3A_433, %get3A_434] : memref<500x8x64xf32, #tpu.memory_space<vmem>>, vector<500x1x64xf32>
    %get3A_436 = vector.shape_cast %get3A_435 : vector<500x1x64xf32> to vector<500x64xf32>
    %get3A_437 = arith.constant 0 : index
    %get3A_438 = arith.constant 0 : index
    %get3A_439 = vector.load %arg9[%get3A_437, %get3A_438] : memref<64x8xf32, #tpu.memory_space<vmem>>, vector<64x8xf32>
    %dot_general3A_440 = arith.constant dense<0.000000e+00> : vector<500x8xf32>
    %dot_general3A_441 = tpu.matmul %get3A_436, %get3A_439, %dot_general3A_440 {dimension_numbers = #tpu.dot_dimension_numbers<[1], [0], [0], [1], [0, 0, 1, 1], [], []>, transpose_lhs_hint = false} : vector<500x64xf32>, vector<64x8xf32>, vector<500x8xf32> -> vector<500x8xf32>
    %slice3A_442 = vector.extract_strided_slice %dot_general3A_441 {offsets = [0, 0], sizes = [499, 8], strides = [1, 1]} : vector<500x8xf32> to vector<499x8xf32>
    %mul3A_443 = vector.broadcast %mul3A_431 : vector<499x1xf32> to vector<499x8xf32>
    %mul3A_444 = arith.mulf %mul3A_443, %slice3A_442 : vector<499x8xf32>
    %dot_general3A_445 = arith.constant dense<0.000000e+00> : vector<500x8xf32>
    %dot_general3A_446 = tpu.matmul %convert_element_type3A_420, %mul3A_444, %dot_general3A_445 {dimension_numbers = #tpu.dot_dimension_numbers<[1], [0], [0], [1], [0, 0, 1, 1], [], []>, transpose_lhs_hint = false} : vector<500x499xf32>, vector<499x8xf32>, vector<500x8xf32> -> vector<500x8xf32>
    %mul3A_447 = vector.broadcast %mul3A_428 : vector<500x1xf32> to vector<500x8xf32>
    %mul3A_448 = arith.mulf %mul3A_447, %dot_general3A_441 : vector<500x8xf32>
    %add3A_449 = arith.addf %dot_general3A_446, %mul3A_448 : vector<500x8xf32>
    %get3A_450 = arith.constant 0 : index
    %get3A_451 = arith.constant 0 : index
    %get3A_452 = vector.load %arg24[%get3A_450, %get3A_451] : memref<1x8xf32, #tpu.memory_space<vmem>>, vector<1x8xf32>
    %add3A_453 = vector.broadcast %get3A_452 : vector<1x8xf32> to vector<500x8xf32>
    %add3A_454 = arith.addf %add3A_449, %add3A_453 : vector<500x8xf32>
    %max3A_455 = arith.constant 0.000000e+00 : f32
    %max3A_456 = vector.broadcast %max3A_455 : f32 to vector<500x8xf32>
    %max3A_457 = arith.maximumf %add3A_454, %max3A_456 : vector<500x8xf32>
    %slice3A_458 = vector.extract_strided_slice %max3A_457 {offsets = [0, 0], sizes = [499, 8], strides = [1, 1]} : vector<500x8xf32> to vector<499x8xf32>
    %mul3A_459 = vector.broadcast %mul3A_431 : vector<499x1xf32> to vector<499x8xf32>
    %mul3A_460 = arith.mulf %mul3A_459, %slice3A_458 : vector<499x8xf32>
    %dot_general3A_461 = arith.constant dense<0.000000e+00> : vector<500x8xf32>
    %dot_general3A_462 = tpu.matmul %convert_element_type3A_420, %mul3A_460, %dot_general3A_461 {dimension_numbers = #tpu.dot_dimension_numbers<[1], [0], [0], [1], [0, 0, 1, 1], [], []>, transpose_lhs_hint = false} : vector<500x499xf32>, vector<499x8xf32>, vector<500x8xf32> -> vector<500x8xf32>
    %mul3A_463 = vector.broadcast %mul3A_428 : vector<500x1xf32> to vector<500x8xf32>
    %mul3A_464 = arith.mulf %mul3A_463, %max3A_457 : vector<500x8xf32>
    %add3A_465 = arith.addf %dot_general3A_462, %mul3A_464 : vector<500x8xf32>
    %get3A_466 = arith.constant 0 : index
    %get3A_467 = arith.constant 0 : index
    %get3A_468 = vector.load %arg10[%get3A_466, %get3A_467] : memref<8x64xf32, #tpu.memory_space<vmem>>, vector<8x64xf32>
    %dot_general3A_469 = arith.constant dense<0.000000e+00> : vector<500x64xf32>
    %dot_general3A_470 = tpu.matmul %add3A_465, %get3A_468, %dot_general3A_469 {dimension_numbers = #tpu.dot_dimension_numbers<[1], [0], [0], [1], [0, 0, 1, 1], [], []>, transpose_lhs_hint = false} : vector<500x8xf32>, vector<8x64xf32>, vector<500x64xf32> -> vector<500x64xf32>
    %get3A_471 = arith.constant 0 : index
    %get3A_472 = arith.constant 0 : index
    %get3A_473 = vector.load %arg25[%get3A_471, %get3A_472] : memref<1x64xf32, #tpu.memory_space<vmem>>, vector<1x64xf32>
    %add3A_474 = vector.broadcast %get3A_473 : vector<1x64xf32> to vector<500x64xf32>
    %add3A_475 = arith.addf %dot_general3A_470, %add3A_474 : vector<500x64xf32>
    %mul3A_476 = vector.broadcast %div3A_6 : vector<500x1xf32> to vector<500x64xf32>
    %mul3A_477 = arith.mulf %add3A_475, %mul3A_476 : vector<500x64xf32>
    %reduce_sum3A_478 = arith.constant dense<0.000000e+00> : vector<64xf32>
    %reduce_sum3A_479 = vector.multi_reduction <add>, %mul3A_477, %reduce_sum3A_478 [0] : vector<500x64xf32> to vector<64xf32>
    %broadcast_in_dim3A_480 = vector.shape_cast %reduce_sum3A_479 : vector<64xf32> to vector<1x64xf32>
    %get3A_481 = arith.constant 0 : index
    %get3A_482 = arith.constant 0 : index
    %get3A_483 = vector.load %arg18[%get3A_481, %get3A_482] : memref<1x64xf32, #tpu.memory_space<vmem>>, vector<1x64xf32>
    %mul3A_484 = arith.mulf %broadcast_in_dim3A_480, %get3A_483 : vector<1x64xf32>
    %reduce_sum3A_485 = arith.constant dense<0.000000e+00> : vector<1xf32>
    %reduce_sum3A_486 = vector.multi_reduction <add>, %mul3A_484, %reduce_sum3A_485 [1] : vector<1x64xf32> to vector<1xf32>
    %broadcast_in_dim3A_487 = vector.shape_cast %reduce_sum3A_486 : vector<1xf32> to vector<1x1xf32>
    %get3A_488 = arith.constant 0 : index
    %get3A_489 = arith.constant 0 : index
    %get3A_490 = vector.load %arg19[%get3A_488, %get3A_489] : memref<64x1xf32, #tpu.memory_space<vmem>>, vector<64x1xf32>
    %dot_general3A_491 = arith.constant dense<0.000000e+00> : vector<500x1xf32>
    %dot_general3A_492 = tpu.matmul %get3A_436, %get3A_490, %dot_general3A_491 {dimension_numbers = #tpu.dot_dimension_numbers<[1], [0], [0], [1], [0, 0, 1, 1], [], []>, transpose_lhs_hint = false} : vector<500x64xf32>, vector<64x1xf32>, vector<500x1xf32> -> vector<500x1xf32>
    %add3A_493 = vector.broadcast %broadcast_in_dim3A_487 : vector<1x1xf32> to vector<500x1xf32>
    %add3A_494 = arith.addf %add3A_493, %dot_general3A_492 : vector<500x1xf32>
    %get3A_495 = arith.constant 0 : index
    %get3A_496 = arith.constant 0 : index
    %get3A_497 = vector.load %arg20[%get3A_495, %get3A_496] : memref<1x1xf32, #tpu.memory_space<vmem>>, vector<1x1xf32>
    %add3A_498 = vector.broadcast %get3A_497 : vector<1x1xf32> to vector<500x1xf32>
    %add3A_499 = arith.addf %add3A_494, %add3A_498 : vector<500x1xf32>
    %logistic3A_500 = arith.negf %add3A_499 : vector<500x1xf32>
    %logistic3A_501 = math.exp %logistic3A_500 : vector<500x1xf32>
    %logistic3A_502 = arith.constant 1.000000e+00 : f32
    %logistic3A_503 = vector.broadcast %logistic3A_502 : f32 to vector<500x1xf32>
    %logistic3A_504 = arith.addf %logistic3A_503, %logistic3A_501 : vector<500x1xf32>
    %logistic3A_505 = arith.divf %logistic3A_503, %logistic3A_504 : vector<500x1xf32>
    %mul3A_506 = vector.broadcast %logistic3A_505 : vector<500x1xf32> to vector<500x64xf32>
    %mul3A_507 = vector.broadcast %broadcast_in_dim3A_480 : vector<1x64xf32> to vector<500x64xf32>
    %mul3A_508 = arith.mulf %mul3A_506, %mul3A_507 : vector<500x64xf32>
    %sub3A_509 = arith.constant 1.000000e+00 : f32
    %sub3A_510 = vector.broadcast %sub3A_509 : f32 to vector<500x1xf32>
    %sub3A_511 = arith.subf %sub3A_510, %logistic3A_505 : vector<500x1xf32>
    %mul3A_512 = vector.broadcast %sub3A_511 : vector<500x1xf32> to vector<500x64xf32>
    %mul3A_513 = arith.mulf %mul3A_512, %get3A_436 : vector<500x64xf32>
    %add3A_514 = arith.addf %mul3A_508, %mul3A_513 : vector<500x64xf32>
    %get3A_515 = arith.constant 0 : index
    %get3A_516 = arith.constant 2 : index
    %get3A_517 = arith.constant 0 : index
    %get3A_518 = vector.load %arg3[%get3A_515, %get3A_516, %get3A_517] : memref<500x8x64xf32, #tpu.memory_space<vmem>>, vector<500x1x64xf32>
    %get3A_519 = vector.shape_cast %get3A_518 : vector<500x1x64xf32> to vector<500x64xf32>
    %get3A_520 = arith.constant 0 : index
    %get3A_521 = arith.constant 0 : index
    %get3A_522 = vector.load %arg21[%get3A_520, %get3A_521] : memref<1x64xf32, #tpu.memory_space<vmem>>, vector<1x64xf32>
    %mul3A_523 = arith.mulf %broadcast_in_dim3A_480, %get3A_522 : vector<1x64xf32>
    %reduce_sum3A_524 = arith.constant dense<0.000000e+00> : vector<1xf32>
    %reduce_sum3A_525 = vector.multi_reduction <add>, %mul3A_523, %reduce_sum3A_524 [1] : vector<1x64xf32> to vector<1xf32>
    %broadcast_in_dim3A_526 = vector.shape_cast %reduce_sum3A_525 : vector<1xf32> to vector<1x1xf32>
    %get3A_527 = arith.constant 0 : index
    %get3A_528 = arith.constant 0 : index
    %get3A_529 = vector.load %arg22[%get3A_527, %get3A_528] : memref<64x1xf32, #tpu.memory_space<vmem>>, vector<64x1xf32>
    %dot_general3A_530 = arith.constant dense<0.000000e+00> : vector<500x1xf32>
    %dot_general3A_531 = tpu.matmul %get3A_519, %get3A_529, %dot_general3A_530 {dimension_numbers = #tpu.dot_dimension_numbers<[1], [0], [0], [1], [0, 0, 1, 1], [], []>, transpose_lhs_hint = false} : vector<500x64xf32>, vector<64x1xf32>, vector<500x1xf32> -> vector<500x1xf32>
    %add3A_532 = vector.broadcast %broadcast_in_dim3A_526 : vector<1x1xf32> to vector<500x1xf32>
    %add3A_533 = arith.addf %add3A_532, %dot_general3A_531 : vector<500x1xf32>
    %get3A_534 = arith.constant 0 : index
    %get3A_535 = arith.constant 0 : index
    %get3A_536 = vector.load %arg23[%get3A_534, %get3A_535] : memref<1x1xf32, #tpu.memory_space<vmem>>, vector<1x1xf32>
    %add3A_537 = vector.broadcast %get3A_536 : vector<1x1xf32> to vector<500x1xf32>
    %add3A_538 = arith.addf %add3A_533, %add3A_537 : vector<500x1xf32>
    %logistic3A_539 = arith.negf %add3A_538 : vector<500x1xf32>
    %logistic3A_540 = math.exp %logistic3A_539 : vector<500x1xf32>
    %logistic3A_541 = arith.constant 1.000000e+00 : f32
    %logistic3A_542 = vector.broadcast %logistic3A_541 : f32 to vector<500x1xf32>
    %logistic3A_543 = arith.addf %logistic3A_542, %logistic3A_540 : vector<500x1xf32>
    %logistic3A_544 = arith.divf %logistic3A_542, %logistic3A_543 : vector<500x1xf32>
    %mul3A_545 = vector.broadcast %logistic3A_544 : vector<500x1xf32> to vector<500x64xf32>
    %mul3A_546 = vector.broadcast %broadcast_in_dim3A_480 : vector<1x64xf32> to vector<500x64xf32>
    %mul3A_547 = arith.mulf %mul3A_545, %mul3A_546 : vector<500x64xf32>
    %sub3A_548 = arith.constant 1.000000e+00 : f32
    %sub3A_549 = vector.broadcast %sub3A_548 : f32 to vector<500x1xf32>
    %sub3A_550 = arith.subf %sub3A_549, %logistic3A_544 : vector<500x1xf32>
    %mul3A_551 = vector.broadcast %sub3A_550 : vector<500x1xf32> to vector<500x64xf32>
    %mul3A_552 = arith.mulf %mul3A_551, %get3A_519 : vector<500x64xf32>
    %add3A_553 = arith.addf %mul3A_547, %mul3A_552 : vector<500x64xf32>
    %get3A_554 = arith.constant 0 : index
    %get3A_555 = arith.constant 0 : index
    %get3A_556 = vector.load %arg7[%get3A_554, %get3A_555] : memref<64x50xf32, #tpu.memory_space<vmem>>, vector<64x50xf32>
    %dot_general3A_557 = arith.constant dense<0.000000e+00> : vector<500x50xf32>
    %dot_general3A_558 = tpu.matmul %add3A_514, %get3A_556, %dot_general3A_557 {dimension_numbers = #tpu.dot_dimension_numbers<[1], [0], [0], [1], [0, 0, 1, 1], [], []>, transpose_lhs_hint = false} : vector<500x64xf32>, vector<64x50xf32>, vector<500x50xf32> -> vector<500x50xf32>
    %reduce_max3A_559 = arith.constant dense<0xFF800000> : vector<500xf32>
    %reduce_max3A_560 = vector.multi_reduction <maximumf>, %dot_general3A_558, %reduce_max3A_559 [1] : vector<500x50xf32> to vector<500xf32>
    %broadcast_in_dim3A_561 = vector.shape_cast %reduce_max3A_560 : vector<500xf32> to vector<500x1xf32>
    %sub3A_562 = vector.broadcast %broadcast_in_dim3A_561 : vector<500x1xf32> to vector<500x50xf32>
    %sub3A_563 = arith.subf %dot_general3A_558, %sub3A_562 : vector<500x50xf32>
    %exp3A_564 = math.exp %sub3A_563 : vector<500x50xf32>
    %reduce_sum3A_565 = arith.constant dense<0.000000e+00> : vector<500xf32>
    %reduce_sum3A_566 = vector.multi_reduction <add>, %exp3A_564, %reduce_sum3A_565 [1] : vector<500x50xf32> to vector<500xf32>
    %broadcast_in_dim3A_567 = vector.shape_cast %reduce_sum3A_566 : vector<500xf32> to vector<500x1xf32>
    %div3A_568 = vector.broadcast %broadcast_in_dim3A_567 : vector<500x1xf32> to vector<500x50xf32>
    %div3A_569 = arith.divf %exp3A_564, %div3A_568 : vector<500x50xf32>
    %get3A_570 = arith.constant 0 : index
    %get3A_571 = arith.constant 0 : index
    %get3A_572 = vector.load %arg11[%get3A_570, %get3A_571] : memref<64x64xf32, #tpu.memory_space<vmem>>, vector<64x64xf32>
    %dot_general3A_573 = arith.constant dense<0.000000e+00> : vector<500x64xf32>
    %dot_general3A_574 = tpu.matmul %add3A_553, %get3A_572, %dot_general3A_573 {dimension_numbers = #tpu.dot_dimension_numbers<[1], [0], [0], [1], [0, 0, 1, 1], [], []>, transpose_lhs_hint = false} : vector<500x64xf32>, vector<64x64xf32>, vector<500x64xf32> -> vector<500x64xf32>
    %get3A_575 = arith.constant 0 : index
    %get3A_576 = arith.constant 0 : index
    %get3A_577 = vector.load %arg12[%get3A_575, %get3A_576] : memref<1x64xf32, #tpu.memory_space<vmem>>, vector<1x64xf32>
    %add3A_578 = vector.broadcast %get3A_577 : vector<1x64xf32> to vector<500x64xf32>
    %add3A_579 = arith.addf %dot_general3A_574, %add3A_578 : vector<500x64xf32>
    %logistic3A_580 = arith.negf %add3A_579 : vector<500x64xf32>
    %logistic3A_581 = math.exp %logistic3A_580 : vector<500x64xf32>
    %logistic3A_582 = arith.constant 1.000000e+00 : f32
    %logistic3A_583 = vector.broadcast %logistic3A_582 : f32 to vector<500x64xf32>
    %logistic3A_584 = arith.addf %logistic3A_583, %logistic3A_581 : vector<500x64xf32>
    %logistic3A_585 = arith.divf %logistic3A_583, %logistic3A_584 : vector<500x64xf32>
    %get3A_586 = arith.constant 0 : index
    %get3A_587 = arith.constant 0 : index
    %get3A_588 = vector.load %arg13[%get3A_586, %get3A_587] : memref<64x64xf32, #tpu.memory_space<vmem>>, vector<64x64xf32>
    %dot_general3A_589 = arith.constant dense<0.000000e+00> : vector<500x64xf32>
    %dot_general3A_590 = tpu.matmul %add3A_553, %get3A_588, %dot_general3A_589 {dimension_numbers = #tpu.dot_dimension_numbers<[1], [0], [0], [1], [0, 0, 1, 1], [], []>, transpose_lhs_hint = false} : vector<500x64xf32>, vector<64x64xf32>, vector<500x64xf32> -> vector<500x64xf32>
    %get3A_591 = arith.constant 0 : index
    %get3A_592 = arith.constant 0 : index
    %get3A_593 = vector.load %arg14[%get3A_591, %get3A_592] : memref<1x64xf32, #tpu.memory_space<vmem>>, vector<1x64xf32>
    %add3A_594 = vector.broadcast %get3A_593 : vector<1x64xf32> to vector<500x64xf32>
    %add3A_595 = arith.addf %dot_general3A_590, %add3A_594 : vector<500x64xf32>
    %tanh3A_596 = math.tanh %add3A_595 : vector<500x64xf32>
    %broadcast_in_dim3A_597 = vector.shape_cast %div3A_569 : vector<500x50xf32> to vector<500x1x50xf32>
    %swap3A_598 = arith.constant 0 : index
    %swap3A_599 = arith.constant 2 : index
    %swap3A_600 = arith.constant 0 : index
    %swap3A_601 = vector.load %arg27[%swap3A_598, %swap3A_599, %swap3A_600] : memref<500x8x50xf32, #tpu.memory_space<vmem>>, vector<500x1x50xf32>
    tpu.vector_store %arg27[%swap3A_598, %swap3A_599, %swap3A_600], %broadcast_in_dim3A_597 {strides = array<i32>} : memref<500x8x50xf32, #tpu.memory_space<vmem>>, vector<500x1x50xf32>,
    %broadcast_in_dim3A_602 = vector.shape_cast %logistic3A_585 : vector<500x64xf32> to vector<500x1x64xf32>
    %swap3A_603 = arith.constant 0 : index
    %swap3A_604 = arith.constant 2 : index
    %swap3A_605 = arith.constant 0 : index
    %swap3A_606 = vector.load %arg28[%swap3A_603, %swap3A_604, %swap3A_605] : memref<500x8x64xf32, #tpu.memory_space<vmem>>, vector<500x1x64xf32>
    tpu.vector_store %arg28[%swap3A_603, %swap3A_604, %swap3A_605], %broadcast_in_dim3A_602 {strides = array<i32>} : memref<500x8x64xf32, #tpu.memory_space<vmem>>, vector<500x1x64xf32>,
    %broadcast_in_dim3A_607 = vector.shape_cast %tanh3A_596 : vector<500x64xf32> to vector<500x1x64xf32>
    %swap3A_608 = arith.constant 0 : index
    %swap3A_609 = arith.constant 2 : index
    %swap3A_610 = arith.constant 0 : index
    %swap3A_611 = vector.load %arg29[%swap3A_608, %swap3A_609, %swap3A_610] : memref<500x8x64xf32, #tpu.memory_space<vmem>>, vector<500x1x64xf32>
    tpu.vector_store %arg29[%swap3A_608, %swap3A_609, %swap3A_610], %broadcast_in_dim3A_607 {strides = array<i32>} : memref<500x8x64xf32, #tpu.memory_space<vmem>>, vector<500x1x64xf32>,
    %broadcast_in_dim3A_612 = vector.shape_cast %add3A_514 : vector<500x64xf32> to vector<500x1x64xf32>
    %swap3A_613 = arith.constant 0 : index
    %swap3A_614 = arith.constant 2 : index
    %swap3A_615 = arith.constant 0 : index
    %swap3A_616 = vector.load %arg30[%swap3A_613, %swap3A_614, %swap3A_615] : memref<500x8x64xf32, #tpu.memory_space<vmem>>, vector<500x1x64xf32>
    tpu.vector_store %arg30[%swap3A_613, %swap3A_614, %swap3A_615], %broadcast_in_dim3A_612 {strides = array<i32>} : memref<500x8x64xf32, #tpu.memory_space<vmem>>, vector<500x1x64xf32>,
    %get3A_617 = arith.constant 0 : index
    %get3A_618 = arith.constant 3 : index
    %get3A_619 = vector.load %arg0[%get3A_617, %get3A_618] : memref<500x8xi32, #tpu.memory_space<vmem>>, vector<500x1xi32>
    %get3A_620 = arith.constant 3 : index
    %get3A_621 = arith.constant 0 : index
    %get3A_622 = vector.load %arg1[%get3A_620, %get3A_621] : memref<8x499xi32, #tpu.memory_space<vmem>>, vector<1x499xi32>
    %eq3A_623 = vector.broadcast %get3A_619 : vector<500x1xi32> to vector<500x499xi32>
    %eq3A_624 = vector.broadcast %get3A_622 : vector<1x499xi32> to vector<500x499xi32>
    %eq3A_625 = arith.cmpi eq, %eq3A_623, %eq3A_624 : vector<500x499xi32>
    %convert_element_type3A_626 = arith.extui %eq3A_625 : vector<500x499xi1> to vector<500x499xi32>
    %convert_element_type3A_627 = arith.sitofp %convert_element_type3A_626 : vector<500x499xi32> to vector<500x499xf32>
    %reduce_sum3A_628 = arith.constant dense<0.000000e+00> : vector<500xf32>
    %reduce_sum3A_629 = vector.multi_reduction <add>, %convert_element_type3A_627, %reduce_sum3A_628 [1] : vector<500x499xf32> to vector<500xf32>
    %broadcast_in_dim3A_630 = vector.shape_cast %reduce_sum3A_629 : vector<500xf32> to vector<500x1xf32>
    %add3A_631 = arith.constant 1.000000e+00 : f32
    %add3A_632 = vector.broadcast %add3A_631 : f32 to vector<500x1xf32>
    %add3A_633 = arith.addf %add3A_632, %broadcast_in_dim3A_630 : vector<500x1xf32>
    %rsqrt3A_634 = math.rsqrt %add3A_633 : vector<500x1xf32>
    %mul3A_635 = arith.mulf %rsqrt3A_634, %rsqrt3A_634 : vector<500x1xf32>
    %slice3A_636 = vector.extract_strided_slice %rsqrt3A_634 {offsets = [0, 0], sizes = [499, 1], strides = [1, 1]} : vector<500x1xf32> to vector<499x1xf32>
    %slice3A_637 = vector.extract_strided_slice %rsqrt3A_634 {offsets = [1, 0], sizes = [499, 1], strides = [1, 1]} : vector<500x1xf32> to vector<499x1xf32>
    %mul3A_638 = arith.mulf %slice3A_636, %slice3A_637 : vector<499x1xf32>
    %get3A_639 = arith.constant 0 : index
    %get3A_640 = arith.constant 3 : index
    %get3A_641 = arith.constant 0 : index
    %get3A_642 = vector.load %arg2[%get3A_639, %get3A_640, %get3A_641] : memref<500x8x64xf32, #tpu.memory_space<vmem>>, vector<500x1x64xf32>
    %get3A_643 = vector.shape_cast %get3A_642 : vector<500x1x64xf32> to vector<500x64xf32>
    %get3A_644 = arith.constant 0 : index
    %get3A_645 = arith.constant 0 : index
    %get3A_646 = vector.load %arg9[%get3A_644, %get3A_645] : memref<64x8xf32, #tpu.memory_space<vmem>>, vector<64x8xf32>
    %dot_general3A_647 = arith.constant dense<0.000000e+00> : vector<500x8xf32>
    %dot_general3A_648 = tpu.matmul %get3A_643, %get3A_646, %dot_general3A_647 {dimension_numbers = #tpu.dot_dimension_numbers<[1], [0], [0], [1], [0, 0, 1, 1], [], []>, transpose_lhs_hint = false} : vector<500x64xf32>, vector<64x8xf32>, vector<500x8xf32> -> vector<500x8xf32>
    %slice3A_649 = vector.extract_strided_slice %dot_general3A_648 {offsets = [0, 0], sizes = [499, 8], strides = [1, 1]} : vector<500x8xf32> to vector<499x8xf32>
    %mul3A_650 = vector.broadcast %mul3A_638 : vector<499x1xf32> to vector<499x8xf32>
    %mul3A_651 = arith.mulf %mul3A_650, %slice3A_649 : vector<499x8xf32>
    %dot_general3A_652 = arith.constant dense<0.000000e+00> : vector<500x8xf32>
    %dot_general3A_653 = tpu.matmul %convert_element_type3A_627, %mul3A_651, %dot_general3A_652 {dimension_numbers = #tpu.dot_dimension_numbers<[1], [0], [0], [1], [0, 0, 1, 1], [], []>, transpose_lhs_hint = false} : vector<500x499xf32>, vector<499x8xf32>, vector<500x8xf32> -> vector<500x8xf32>
    %mul3A_654 = vector.broadcast %mul3A_635 : vector<500x1xf32> to vector<500x8xf32>
    %mul3A_655 = arith.mulf %mul3A_654, %dot_general3A_648 : vector<500x8xf32>
    %add3A_656 = arith.addf %dot_general3A_653, %mul3A_655 : vector<500x8xf32>
    %get3A_657 = arith.constant 0 : index
    %get3A_658 = arith.constant 0 : index
    %get3A_659 = vector.load %arg24[%get3A_657, %get3A_658] : memref<1x8xf32, #tpu.memory_space<vmem>>, vector<1x8xf32>
    %add3A_660 = vector.broadcast %get3A_659 : vector<1x8xf32> to vector<500x8xf32>
    %add3A_661 = arith.addf %add3A_656, %add3A_660 : vector<500x8xf32>
    %max3A_662 = arith.constant 0.000000e+00 : f32
    %max3A_663 = vector.broadcast %max3A_662 : f32 to vector<500x8xf32>
    %max3A_664 = arith.maximumf %add3A_661, %max3A_663 : vector<500x8xf32>
    %slice3A_665 = vector.extract_strided_slice %max3A_664 {offsets = [0, 0], sizes = [499, 8], strides = [1, 1]} : vector<500x8xf32> to vector<499x8xf32>
    %mul3A_666 = vector.broadcast %mul3A_638 : vector<499x1xf32> to vector<499x8xf32>
    %mul3A_667 = arith.mulf %mul3A_666, %slice3A_665 : vector<499x8xf32>
    %dot_general3A_668 = arith.constant dense<0.000000e+00> : vector<500x8xf32>
    %dot_general3A_669 = tpu.matmul %convert_element_type3A_627, %mul3A_667, %dot_general3A_668 {dimension_numbers = #tpu.dot_dimension_numbers<[1], [0], [0], [1], [0, 0, 1, 1], [], []>, transpose_lhs_hint = false} : vector<500x499xf32>, vector<499x8xf32>, vector<500x8xf32> -> vector<500x8xf32>
    %mul3A_670 = vector.broadcast %mul3A_635 : vector<500x1xf32> to vector<500x8xf32>
    %mul3A_671 = arith.mulf %mul3A_670, %max3A_664 : vector<500x8xf32>
    %add3A_672 = arith.addf %dot_general3A_669, %mul3A_671 : vector<500x8xf32>
    %get3A_673 = arith.constant 0 : index
    %get3A_674 = arith.constant 0 : index
    %get3A_675 = vector.load %arg10[%get3A_673, %get3A_674] : memref<8x64xf32, #tpu.memory_space<vmem>>, vector<8x64xf32>
    %dot_general3A_676 = arith.constant dense<0.000000e+00> : vector<500x64xf32>
    %dot_general3A_677 = tpu.matmul %add3A_672, %get3A_675, %dot_general3A_676 {dimension_numbers = #tpu.dot_dimension_numbers<[1], [0], [0], [1], [0, 0, 1, 1], [], []>, transpose_lhs_hint = false} : vector<500x8xf32>, vector<8x64xf32>, vector<500x64xf32> -> vector<500x64xf32>
    %get3A_678 = arith.constant 0 : index
    %get3A_679 = arith.constant 0 : index
    %get3A_680 = vector.load %arg25[%get3A_678, %get3A_679] : memref<1x64xf32, #tpu.memory_space<vmem>>, vector<1x64xf32>
    %add3A_681 = vector.broadcast %get3A_680 : vector<1x64xf32> to vector<500x64xf32>
    %add3A_682 = arith.addf %dot_general3A_677, %add3A_681 : vector<500x64xf32>
    %mul3A_683 = vector.broadcast %div3A_6 : vector<500x1xf32> to vector<500x64xf32>
    %mul3A_684 = arith.mulf %add3A_682, %mul3A_683 : vector<500x64xf32>
    %reduce_sum3A_685 = arith.constant dense<0.000000e+00> : vector<64xf32>
    %reduce_sum3A_686 = vector.multi_reduction <add>, %mul3A_684, %reduce_sum3A_685 [0] : vector<500x64xf32> to vector<64xf32>
    %broadcast_in_dim3A_687 = vector.shape_cast %reduce_sum3A_686 : vector<64xf32> to vector<1x64xf32>
    %get3A_688 = arith.constant 0 : index
    %get3A_689 = arith.constant 0 : index
    %get3A_690 = vector.load %arg18[%get3A_688, %get3A_689] : memref<1x64xf32, #tpu.memory_space<vmem>>, vector<1x64xf32>
    %mul3A_691 = arith.mulf %broadcast_in_dim3A_687, %get3A_690 : vector<1x64xf32>
    %reduce_sum3A_692 = arith.constant dense<0.000000e+00> : vector<1xf32>
    %reduce_sum3A_693 = vector.multi_reduction <add>, %mul3A_691, %reduce_sum3A_692 [1] : vector<1x64xf32> to vector<1xf32>
    %broadcast_in_dim3A_694 = vector.shape_cast %reduce_sum3A_693 : vector<1xf32> to vector<1x1xf32>
    %get3A_695 = arith.constant 0 : index
    %get3A_696 = arith.constant 0 : index
    %get3A_697 = vector.load %arg19[%get3A_695, %get3A_696] : memref<64x1xf32, #tpu.memory_space<vmem>>, vector<64x1xf32>
    %dot_general3A_698 = arith.constant dense<0.000000e+00> : vector<500x1xf32>
    %dot_general3A_699 = tpu.matmul %get3A_643, %get3A_697, %dot_general3A_698 {dimension_numbers = #tpu.dot_dimension_numbers<[1], [0], [0], [1], [0, 0, 1, 1], [], []>, transpose_lhs_hint = false} : vector<500x64xf32>, vector<64x1xf32>, vector<500x1xf32> -> vector<500x1xf32>
    %add3A_700 = vector.broadcast %broadcast_in_dim3A_694 : vector<1x1xf32> to vector<500x1xf32>
    %add3A_701 = arith.addf %add3A_700, %dot_general3A_699 : vector<500x1xf32>
    %get3A_702 = arith.constant 0 : index
    %get3A_703 = arith.constant 0 : index
    %get3A_704 = vector.load %arg20[%get3A_702, %get3A_703] : memref<1x1xf32, #tpu.memory_space<vmem>>, vector<1x1xf32>
    %add3A_705 = vector.broadcast %get3A_704 : vector<1x1xf32> to vector<500x1xf32>
    %add3A_706 = arith.addf %add3A_701, %add3A_705 : vector<500x1xf32>
    %logistic3A_707 = arith.negf %add3A_706 : vector<500x1xf32>
    %logistic3A_708 = math.exp %logistic3A_707 : vector<500x1xf32>
    %logistic3A_709 = arith.constant 1.000000e+00 : f32
    %logistic3A_710 = vector.broadcast %logistic3A_709 : f32 to vector<500x1xf32>
    %logistic3A_711 = arith.addf %logistic3A_710, %logistic3A_708 : vector<500x1xf32>
    %logistic3A_712 = arith.divf %logistic3A_710, %logistic3A_711 : vector<500x1xf32>
    %mul3A_713 = vector.broadcast %logistic3A_712 : vector<500x1xf32> to vector<500x64xf32>
    %mul3A_714 = vector.broadcast %broadcast_in_dim3A_687 : vector<1x64xf32> to vector<500x64xf32>
    %mul3A_715 = arith.mulf %mul3A_713, %mul3A_714 : vector<500x64xf32>
    %sub3A_716 = arith.constant 1.000000e+00 : f32
    %sub3A_717 = vector.broadcast %sub3A_716 : f32 to vector<500x1xf32>
    %sub3A_718 = arith.subf %sub3A_717, %logistic3A_712 : vector<500x1xf32>
    %mul3A_719 = vector.broadcast %sub3A_718 : vector<500x1xf32> to vector<500x64xf32>
    %mul3A_720 = arith.mulf %mul3A_719, %get3A_643 : vector<500x64xf32>
    %add3A_721 = arith.addf %mul3A_715, %mul3A_720 : vector<500x64xf32>
    %get3A_722 = arith.constant 0 : index
    %get3A_723 = arith.constant 3 : index
    %get3A_724 = arith.constant 0 : index
    %get3A_725 = vector.load %arg3[%get3A_722, %get3A_723, %get3A_724] : memref<500x8x64xf32, #tpu.memory_space<vmem>>, vector<500x1x64xf32>
    %get3A_726 = vector.shape_cast %get3A_725 : vector<500x1x64xf32> to vector<500x64xf32>
    %get3A_727 = arith.constant 0 : index
    %get3A_728 = arith.constant 0 : index
    %get3A_729 = vector.load %arg21[%get3A_727, %get3A_728] : memref<1x64xf32, #tpu.memory_space<vmem>>, vector<1x64xf32>
    %mul3A_730 = arith.mulf %broadcast_in_dim3A_687, %get3A_729 : vector<1x64xf32>
    %reduce_sum3A_731 = arith.constant dense<0.000000e+00> : vector<1xf32>
    %reduce_sum3A_732 = vector.multi_reduction <add>, %mul3A_730, %reduce_sum3A_731 [1] : vector<1x64xf32> to vector<1xf32>
    %broadcast_in_dim3A_733 = vector.shape_cast %reduce_sum3A_732 : vector<1xf32> to vector<1x1xf32>
    %get3A_734 = arith.constant 0 : index
    %get3A_735 = arith.constant 0 : index
    %get3A_736 = vector.load %arg22[%get3A_734, %get3A_735] : memref<64x1xf32, #tpu.memory_space<vmem>>, vector<64x1xf32>
    %dot_general3A_737 = arith.constant dense<0.000000e+00> : vector<500x1xf32>
    %dot_general3A_738 = tpu.matmul %get3A_726, %get3A_736, %dot_general3A_737 {dimension_numbers = #tpu.dot_dimension_numbers<[1], [0], [0], [1], [0, 0, 1, 1], [], []>, transpose_lhs_hint = false} : vector<500x64xf32>, vector<64x1xf32>, vector<500x1xf32> -> vector<500x1xf32>
    %add3A_739 = vector.broadcast %broadcast_in_dim3A_733 : vector<1x1xf32> to vector<500x1xf32>
    %add3A_740 = arith.addf %add3A_739, %dot_general3A_738 : vector<500x1xf32>
    %get3A_741 = arith.constant 0 : index
    %get3A_742 = arith.constant 0 : index
    %get3A_743 = vector.load %arg23[%get3A_741, %get3A_742] : memref<1x1xf32, #tpu.memory_space<vmem>>, vector<1x1xf32>
    %add3A_744 = vector.broadcast %get3A_743 : vector<1x1xf32> to vector<500x1xf32>
    %add3A_745 = arith.addf %add3A_740, %add3A_744 : vector<500x1xf32>
    %logistic3A_746 = arith.negf %add3A_745 : vector<500x1xf32>
    %logistic3A_747 = math.exp %logistic3A_746 : vector<500x1xf32>
    %logistic3A_748 = arith.constant 1.000000e+00 : f32
    %logistic3A_749 = vector.broadcast %logistic3A_748 : f32 to vector<500x1xf32>
    %logistic3A_750 = arith.addf %logistic3A_749, %logistic3A_747 : vector<500x1xf32>
    %logistic3A_751 = arith.divf %logistic3A_749, %logistic3A_750 : vector<500x1xf32>
    %mul3A_752 = vector.broadcast %logistic3A_751 : vector<500x1xf32> to vector<500x64xf32>
    %mul3A_753 = vector.broadcast %broadcast_in_dim3A_687 : vector<1x64xf32> to vector<500x64xf32>
    %mul3A_754 = arith.mulf %mul3A_752, %mul3A_753 : vector<500x64xf32>
    %sub3A_755 = arith.constant 1.000000e+00 : f32
    %sub3A_756 = vector.broadcast %sub3A_755 : f32 to vector<500x1xf32>
    %sub3A_757 = arith.subf %sub3A_756, %logistic3A_751 : vector<500x1xf32>
    %mul3A_758 = vector.broadcast %sub3A_757 : vector<500x1xf32> to vector<500x64xf32>
    %mul3A_759 = arith.mulf %mul3A_758, %get3A_726 : vector<500x64xf32>
    %add3A_760 = arith.addf %mul3A_754, %mul3A_759 : vector<500x64xf32>
    %get3A_761 = arith.constant 0 : index
    %get3A_762 = arith.constant 0 : index
    %get3A_763 = vector.load %arg7[%get3A_761, %get3A_762] : memref<64x50xf32, #tpu.memory_space<vmem>>, vector<64x50xf32>
    %dot_general3A_764 = arith.constant dense<0.000000e+00> : vector<500x50xf32>
    %dot_general3A_765 = tpu.matmul %add3A_721, %get3A_763, %dot_general3A_764 {dimension_numbers = #tpu.dot_dimension_numbers<[1], [0], [0], [1], [0, 0, 1, 1], [], []>, transpose_lhs_hint = false} : vector<500x64xf32>, vector<64x50xf32>, vector<500x50xf32> -> vector<500x50xf32>
    %reduce_max3A_766 = arith.constant dense<0xFF800000> : vector<500xf32>
    %reduce_max3A_767 = vector.multi_reduction <maximumf>, %dot_general3A_765, %reduce_max3A_766 [1] : vector<500x50xf32> to vector<500xf32>
    %broadcast_in_dim3A_768 = vector.shape_cast %reduce_max3A_767 : vector<500xf32> to vector<500x1xf32>
    %sub3A_769 = vector.broadcast %broadcast_in_dim3A_768 : vector<500x1xf32> to vector<500x50xf32>
    %sub3A_770 = arith.subf %dot_general3A_765, %sub3A_769 : vector<500x50xf32>
    %exp3A_771 = math.exp %sub3A_770 : vector<500x50xf32>
    %reduce_sum3A_772 = arith.constant dense<0.000000e+00> : vector<500xf32>
    %reduce_sum3A_773 = vector.multi_reduction <add>, %exp3A_771, %reduce_sum3A_772 [1] : vector<500x50xf32> to vector<500xf32>
    %broadcast_in_dim3A_774 = vector.shape_cast %reduce_sum3A_773 : vector<500xf32> to vector<500x1xf32>
    %div3A_775 = vector.broadcast %broadcast_in_dim3A_774 : vector<500x1xf32> to vector<500x50xf32>
    %div3A_776 = arith.divf %exp3A_771, %div3A_775 : vector<500x50xf32>
    %get3A_777 = arith.constant 0 : index
    %get3A_778 = arith.constant 0 : index
    %get3A_779 = vector.load %arg11[%get3A_777, %get3A_778] : memref<64x64xf32, #tpu.memory_space<vmem>>, vector<64x64xf32>
    %dot_general3A_780 = arith.constant dense<0.000000e+00> : vector<500x64xf32>
    %dot_general3A_781 = tpu.matmul %add3A_760, %get3A_779, %dot_general3A_780 {dimension_numbers = #tpu.dot_dimension_numbers<[1], [0], [0], [1], [0, 0, 1, 1], [], []>, transpose_lhs_hint = false} : vector<500x64xf32>, vector<64x64xf32>, vector<500x64xf32> -> vector<500x64xf32>
    %get3A_782 = arith.constant 0 : index
    %get3A_783 = arith.constant 0 : index
    %get3A_784 = vector.load %arg12[%get3A_782, %get3A_783] : memref<1x64xf32, #tpu.memory_space<vmem>>, vector<1x64xf32>
    %add3A_785 = vector.broadcast %get3A_784 : vector<1x64xf32> to vector<500x64xf32>
    %add3A_786 = arith.addf %dot_general3A_781, %add3A_785 : vector<500x64xf32>
    %logistic3A_787 = arith.negf %add3A_786 : vector<500x64xf32>
    %logistic3A_788 = math.exp %logistic3A_787 : vector<500x64xf32>
    %logistic3A_789 = arith.constant 1.000000e+00 : f32
    %logistic3A_790 = vector.broadcast %logistic3A_789 : f32 to vector<500x64xf32>
    %logistic3A_791 = arith.addf %logistic3A_790, %logistic3A_788 : vector<500x64xf32>
    %logistic3A_792 = arith.divf %logistic3A_790, %logistic3A_791 : vector<500x64xf32>
    %get3A_793 = arith.constant 0 : index
    %get3A_794 = arith.constant 0 : index
    %get3A_795 = vector.load %arg13[%get3A_793, %get3A_794] : memref<64x64xf32, #tpu.memory_space<vmem>>, vector<64x64xf32>
    %dot_general3A_796 = arith.constant dense<0.000000e+00> : vector<500x64xf32>
    %dot_general3A_797 = tpu.matmul %add3A_760, %get3A_795, %dot_general3A_796 {dimension_numbers = #tpu.dot_dimension_numbers<[1], [0], [0], [1], [0, 0, 1, 1], [], []>, transpose_lhs_hint = false} : vector<500x64xf32>, vector<64x64xf32>, vector<500x64xf32> -> vector<500x64xf32>
    %get3A_798 = arith.constant 0 : index
    %get3A_799 = arith.constant 0 : index
    %get3A_800 = vector.load %arg14[%get3A_798, %get3A_799] : memref<1x64xf32, #tpu.memory_space<vmem>>, vector<1x64xf32>
    %add3A_801 = vector.broadcast %get3A_800 : vector<1x64xf32> to vector<500x64xf32>
    %add3A_802 = arith.addf %dot_general3A_797, %add3A_801 : vector<500x64xf32>
    %tanh3A_803 = math.tanh %add3A_802 : vector<500x64xf32>
    %broadcast_in_dim3A_804 = vector.shape_cast %div3A_776 : vector<500x50xf32> to vector<500x1x50xf32>
    %swap3A_805 = arith.constant 0 : index
    %swap3A_806 = arith.constant 3 : index
    %swap3A_807 = arith.constant 0 : index
    %swap3A_808 = vector.load %arg27[%swap3A_805, %swap3A_806, %swap3A_807] : memref<500x8x50xf32, #tpu.memory_space<vmem>>, vector<500x1x50xf32>
    tpu.vector_store %arg27[%swap3A_805, %swap3A_806, %swap3A_807], %broadcast_in_dim3A_804 {strides = array<i32>} : memref<500x8x50xf32, #tpu.memory_space<vmem>>, vector<500x1x50xf32>,
    %broadcast_in_dim3A_809 = vector.shape_cast %logistic3A_792 : vector<500x64xf32> to vector<500x1x64xf32>
    %swap3A_810 = arith.constant 0 : index
    %swap3A_811 = arith.constant 3 : index
    %swap3A_812 = arith.constant 0 : index
    %swap3A_813 = vector.load %arg28[%swap3A_810, %swap3A_811, %swap3A_812] : memref<500x8x64xf32, #tpu.memory_space<vmem>>, vector<500x1x64xf32>
    tpu.vector_store %arg28[%swap3A_810, %swap3A_811, %swap3A_812], %broadcast_in_dim3A_809 {strides = array<i32>} : memref<500x8x64xf32, #tpu.memory_space<vmem>>, vector<500x1x64xf32>,
    %broadcast_in_dim3A_814 = vector.shape_cast %tanh3A_803 : vector<500x64xf32> to vector<500x1x64xf32>
    %swap3A_815 = arith.constant 0 : index
    %swap3A_816 = arith.constant 3 : index
    %swap3A_817 = arith.constant 0 : index
    %swap3A_818 = vector.load %arg29[%swap3A_815, %swap3A_816, %swap3A_817] : memref<500x8x64xf32, #tpu.memory_space<vmem>>, vector<500x1x64xf32>
    tpu.vector_store %arg29[%swap3A_815, %swap3A_816, %swap3A_817], %broadcast_in_dim3A_814 {strides = array<i32>} : memref<500x8x64xf32, #tpu.memory_space<vmem>>, vector<500x1x64xf32>,
    %broadcast_in_dim3A_819 = vector.shape_cast %add3A_721 : vector<500x64xf32> to vector<500x1x64xf32>
    %swap3A_820 = arith.constant 0 : index
    %swap3A_821 = arith.constant 3 : index
    %swap3A_822 = arith.constant 0 : index
    %swap3A_823 = vector.load %arg30[%swap3A_820, %swap3A_821, %swap3A_822] : memref<500x8x64xf32, #tpu.memory_space<vmem>>, vector<500x1x64xf32>
    tpu.vector_store %arg30[%swap3A_820, %swap3A_821, %swap3A_822], %broadcast_in_dim3A_819 {strides = array<i32>} : memref<500x8x64xf32, #tpu.memory_space<vmem>>, vector<500x1x64xf32>,
    %get3A_824 = arith.constant 0 : index
    %get3A_825 = arith.constant 4 : index
    %get3A_826 = vector.load %arg0[%get3A_824, %get3A_825] : memref<500x8xi32, #tpu.memory_space<vmem>>, vector<500x1xi32>
    %get3A_827 = arith.constant 4 : index
    %get3A_828 = arith.constant 0 : index
    %get3A_829 = vector.load %arg1[%get3A_827, %get3A_828] : memref<8x499xi32, #tpu.memory_space<vmem>>, vector<1x499xi32>
    %eq3A_830 = vector.broadcast %get3A_826 : vector<500x1xi32> to vector<500x499xi32>
    %eq3A_831 = vector.broadcast %get3A_829 : vector<1x499xi32> to vector<500x499xi32>
    %eq3A_832 = arith.cmpi eq, %eq3A_830, %eq3A_831 : vector<500x499xi32>
    %convert_element_type3A_833 = arith.extui %eq3A_832 : vector<500x499xi1> to vector<500x499xi32>
    %convert_element_type3A_834 = arith.sitofp %convert_element_type3A_833 : vector<500x499xi32> to vector<500x499xf32>
    %reduce_sum3A_835 = arith.constant dense<0.000000e+00> : vector<500xf32>
    %reduce_sum3A_836 = vector.multi_reduction <add>, %convert_element_type3A_834, %reduce_sum3A_835 [1] : vector<500x499xf32> to vector<500xf32>
    %broadcast_in_dim3A_837 = vector.shape_cast %reduce_sum3A_836 : vector<500xf32> to vector<500x1xf32>
    %add3A_838 = arith.constant 1.000000e+00 : f32
    %add3A_839 = vector.broadcast %add3A_838 : f32 to vector<500x1xf32>
    %add3A_840 = arith.addf %add3A_839, %broadcast_in_dim3A_837 : vector<500x1xf32>
    %rsqrt3A_841 = math.rsqrt %add3A_840 : vector<500x1xf32>
    %mul3A_842 = arith.mulf %rsqrt3A_841, %rsqrt3A_841 : vector<500x1xf32>
    %slice3A_843 = vector.extract_strided_slice %rsqrt3A_841 {offsets = [0, 0], sizes = [499, 1], strides = [1, 1]} : vector<500x1xf32> to vector<499x1xf32>
    %slice3A_844 = vector.extract_strided_slice %rsqrt3A_841 {offsets = [1, 0], sizes = [499, 1], strides = [1, 1]} : vector<500x1xf32> to vector<499x1xf32>
    %mul3A_845 = arith.mulf %slice3A_843, %slice3A_844 : vector<499x1xf32>
    %get3A_846 = arith.constant 0 : index
    %get3A_847 = arith.constant 4 : index
    %get3A_848 = arith.constant 0 : index
    %get3A_849 = vector.load %arg2[%get3A_846, %get3A_847, %get3A_848] : memref<500x8x64xf32, #tpu.memory_space<vmem>>, vector<500x1x64xf32>
    %get3A_850 = vector.shape_cast %get3A_849 : vector<500x1x64xf32> to vector<500x64xf32>
    %get3A_851 = arith.constant 0 : index
    %get3A_852 = arith.constant 0 : index
    %get3A_853 = vector.load %arg9[%get3A_851, %get3A_852] : memref<64x8xf32, #tpu.memory_space<vmem>>, vector<64x8xf32>
    %dot_general3A_854 = arith.constant dense<0.000000e+00> : vector<500x8xf32>
    %dot_general3A_855 = tpu.matmul %get3A_850, %get3A_853, %dot_general3A_854 {dimension_numbers = #tpu.dot_dimension_numbers<[1], [0], [0], [1], [0, 0, 1, 1], [], []>, transpose_lhs_hint = false} : vector<500x64xf32>, vector<64x8xf32>, vector<500x8xf32> -> vector<500x8xf32>
    %slice3A_856 = vector.extract_strided_slice %dot_general3A_855 {offsets = [0, 0], sizes = [499, 8], strides = [1, 1]} : vector<500x8xf32> to vector<499x8xf32>
    %mul3A_857 = vector.broadcast %mul3A_845 : vector<499x1xf32> to vector<499x8xf32>
    %mul3A_858 = arith.mulf %mul3A_857, %slice3A_856 : vector<499x8xf32>
    %dot_general3A_859 = arith.constant dense<0.000000e+00> : vector<500x8xf32>
    %dot_general3A_860 = tpu.matmul %convert_element_type3A_834, %mul3A_858, %dot_general3A_859 {dimension_numbers = #tpu.dot_dimension_numbers<[1], [0], [0], [1], [0, 0, 1, 1], [], []>, transpose_lhs_hint = false} : vector<500x499xf32>, vector<499x8xf32>, vector<500x8xf32> -> vector<500x8xf32>
    %mul3A_861 = vector.broadcast %mul3A_842 : vector<500x1xf32> to vector<500x8xf32>
    %mul3A_862 = arith.mulf %mul3A_861, %dot_general3A_855 : vector<500x8xf32>
    %add3A_863 = arith.addf %dot_general3A_860, %mul3A_862 : vector<500x8xf32>
    %get3A_864 = arith.constant 0 : index
    %get3A_865 = arith.constant 0 : index
    %get3A_866 = vector.load %arg24[%get3A_864, %get3A_865] : memref<1x8xf32, #tpu.memory_space<vmem>>, vector<1x8xf32>
    %add3A_867 = vector.broadcast %get3A_866 : vector<1x8xf32> to vector<500x8xf32>
    %add3A_868 = arith.addf %add3A_863, %add3A_867 : vector<500x8xf32>
    %max3A_869 = arith.constant 0.000000e+00 : f32
    %max3A_870 = vector.broadcast %max3A_869 : f32 to vector<500x8xf32>
    %max3A_871 = arith.maximumf %add3A_868, %max3A_870 : vector<500x8xf32>
    %slice3A_872 = vector.extract_strided_slice %max3A_871 {offsets = [0, 0], sizes = [499, 8], strides = [1, 1]} : vector<500x8xf32> to vector<499x8xf32>
    %mul3A_873 = vector.broadcast %mul3A_845 : vector<499x1xf32> to vector<499x8xf32>
    %mul3A_874 = arith.mulf %mul3A_873, %slice3A_872 : vector<499x8xf32>
    %dot_general3A_875 = arith.constant dense<0.000000e+00> : vector<500x8xf32>
    %dot_general3A_876 = tpu.matmul %convert_element_type3A_834, %mul3A_874, %dot_general3A_875 {dimension_numbers = #tpu.dot_dimension_numbers<[1], [0], [0], [1], [0, 0, 1, 1], [], []>, transpose_lhs_hint = false} : vector<500x499xf32>, vector<499x8xf32>, vector<500x8xf32> -> vector<500x8xf32>
    %mul3A_877 = vector.broadcast %mul3A_842 : vector<500x1xf32> to vector<500x8xf32>
    %mul3A_878 = arith.mulf %mul3A_877, %max3A_871 : vector<500x8xf32>
    %add3A_879 = arith.addf %dot_general3A_876, %mul3A_878 : vector<500x8xf32>
    %get3A_880 = arith.constant 0 : index
    %get3A_881 = arith.constant 0 : index
    %get3A_882 = vector.load %arg10[%get3A_880, %get3A_881] : memref<8x64xf32, #tpu.memory_space<vmem>>, vector<8x64xf32>
    %dot_general3A_883 = arith.constant dense<0.000000e+00> : vector<500x64xf32>
    %dot_general3A_884 = tpu.matmul %add3A_879, %get3A_882, %dot_general3A_883 {dimension_numbers = #tpu.dot_dimension_numbers<[1], [0], [0], [1], [0, 0, 1, 1], [], []>, transpose_lhs_hint = false} : vector<500x8xf32>, vector<8x64xf32>, vector<500x64xf32> -> vector<500x64xf32>
    %get3A_885 = arith.constant 0 : index
    %get3A_886 = arith.constant 0 : index
    %get3A_887 = vector.load %arg25[%get3A_885, %get3A_886] : memref<1x64xf32, #tpu.memory_space<vmem>>, vector<1x64xf32>
    %add3A_888 = vector.broadcast %get3A_887 : vector<1x64xf32> to vector<500x64xf32>
    %add3A_889 = arith.addf %dot_general3A_884, %add3A_888 : vector<500x64xf32>
    %mul3A_890 = vector.broadcast %div3A_6 : vector<500x1xf32> to vector<500x64xf32>
    %mul3A_891 = arith.mulf %add3A_889, %mul3A_890 : vector<500x64xf32>
    %reduce_sum3A_892 = arith.constant dense<0.000000e+00> : vector<64xf32>
    %reduce_sum3A_893 = vector.multi_reduction <add>, %mul3A_891, %reduce_sum3A_892 [0] : vector<500x64xf32> to vector<64xf32>
    %broadcast_in_dim3A_894 = vector.shape_cast %reduce_sum3A_893 : vector<64xf32> to vector<1x64xf32>
    %get3A_895 = arith.constant 0 : index
    %get3A_896 = arith.constant 0 : index
    %get3A_897 = vector.load %arg18[%get3A_895, %get3A_896] : memref<1x64xf32, #tpu.memory_space<vmem>>, vector<1x64xf32>
    %mul3A_898 = arith.mulf %broadcast_in_dim3A_894, %get3A_897 : vector<1x64xf32>
    %reduce_sum3A_899 = arith.constant dense<0.000000e+00> : vector<1xf32>
    %reduce_sum3A_900 = vector.multi_reduction <add>, %mul3A_898, %reduce_sum3A_899 [1] : vector<1x64xf32> to vector<1xf32>
    %broadcast_in_dim3A_901 = vector.shape_cast %reduce_sum3A_900 : vector<1xf32> to vector<1x1xf32>
    %get3A_902 = arith.constant 0 : index
    %get3A_903 = arith.constant 0 : index
    %get3A_904 = vector.load %arg19[%get3A_902, %get3A_903] : memref<64x1xf32, #tpu.memory_space<vmem>>, vector<64x1xf32>
    %dot_general3A_905 = arith.constant dense<0.000000e+00> : vector<500x1xf32>
    %dot_general3A_906 = tpu.matmul %get3A_850, %get3A_904, %dot_general3A_905 {dimension_numbers = #tpu.dot_dimension_numbers<[1], [0], [0], [1], [0, 0, 1, 1], [], []>, transpose_lhs_hint = false} : vector<500x64xf32>, vector<64x1xf32>, vector<500x1xf32> -> vector<500x1xf32>
    %add3A_907 = vector.broadcast %broadcast_in_dim3A_901 : vector<1x1xf32> to vector<500x1xf32>
    %add3A_908 = arith.addf %add3A_907, %dot_general3A_906 : vector<500x1xf32>
    %get3A_909 = arith.constant 0 : index
    %get3A_910 = arith.constant 0 : index
    %get3A_911 = vector.load %arg20[%get3A_909, %get3A_910] : memref<1x1xf32, #tpu.memory_space<vmem>>, vector<1x1xf32>
    %add3A_912 = vector.broadcast %get3A_911 : vector<1x1xf32> to vector<500x1xf32>
    %add3A_913 = arith.addf %add3A_908, %add3A_912 : vector<500x1xf32>
    %logistic3A_914 = arith.negf %add3A_913 : vector<500x1xf32>
    %logistic3A_915 = math.exp %logistic3A_914 : vector<500x1xf32>
    %logistic3A_916 = arith.constant 1.000000e+00 : f32
    %logistic3A_917 = vector.broadcast %logistic3A_916 : f32 to vector<500x1xf32>
    %logistic3A_918 = arith.addf %logistic3A_917, %logistic3A_915 : vector<500x1xf32>
    %logistic3A_919 = arith.divf %logistic3A_917, %logistic3A_918 : vector<500x1xf32>
    %mul3A_920 = vector.broadcast %logistic3A_919 : vector<500x1xf32> to vector<500x64xf32>
    %mul3A_921 = vector.broadcast %broadcast_in_dim3A_894 : vector<1x64xf32> to vector<500x64xf32>
    %mul3A_922 = arith.mulf %mul3A_920, %mul3A_921 : vector<500x64xf32>
    %sub3A_923 = arith.constant 1.000000e+00 : f32
    %sub3A_924 = vector.broadcast %sub3A_923 : f32 to vector<500x1xf32>
    %sub3A_925 = arith.subf %sub3A_924, %logistic3A_919 : vector<500x1xf32>
    %mul3A_926 = vector.broadcast %sub3A_925 : vector<500x1xf32> to vector<500x64xf32>
    %mul3A_927 = arith.mulf %mul3A_926, %get3A_850 : vector<500x64xf32>
    %add3A_928 = arith.addf %mul3A_922, %mul3A_927 : vector<500x64xf32>
    %get3A_929 = arith.constant 0 : index
    %get3A_930 = arith.constant 4 : index
    %get3A_931 = arith.constant 0 : index
    %get3A_932 = vector.load %arg3[%get3A_929, %get3A_930, %get3A_931] : memref<500x8x64xf32, #tpu.memory_space<vmem>>, vector<500x1x64xf32>
    %get3A_933 = vector.shape_cast %get3A_932 : vector<500x1x64xf32> to vector<500x64xf32>
    %get3A_934 = arith.constant 0 : index
    %get3A_935 = arith.constant 0 : index
    %get3A_936 = vector.load %arg21[%get3A_934, %get3A_935] : memref<1x64xf32, #tpu.memory_space<vmem>>, vector<1x64xf32>
    %mul3A_937 = arith.mulf %broadcast_in_dim3A_894, %get3A_936 : vector<1x64xf32>
    %reduce_sum3A_938 = arith.constant dense<0.000000e+00> : vector<1xf32>
    %reduce_sum3A_939 = vector.multi_reduction <add>, %mul3A_937, %reduce_sum3A_938 [1] : vector<1x64xf32> to vector<1xf32>
    %broadcast_in_dim3A_940 = vector.shape_cast %reduce_sum3A_939 : vector<1xf32> to vector<1x1xf32>
    %get3A_941 = arith.constant 0 : index
    %get3A_942 = arith.constant 0 : index
    %get3A_943 = vector.load %arg22[%get3A_941, %get3A_942] : memref<64x1xf32, #tpu.memory_space<vmem>>, vector<64x1xf32>
    %dot_general3A_944 = arith.constant dense<0.000000e+00> : vector<500x1xf32>
    %dot_general3A_945 = tpu.matmul %get3A_933, %get3A_943, %dot_general3A_944 {dimension_numbers = #tpu.dot_dimension_numbers<[1], [0], [0], [1], [0, 0, 1, 1], [], []>, transpose_lhs_hint = false} : vector<500x64xf32>, vector<64x1xf32>, vector<500x1xf32> -> vector<500x1xf32>
    %add3A_946 = vector.broadcast %broadcast_in_dim3A_940 : vector<1x1xf32> to vector<500x1xf32>
    %add3A_947 = arith.addf %add3A_946, %dot_general3A_945 : vector<500x1xf32>
    %get3A_948 = arith.constant 0 : index
    %get3A_949 = arith.constant 0 : index
    %get3A_950 = vector.load %arg23[%get3A_948, %get3A_949] : memref<1x1xf32, #tpu.memory_space<vmem>>, vector<1x1xf32>
    %add3A_951 = vector.broadcast %get3A_950 : vector<1x1xf32> to vector<500x1xf32>
    %add3A_952 = arith.addf %add3A_947, %add3A_951 : vector<500x1xf32>
    %logistic3A_953 = arith.negf %add3A_952 : vector<500x1xf32>
    %logistic3A_954 = math.exp %logistic3A_953 : vector<500x1xf32>
    %logistic3A_955 = arith.constant 1.000000e+00 : f32
    %logistic3A_956 = vector.broadcast %logistic3A_955 : f32 to vector<500x1xf32>
    %logistic3A_957 = arith.addf %logistic3A_956, %logistic3A_954 : vector<500x1xf32>
    %logistic3A_958 = arith.divf %logistic3A_956, %logistic3A_957 : vector<500x1xf32>
    %mul3A_959 = vector.broadcast %logistic3A_958 : vector<500x1xf32> to vector<500x64xf32>
    %mul3A_960 = vector.broadcast %broadcast_in_dim3A_894 : vector<1x64xf32> to vector<500x64xf32>
    %mul3A_961 = arith.mulf %mul3A_959, %mul3A_960 : vector<500x64xf32>
    %sub3A_962 = arith.constant 1.000000e+00 : f32
    %sub3A_963 = vector.broadcast %sub3A_962 : f32 to vector<500x1xf32>
    %sub3A_964 = arith.subf %sub3A_963, %logistic3A_958 : vector<500x1xf32>
    %mul3A_965 = vector.broadcast %sub3A_964 : vector<500x1xf32> to vector<500x64xf32>
    %mul3A_966 = arith.mulf %mul3A_965, %get3A_933 : vector<500x64xf32>
    %add3A_967 = arith.addf %mul3A_961, %mul3A_966 : vector<500x64xf32>
    %get3A_968 = arith.constant 0 : index
    %get3A_969 = arith.constant 0 : index
    %get3A_970 = vector.load %arg7[%get3A_968, %get3A_969] : memref<64x50xf32, #tpu.memory_space<vmem>>, vector<64x50xf32>
    %dot_general3A_971 = arith.constant dense<0.000000e+00> : vector<500x50xf32>
    %dot_general3A_972 = tpu.matmul %add3A_928, %get3A_970, %dot_general3A_971 {dimension_numbers = #tpu.dot_dimension_numbers<[1], [0], [0], [1], [0, 0, 1, 1], [], []>, transpose_lhs_hint = false} : vector<500x64xf32>, vector<64x50xf32>, vector<500x50xf32> -> vector<500x50xf32>
    %reduce_max3A_973 = arith.constant dense<0xFF800000> : vector<500xf32>
    %reduce_max3A_974 = vector.multi_reduction <maximumf>, %dot_general3A_972, %reduce_max3A_973 [1] : vector<500x50xf32> to vector<500xf32>
    %broadcast_in_dim3A_975 = vector.shape_cast %reduce_max3A_974 : vector<500xf32> to vector<500x1xf32>
    %sub3A_976 = vector.broadcast %broadcast_in_dim3A_975 : vector<500x1xf32> to vector<500x50xf32>
    %sub3A_977 = arith.subf %dot_general3A_972, %sub3A_976 : vector<500x50xf32>
    %exp3A_978 = math.exp %sub3A_977 : vector<500x50xf32>
    %reduce_sum3A_979 = arith.constant dense<0.000000e+00> : vector<500xf32>
    %reduce_sum3A_980 = vector.multi_reduction <add>, %exp3A_978, %reduce_sum3A_979 [1] : vector<500x50xf32> to vector<500xf32>
    %broadcast_in_dim3A_981 = vector.shape_cast %reduce_sum3A_980 : vector<500xf32> to vector<500x1xf32>
    %div3A_982 = vector.broadcast %broadcast_in_dim3A_981 : vector<500x1xf32> to vector<500x50xf32>
    %div3A_983 = arith.divf %exp3A_978, %div3A_982 : vector<500x50xf32>
    %get3A_984 = arith.constant 0 : index
    %get3A_985 = arith.constant 0 : index
    %get3A_986 = vector.load %arg11[%get3A_984, %get3A_985] : memref<64x64xf32, #tpu.memory_space<vmem>>, vector<64x64xf32>
    %dot_general3A_987 = arith.constant dense<0.000000e+00> : vector<500x64xf32>
    %dot_general3A_988 = tpu.matmul %add3A_967, %get3A_986, %dot_general3A_987 {dimension_numbers = #tpu.dot_dimension_numbers<[1], [0], [0], [1], [0, 0, 1, 1], [], []>, transpose_lhs_hint = false} : vector<500x64xf32>, vector<64x64xf32>, vector<500x64xf32> -> vector<500x64xf32>
    %get3A_989 = arith.constant 0 : index
    %get3A_990 = arith.constant 0 : index
    %get3A_991 = vector.load %arg12[%get3A_989, %get3A_990] : memref<1x64xf32, #tpu.memory_space<vmem>>, vector<1x64xf32>
    %add3A_992 = vector.broadcast %get3A_991 : vector<1x64xf32> to vector<500x64xf32>
    %add3A_993 = arith.addf %dot_general3A_988, %add3A_992 : vector<500x64xf32>
    %logistic3A_994 = arith.negf %add3A_993 : vector<500x64xf32>
    %logistic3A_995 = math.exp %logistic3A_994 : vector<500x64xf32>
    %logistic3A_996 = arith.constant 1.000000e+00 : f32
    %logistic3A_997 = vector.broadcast %logistic3A_996 : f32 to vector<500x64xf32>
    %logistic3A_998 = arith.addf %logistic3A_997, %logistic3A_995 : vector<500x64xf32>
    %logistic3A_999 = arith.divf %logistic3A_997, %logistic3A_998 : vector<500x64xf32>
    %get3A_1000 = arith.constant 0 : index
    %get3A_1001 = arith.constant 0 : index
    %get3A_1002 = vector.load %arg13[%get3A_1000, %get3A_1001] : memref<64x64xf32, #tpu.memory_space<vmem>>, vector<64x64xf32>
    %dot_general3A_1003 = arith.constant dense<0.000000e+00> : vector<500x64xf32>
    %dot_general3A_1004 = tpu.matmul %add3A_967, %get3A_1002, %dot_general3A_1003 {dimension_numbers = #tpu.dot_dimension_numbers<[1], [0], [0], [1], [0, 0, 1, 1], [], []>, transpose_lhs_hint = false} : vector<500x64xf32>, vector<64x64xf32>, vector<500x64xf32> -> vector<500x64xf32>
    %get3A_1005 = arith.constant 0 : index
    %get3A_1006 = arith.constant 0 : index
    %get3A_1007 = vector.load %arg14[%get3A_1005, %get3A_1006] : memref<1x64xf32, #tpu.memory_space<vmem>>, vector<1x64xf32>
    %add3A_1008 = vector.broadcast %get3A_1007 : vector<1x64xf32> to vector<500x64xf32>
    %add3A_1009 = arith.addf %dot_general3A_1004, %add3A_1008 : vector<500x64xf32>
    %tanh3A_1010 = math.tanh %add3A_1009 : vector<500x64xf32>
    %broadcast_in_dim3A_1011 = vector.shape_cast %div3A_983 : vector<500x50xf32> to vector<500x1x50xf32>
    %swap3A_1012 = arith.constant 0 : index
    %swap3A_1013 = arith.constant 4 : index
    %swap3A_1014 = arith.constant 0 : index
    %swap3A_1015 = vector.load %arg27[%swap3A_1012, %swap3A_1013, %swap3A_1014] : memref<500x8x50xf32, #tpu.memory_space<vmem>>, vector<500x1x50xf32>
    tpu.vector_store %arg27[%swap3A_1012, %swap3A_1013, %swap3A_1014], %broadcast_in_dim3A_1011 {strides = array<i32>} : memref<500x8x50xf32, #tpu.memory_space<vmem>>, vector<500x1x50xf32>,
    %broadcast_in_dim3A_1016 = vector.shape_cast %logistic3A_999 : vector<500x64xf32> to vector<500x1x64xf32>
    %swap3A_1017 = arith.constant 0 : index
    %swap3A_1018 = arith.constant 4 : index
    %swap3A_1019 = arith.constant 0 : index
    %swap3A_1020 = vector.load %arg28[%swap3A_1017, %swap3A_1018, %swap3A_1019] : memref<500x8x64xf32, #tpu.memory_space<vmem>>, vector<500x1x64xf32>
    tpu.vector_store %arg28[%swap3A_1017, %swap3A_1018, %swap3A_1019], %broadcast_in_dim3A_1016 {strides = array<i32>} : memref<500x8x64xf32, #tpu.memory_space<vmem>>, vector<500x1x64xf32>,
    %broadcast_in_dim3A_1021 = vector.shape_cast %tanh3A_1010 : vector<500x64xf32> to vector<500x1x64xf32>
    %swap3A_1022 = arith.constant 0 : index
    %swap3A_1023 = arith.constant 4 : index
    %swap3A_1024 = arith.constant 0 : index
    %swap3A_1025 = vector.load %arg29[%swap3A_1022, %swap3A_1023, %swap3A_1024] : memref<500x8x64xf32, #tpu.memory_space<vmem>>, vector<500x1x64xf32>
    tpu.vector_store %arg29[%swap3A_1022, %swap3A_1023, %swap3A_1024], %broadcast_in_dim3A_1021 {strides = array<i32>} : memref<500x8x64xf32, #tpu.memory_space<vmem>>, vector<500x1x64xf32>,
    %broadcast_in_dim3A_1026 = vector.shape_cast %add3A_928 : vector<500x64xf32> to vector<500x1x64xf32>
    %swap3A_1027 = arith.constant 0 : index
    %swap3A_1028 = arith.constant 4 : index
    %swap3A_1029 = arith.constant 0 : index
    %swap3A_1030 = vector.load %arg30[%swap3A_1027, %swap3A_1028, %swap3A_1029] : memref<500x8x64xf32, #tpu.memory_space<vmem>>, vector<500x1x64xf32>
    tpu.vector_store %arg30[%swap3A_1027, %swap3A_1028, %swap3A_1029], %broadcast_in_dim3A_1026 {strides = array<i32>} : memref<500x8x64xf32, #tpu.memory_space<vmem>>, vector<500x1x64xf32>,
    %get3A_1031 = arith.constant 0 : index
    %get3A_1032 = arith.constant 5 : index
    %get3A_1033 = vector.load %arg0[%get3A_1031, %get3A_1032] : memref<500x8xi32, #tpu.memory_space<vmem>>, vector<500x1xi32>
    %get3A_1034 = arith.constant 5 : index
    %get3A_1035 = arith.constant 0 : index
    %get3A_1036 = vector.load %arg1[%get3A_1034, %get3A_1035] : memref<8x499xi32, #tpu.memory_space<vmem>>, vector<1x499xi32>
    %eq3A_1037 = vector.broadcast %get3A_1033 : vector<500x1xi32> to vector<500x499xi32>
    %eq3A_1038 = vector.broadcast %get3A_1036 : vector<1x499xi32> to vector<500x499xi32>
    %eq3A_1039 = arith.cmpi eq, %eq3A_1037, %eq3A_1038 : vector<500x499xi32>
    %convert_element_type3A_1040 = arith.extui %eq3A_1039 : vector<500x499xi1> to vector<500x499xi32>
    %convert_element_type3A_1041 = arith.sitofp %convert_element_type3A_1040 : vector<500x499xi32> to vector<500x499xf32>
    %reduce_sum3A_1042 = arith.constant dense<0.000000e+00> : vector<500xf32>
    %reduce_sum3A_1043 = vector.multi_reduction <add>, %convert_element_type3A_1041, %reduce_sum3A_1042 [1] : vector<500x499xf32> to vector<500xf32>
    %broadcast_in_dim3A_1044 = vector.shape_cast %reduce_sum3A_1043 : vector<500xf32> to vector<500x1xf32>
    %add3A_1045 = arith.constant 1.000000e+00 : f32
    %add3A_1046 = vector.broadcast %add3A_1045 : f32 to vector<500x1xf32>
    %add3A_1047 = arith.addf %add3A_1046, %broadcast_in_dim3A_1044 : vector<500x1xf32>
    %rsqrt3A_1048 = math.rsqrt %add3A_1047 : vector<500x1xf32>
    %mul3A_1049 = arith.mulf %rsqrt3A_1048, %rsqrt3A_1048 : vector<500x1xf32>
    %slice3A_1050 = vector.extract_strided_slice %rsqrt3A_1048 {offsets = [0, 0], sizes = [499, 1], strides = [1, 1]} : vector<500x1xf32> to vector<499x1xf32>
    %slice3A_1051 = vector.extract_strided_slice %rsqrt3A_1048 {offsets = [1, 0], sizes = [499, 1], strides = [1, 1]} : vector<500x1xf32> to vector<499x1xf32>
    %mul3A_1052 = arith.mulf %slice3A_1050, %slice3A_1051 : vector<499x1xf32>
    %get3A_1053 = arith.constant 0 : index
    %get3A_1054 = arith.constant 5 : index
    %get3A_1055 = arith.constant 0 : index
    %get3A_1056 = vector.load %arg2[%get3A_1053, %get3A_1054, %get3A_1055] : memref<500x8x64xf32, #tpu.memory_space<vmem>>, vector<500x1x64xf32>
    %get3A_1057 = vector.shape_cast %get3A_1056 : vector<500x1x64xf32> to vector<500x64xf32>
    %get3A_1058 = arith.constant 0 : index
    %get3A_1059 = arith.constant 0 : index
    %get3A_1060 = vector.load %arg9[%get3A_1058, %get3A_1059] : memref<64x8xf32, #tpu.memory_space<vmem>>, vector<64x8xf32>
    %dot_general3A_1061 = arith.constant dense<0.000000e+00> : vector<500x8xf32>
    %dot_general3A_1062 = tpu.matmul %get3A_1057, %get3A_1060, %dot_general3A_1061 {dimension_numbers = #tpu.dot_dimension_numbers<[1], [0], [0], [1], [0, 0, 1, 1], [], []>, transpose_lhs_hint = false} : vector<500x64xf32>, vector<64x8xf32>, vector<500x8xf32> -> vector<500x8xf32>
    %slice3A_1063 = vector.extract_strided_slice %dot_general3A_1062 {offsets = [0, 0], sizes = [499, 8], strides = [1, 1]} : vector<500x8xf32> to vector<499x8xf32>
    %mul3A_1064 = vector.broadcast %mul3A_1052 : vector<499x1xf32> to vector<499x8xf32>
    %mul3A_1065 = arith.mulf %mul3A_1064, %slice3A_1063 : vector<499x8xf32>
    %dot_general3A_1066 = arith.constant dense<0.000000e+00> : vector<500x8xf32>
    %dot_general3A_1067 = tpu.matmul %convert_element_type3A_1041, %mul3A_1065, %dot_general3A_1066 {dimension_numbers = #tpu.dot_dimension_numbers<[1], [0], [0], [1], [0, 0, 1, 1], [], []>, transpose_lhs_hint = false} : vector<500x499xf32>, vector<499x8xf32>, vector<500x8xf32> -> vector<500x8xf32>
    %mul3A_1068 = vector.broadcast %mul3A_1049 : vector<500x1xf32> to vector<500x8xf32>
    %mul3A_1069 = arith.mulf %mul3A_1068, %dot_general3A_1062 : vector<500x8xf32>
    %add3A_1070 = arith.addf %dot_general3A_1067, %mul3A_1069 : vector<500x8xf32>
    %get3A_1071 = arith.constant 0 : index
    %get3A_1072 = arith.constant 0 : index
    %get3A_1073 = vector.load %arg24[%get3A_1071, %get3A_1072] : memref<1x8xf32, #tpu.memory_space<vmem>>, vector<1x8xf32>
    %add3A_1074 = vector.broadcast %get3A_1073 : vector<1x8xf32> to vector<500x8xf32>
    %add3A_1075 = arith.addf %add3A_1070, %add3A_1074 : vector<500x8xf32>
    %max3A_1076 = arith.constant 0.000000e+00 : f32
    %max3A_1077 = vector.broadcast %max3A_1076 : f32 to vector<500x8xf32>
    %max3A_1078 = arith.maximumf %add3A_1075, %max3A_1077 : vector<500x8xf32>
    %slice3A_1079 = vector.extract_strided_slice %max3A_1078 {offsets = [0, 0], sizes = [499, 8], strides = [1, 1]} : vector<500x8xf32> to vector<499x8xf32>
    %mul3A_1080 = vector.broadcast %mul3A_1052 : vector<499x1xf32> to vector<499x8xf32>
    %mul3A_1081 = arith.mulf %mul3A_1080, %slice3A_1079 : vector<499x8xf32>
    %dot_general3A_1082 = arith.constant dense<0.000000e+00> : vector<500x8xf32>
    %dot_general3A_1083 = tpu.matmul %convert_element_type3A_1041, %mul3A_1081, %dot_general3A_1082 {dimension_numbers = #tpu.dot_dimension_numbers<[1], [0], [0], [1], [0, 0, 1, 1], [], []>, transpose_lhs_hint = false} : vector<500x499xf32>, vector<499x8xf32>, vector<500x8xf32> -> vector<500x8xf32>
    %mul3A_1084 = vector.broadcast %mul3A_1049 : vector<500x1xf32> to vector<500x8xf32>
    %mul3A_1085 = arith.mulf %mul3A_1084, %max3A_1078 : vector<500x8xf32>
    %add3A_1086 = arith.addf %dot_general3A_1083, %mul3A_1085 : vector<500x8xf32>
    %get3A_1087 = arith.constant 0 : index
    %get3A_1088 = arith.constant 0 : index
    %get3A_1089 = vector.load %arg10[%get3A_1087, %get3A_1088] : memref<8x64xf32, #tpu.memory_space<vmem>>, vector<8x64xf32>
    %dot_general3A_1090 = arith.constant dense<0.000000e+00> : vector<500x64xf32>
    %dot_general3A_1091 = tpu.matmul %add3A_1086, %get3A_1089, %dot_general3A_1090 {dimension_numbers = #tpu.dot_dimension_numbers<[1], [0], [0], [1], [0, 0, 1, 1], [], []>, transpose_lhs_hint = false} : vector<500x8xf32>, vector<8x64xf32>, vector<500x64xf32> -> vector<500x64xf32>
    %get3A_1092 = arith.constant 0 : index
    %get3A_1093 = arith.constant 0 : index
    %get3A_1094 = vector.load %arg25[%get3A_1092, %get3A_1093] : memref<1x64xf32, #tpu.memory_space<vmem>>, vector<1x64xf32>
    %add3A_1095 = vector.broadcast %get3A_1094 : vector<1x64xf32> to vector<500x64xf32>
    %add3A_1096 = arith.addf %dot_general3A_1091, %add3A_1095 : vector<500x64xf32>
    %mul3A_1097 = vector.broadcast %div3A_6 : vector<500x1xf32> to vector<500x64xf32>
    %mul3A_1098 = arith.mulf %add3A_1096, %mul3A_1097 : vector<500x64xf32>
    %reduce_sum3A_1099 = arith.constant dense<0.000000e+00> : vector<64xf32>
    %reduce_sum3A_1100 = vector.multi_reduction <add>, %mul3A_1098, %reduce_sum3A_1099 [0] : vector<500x64xf32> to vector<64xf32>
    %broadcast_in_dim3A_1101 = vector.shape_cast %reduce_sum3A_1100 : vector<64xf32> to vector<1x64xf32>
    %get3A_1102 = arith.constant 0 : index
    %get3A_1103 = arith.constant 0 : index
    %get3A_1104 = vector.load %arg18[%get3A_1102, %get3A_1103] : memref<1x64xf32, #tpu.memory_space<vmem>>, vector<1x64xf32>
    %mul3A_1105 = arith.mulf %broadcast_in_dim3A_1101, %get3A_1104 : vector<1x64xf32>
    %reduce_sum3A_1106 = arith.constant dense<0.000000e+00> : vector<1xf32>
    %reduce_sum3A_1107 = vector.multi_reduction <add>, %mul3A_1105, %reduce_sum3A_1106 [1] : vector<1x64xf32> to vector<1xf32>
    %broadcast_in_dim3A_1108 = vector.shape_cast %reduce_sum3A_1107 : vector<1xf32> to vector<1x1xf32>
    %get3A_1109 = arith.constant 0 : index
    %get3A_1110 = arith.constant 0 : index
    %get3A_1111 = vector.load %arg19[%get3A_1109, %get3A_1110] : memref<64x1xf32, #tpu.memory_space<vmem>>, vector<64x1xf32>
    %dot_general3A_1112 = arith.constant dense<0.000000e+00> : vector<500x1xf32>
    %dot_general3A_1113 = tpu.matmul %get3A_1057, %get3A_1111, %dot_general3A_1112 {dimension_numbers = #tpu.dot_dimension_numbers<[1], [0], [0], [1], [0, 0, 1, 1], [], []>, transpose_lhs_hint = false} : vector<500x64xf32>, vector<64x1xf32>, vector<500x1xf32> -> vector<500x1xf32>
    %add3A_1114 = vector.broadcast %broadcast_in_dim3A_1108 : vector<1x1xf32> to vector<500x1xf32>
    %add3A_1115 = arith.addf %add3A_1114, %dot_general3A_1113 : vector<500x1xf32>
    %get3A_1116 = arith.constant 0 : index
    %get3A_1117 = arith.constant 0 : index
    %get3A_1118 = vector.load %arg20[%get3A_1116, %get3A_1117] : memref<1x1xf32, #tpu.memory_space<vmem>>, vector<1x1xf32>
    %add3A_1119 = vector.broadcast %get3A_1118 : vector<1x1xf32> to vector<500x1xf32>
    %add3A_1120 = arith.addf %add3A_1115, %add3A_1119 : vector<500x1xf32>
    %logistic3A_1121 = arith.negf %add3A_1120 : vector<500x1xf32>
    %logistic3A_1122 = math.exp %logistic3A_1121 : vector<500x1xf32>
    %logistic3A_1123 = arith.constant 1.000000e+00 : f32
    %logistic3A_1124 = vector.broadcast %logistic3A_1123 : f32 to vector<500x1xf32>
    %logistic3A_1125 = arith.addf %logistic3A_1124, %logistic3A_1122 : vector<500x1xf32>
    %logistic3A_1126 = arith.divf %logistic3A_1124, %logistic3A_1125 : vector<500x1xf32>
    %mul3A_1127 = vector.broadcast %logistic3A_1126 : vector<500x1xf32> to vector<500x64xf32>
    %mul3A_1128 = vector.broadcast %broadcast_in_dim3A_1101 : vector<1x64xf32> to vector<500x64xf32>
    %mul3A_1129 = arith.mulf %mul3A_1127, %mul3A_1128 : vector<500x64xf32>
    %sub3A_1130 = arith.constant 1.000000e+00 : f32
    %sub3A_1131 = vector.broadcast %sub3A_1130 : f32 to vector<500x1xf32>
    %sub3A_1132 = arith.subf %sub3A_1131, %logistic3A_1126 : vector<500x1xf32>
    %mul3A_1133 = vector.broadcast %sub3A_1132 : vector<500x1xf32> to vector<500x64xf32>
    %mul3A_1134 = arith.mulf %mul3A_1133, %get3A_1057 : vector<500x64xf32>
    %add3A_1135 = arith.addf %mul3A_1129, %mul3A_1134 : vector<500x64xf32>
    %get3A_1136 = arith.constant 0 : index
    %get3A_1137 = arith.constant 5 : index
    %get3A_1138 = arith.constant 0 : index
    %get3A_1139 = vector.load %arg3[%get3A_1136, %get3A_1137, %get3A_1138] : memref<500x8x64xf32, #tpu.memory_space<vmem>>, vector<500x1x64xf32>
    %get3A_1140 = vector.shape_cast %get3A_1139 : vector<500x1x64xf32> to vector<500x64xf32>
    %get3A_1141 = arith.constant 0 : index
    %get3A_1142 = arith.constant 0 : index
    %get3A_1143 = vector.load %arg21[%get3A_1141, %get3A_1142] : memref<1x64xf32, #tpu.memory_space<vmem>>, vector<1x64xf32>
    %mul3A_1144 = arith.mulf %broadcast_in_dim3A_1101, %get3A_1143 : vector<1x64xf32>
    %reduce_sum3A_1145 = arith.constant dense<0.000000e+00> : vector<1xf32>
    %reduce_sum3A_1146 = vector.multi_reduction <add>, %mul3A_1144, %reduce_sum3A_1145 [1] : vector<1x64xf32> to vector<1xf32>
    %broadcast_in_dim3A_1147 = vector.shape_cast %reduce_sum3A_1146 : vector<1xf32> to vector<1x1xf32>
    %get3A_1148 = arith.constant 0 : index
    %get3A_1149 = arith.constant 0 : index
    %get3A_1150 = vector.load %arg22[%get3A_1148, %get3A_1149] : memref<64x1xf32, #tpu.memory_space<vmem>>, vector<64x1xf32>
    %dot_general3A_1151 = arith.constant dense<0.000000e+00> : vector<500x1xf32>
    %dot_general3A_1152 = tpu.matmul %get3A_1140, %get3A_1150, %dot_general3A_1151 {dimension_numbers = #tpu.dot_dimension_numbers<[1], [0], [0], [1], [0, 0, 1, 1], [], []>, transpose_lhs_hint = false} : vector<500x64xf32>, vector<64x1xf32>, vector<500x1xf32> -> vector<500x1xf32>
    %add3A_1153 = vector.broadcast %broadcast_in_dim3A_1147 : vector<1x1xf32> to vector<500x1xf32>
    %add3A_1154 = arith.addf %add3A_1153, %dot_general3A_1152 : vector<500x1xf32>
    %get3A_1155 = arith.constant 0 : index
    %get3A_1156 = arith.constant 0 : index
    %get3A_1157 = vector.load %arg23[%get3A_1155, %get3A_1156] : memref<1x1xf32, #tpu.memory_space<vmem>>, vector<1x1xf32>
    %add3A_1158 = vector.broadcast %get3A_1157 : vector<1x1xf32> to vector<500x1xf32>
    %add3A_1159 = arith.addf %add3A_1154, %add3A_1158 : vector<500x1xf32>
    %logistic3A_1160 = arith.negf %add3A_1159 : vector<500x1xf32>
    %logistic3A_1161 = math.exp %logistic3A_1160 : vector<500x1xf32>
    %logistic3A_1162 = arith.constant 1.000000e+00 : f32
    %logistic3A_1163 = vector.broadcast %logistic3A_1162 : f32 to vector<500x1xf32>
    %logistic3A_1164 = arith.addf %logistic3A_1163, %logistic3A_1161 : vector<500x1xf32>
    %logistic3A_1165 = arith.divf %logistic3A_1163, %logistic3A_1164 : vector<500x1xf32>
    %mul3A_1166 = vector.broadcast %logistic3A_1165 : vector<500x1xf32> to vector<500x64xf32>
    %mul3A_1167 = vector.broadcast %broadcast_in_dim3A_1101 : vector<1x64xf32> to vector<500x64xf32>
    %mul3A_1168 = arith.mulf %mul3A_1166, %mul3A_1167 : vector<500x64xf32>
    %sub3A_1169 = arith.constant 1.000000e+00 : f32
    %sub3A_1170 = vector.broadcast %sub3A_1169 : f32 to vector<500x1xf32>
    %sub3A_1171 = arith.subf %sub3A_1170, %logistic3A_1165 : vector<500x1xf32>
    %mul3A_1172 = vector.broadcast %sub3A_1171 : vector<500x1xf32> to vector<500x64xf32>
    %mul3A_1173 = arith.mulf %mul3A_1172, %get3A_1140 : vector<500x64xf32>
    %add3A_1174 = arith.addf %mul3A_1168, %mul3A_1173 : vector<500x64xf32>
    %get3A_1175 = arith.constant 0 : index
    %get3A_1176 = arith.constant 0 : index
    %get3A_1177 = vector.load %arg7[%get3A_1175, %get3A_1176] : memref<64x50xf32, #tpu.memory_space<vmem>>, vector<64x50xf32>
    %dot_general3A_1178 = arith.constant dense<0.000000e+00> : vector<500x50xf32>
    %dot_general3A_1179 = tpu.matmul %add3A_1135, %get3A_1177, %dot_general3A_1178 {dimension_numbers = #tpu.dot_dimension_numbers<[1], [0], [0], [1], [0, 0, 1, 1], [], []>, transpose_lhs_hint = false} : vector<500x64xf32>, vector<64x50xf32>, vector<500x50xf32> -> vector<500x50xf32>
    %reduce_max3A_1180 = arith.constant dense<0xFF800000> : vector<500xf32>
    %reduce_max3A_1181 = vector.multi_reduction <maximumf>, %dot_general3A_1179, %reduce_max3A_1180 [1] : vector<500x50xf32> to vector<500xf32>
    %broadcast_in_dim3A_1182 = vector.shape_cast %reduce_max3A_1181 : vector<500xf32> to vector<500x1xf32>
    %sub3A_1183 = vector.broadcast %broadcast_in_dim3A_1182 : vector<500x1xf32> to vector<500x50xf32>
    %sub3A_1184 = arith.subf %dot_general3A_1179, %sub3A_1183 : vector<500x50xf32>
    %exp3A_1185 = math.exp %sub3A_1184 : vector<500x50xf32>
    %reduce_sum3A_1186 = arith.constant dense<0.000000e+00> : vector<500xf32>
    %reduce_sum3A_1187 = vector.multi_reduction <add>, %exp3A_1185, %reduce_sum3A_1186 [1] : vector<500x50xf32> to vector<500xf32>
    %broadcast_in_dim3A_1188 = vector.shape_cast %reduce_sum3A_1187 : vector<500xf32> to vector<500x1xf32>
    %div3A_1189 = vector.broadcast %broadcast_in_dim3A_1188 : vector<500x1xf32> to vector<500x50xf32>
    %div3A_1190 = arith.divf %exp3A_1185, %div3A_1189 : vector<500x50xf32>
    %get3A_1191 = arith.constant 0 : index
    %get3A_1192 = arith.constant 0 : index
    %get3A_1193 = vector.load %arg11[%get3A_1191, %get3A_1192] : memref<64x64xf32, #tpu.memory_space<vmem>>, vector<64x64xf32>
    %dot_general3A_1194 = arith.constant dense<0.000000e+00> : vector<500x64xf32>
    %dot_general3A_1195 = tpu.matmul %add3A_1174, %get3A_1193, %dot_general3A_1194 {dimension_numbers = #tpu.dot_dimension_numbers<[1], [0], [0], [1], [0, 0, 1, 1], [], []>, transpose_lhs_hint = false} : vector<500x64xf32>, vector<64x64xf32>, vector<500x64xf32> -> vector<500x64xf32>
    %get3A_1196 = arith.constant 0 : index
    %get3A_1197 = arith.constant 0 : index
    %get3A_1198 = vector.load %arg12[%get3A_1196, %get3A_1197] : memref<1x64xf32, #tpu.memory_space<vmem>>, vector<1x64xf32>
    %add3A_1199 = vector.broadcast %get3A_1198 : vector<1x64xf32> to vector<500x64xf32>
    %add3A_1200 = arith.addf %dot_general3A_1195, %add3A_1199 : vector<500x64xf32>
    %logistic3A_1201 = arith.negf %add3A_1200 : vector<500x64xf32>
    %logistic3A_1202 = math.exp %logistic3A_1201 : vector<500x64xf32>
    %logistic3A_1203 = arith.constant 1.000000e+00 : f32
    %logistic3A_1204 = vector.broadcast %logistic3A_1203 : f32 to vector<500x64xf32>
    %logistic3A_1205 = arith.addf %logistic3A_1204, %logistic3A_1202 : vector<500x64xf32>
    %logistic3A_1206 = arith.divf %logistic3A_1204, %logistic3A_1205 : vector<500x64xf32>
    %get3A_1207 = arith.constant 0 : index
    %get3A_1208 = arith.constant 0 : index
    %get3A_1209 = vector.load %arg13[%get3A_1207, %get3A_1208] : memref<64x64xf32, #tpu.memory_space<vmem>>, vector<64x64xf32>
    %dot_general3A_1210 = arith.constant dense<0.000000e+00> : vector<500x64xf32>
    %dot_general3A_1211 = tpu.matmul %add3A_1174, %get3A_1209, %dot_general3A_1210 {dimension_numbers = #tpu.dot_dimension_numbers<[1], [0], [0], [1], [0, 0, 1, 1], [], []>, transpose_lhs_hint = false} : vector<500x64xf32>, vector<64x64xf32>, vector<500x64xf32> -> vector<500x64xf32>
    %get3A_1212 = arith.constant 0 : index
    %get3A_1213 = arith.constant 0 : index
    %get3A_1214 = vector.load %arg14[%get3A_1212, %get3A_1213] : memref<1x64xf32, #tpu.memory_space<vmem>>, vector<1x64xf32>
    %add3A_1215 = vector.broadcast %get3A_1214 : vector<1x64xf32> to vector<500x64xf32>
    %add3A_1216 = arith.addf %dot_general3A_1211, %add3A_1215 : vector<500x64xf32>
    %tanh3A_1217 = math.tanh %add3A_1216 : vector<500x64xf32>
    %broadcast_in_dim3A_1218 = vector.shape_cast %div3A_1190 : vector<500x50xf32> to vector<500x1x50xf32>
    %swap3A_1219 = arith.constant 0 : index
    %swap3A_1220 = arith.constant 5 : index
    %swap3A_1221 = arith.constant 0 : index
    %swap3A_1222 = vector.load %arg27[%swap3A_1219, %swap3A_1220, %swap3A_1221] : memref<500x8x50xf32, #tpu.memory_space<vmem>>, vector<500x1x50xf32>
    tpu.vector_store %arg27[%swap3A_1219, %swap3A_1220, %swap3A_1221], %broadcast_in_dim3A_1218 {strides = array<i32>} : memref<500x8x50xf32, #tpu.memory_space<vmem>>, vector<500x1x50xf32>,
    %broadcast_in_dim3A_1223 = vector.shape_cast %logistic3A_1206 : vector<500x64xf32> to vector<500x1x64xf32>
    %swap3A_1224 = arith.constant 0 : index
    %swap3A_1225 = arith.constant 5 : index
    %swap3A_1226 = arith.constant 0 : index
    %swap3A_1227 = vector.load %arg28[%swap3A_1224, %swap3A_1225, %swap3A_1226] : memref<500x8x64xf32, #tpu.memory_space<vmem>>, vector<500x1x64xf32>
    tpu.vector_store %arg28[%swap3A_1224, %swap3A_1225, %swap3A_1226], %broadcast_in_dim3A_1223 {strides = array<i32>} : memref<500x8x64xf32, #tpu.memory_space<vmem>>, vector<500x1x64xf32>,
    %broadcast_in_dim3A_1228 = vector.shape_cast %tanh3A_1217 : vector<500x64xf32> to vector<500x1x64xf32>
    %swap3A_1229 = arith.constant 0 : index
    %swap3A_1230 = arith.constant 5 : index
    %swap3A_1231 = arith.constant 0 : index
    %swap3A_1232 = vector.load %arg29[%swap3A_1229, %swap3A_1230, %swap3A_1231] : memref<500x8x64xf32, #tpu.memory_space<vmem>>, vector<500x1x64xf32>
    tpu.vector_store %arg29[%swap3A_1229, %swap3A_1230, %swap3A_1231], %broadcast_in_dim3A_1228 {strides = array<i32>} : memref<500x8x64xf32, #tpu.memory_space<vmem>>, vector<500x1x64xf32>,
    %broadcast_in_dim3A_1233 = vector.shape_cast %add3A_1135 : vector<500x64xf32> to vector<500x1x64xf32>
    %swap3A_1234 = arith.constant 0 : index
    %swap3A_1235 = arith.constant 5 : index
    %swap3A_1236 = arith.constant 0 : index
    %swap3A_1237 = vector.load %arg30[%swap3A_1234, %swap3A_1235, %swap3A_1236] : memref<500x8x64xf32, #tpu.memory_space<vmem>>, vector<500x1x64xf32>
    tpu.vector_store %arg30[%swap3A_1234, %swap3A_1235, %swap3A_1236], %broadcast_in_dim3A_1233 {strides = array<i32>} : memref<500x8x64xf32, #tpu.memory_space<vmem>>, vector<500x1x64xf32>,
    %get3A_1238 = arith.constant 0 : index
    %get3A_1239 = arith.constant 6 : index
    %get3A_1240 = vector.load %arg0[%get3A_1238, %get3A_1239] : memref<500x8xi32, #tpu.memory_space<vmem>>, vector<500x1xi32>
    %get3A_1241 = arith.constant 6 : index
    %get3A_1242 = arith.constant 0 : index
    %get3A_1243 = vector.load %arg1[%get3A_1241, %get3A_1242] : memref<8x499xi32, #tpu.memory_space<vmem>>, vector<1x499xi32>
    %eq3A_1244 = vector.broadcast %get3A_1240 : vector<500x1xi32> to vector<500x499xi32>
    %eq3A_1245 = vector.broadcast %get3A_1243 : vector<1x499xi32> to vector<500x499xi32>
    %eq3A_1246 = arith.cmpi eq, %eq3A_1244, %eq3A_1245 : vector<500x499xi32>
    %convert_element_type3A_1247 = arith.extui %eq3A_1246 : vector<500x499xi1> to vector<500x499xi32>
    %convert_element_type3A_1248 = arith.sitofp %convert_element_type3A_1247 : vector<500x499xi32> to vector<500x499xf32>
    %reduce_sum3A_1249 = arith.constant dense<0.000000e+00> : vector<500xf32>
    %reduce_sum3A_1250 = vector.multi_reduction <add>, %convert_element_type3A_1248, %reduce_sum3A_1249 [1] : vector<500x499xf32> to vector<500xf32>
    %broadcast_in_dim3A_1251 = vector.shape_cast %reduce_sum3A_1250 : vector<500xf32> to vector<500x1xf32>
    %add3A_1252 = arith.constant 1.000000e+00 : f32
    %add3A_1253 = vector.broadcast %add3A_1252 : f32 to vector<500x1xf32>
    %add3A_1254 = arith.addf %add3A_1253, %broadcast_in_dim3A_1251 : vector<500x1xf32>
    %rsqrt3A_1255 = math.rsqrt %add3A_1254 : vector<500x1xf32>
    %mul3A_1256 = arith.mulf %rsqrt3A_1255, %rsqrt3A_1255 : vector<500x1xf32>
    %slice3A_1257 = vector.extract_strided_slice %rsqrt3A_1255 {offsets = [0, 0], sizes = [499, 1], strides = [1, 1]} : vector<500x1xf32> to vector<499x1xf32>
    %slice3A_1258 = vector.extract_strided_slice %rsqrt3A_1255 {offsets = [1, 0], sizes = [499, 1], strides = [1, 1]} : vector<500x1xf32> to vector<499x1xf32>
    %mul3A_1259 = arith.mulf %slice3A_1257, %slice3A_1258 : vector<499x1xf32>
    %get3A_1260 = arith.constant 0 : index
    %get3A_1261 = arith.constant 6 : index
    %get3A_1262 = arith.constant 0 : index
    %get3A_1263 = vector.load %arg2[%get3A_1260, %get3A_1261, %get3A_1262] : memref<500x8x64xf32, #tpu.memory_space<vmem>>, vector<500x1x64xf32>
    %get3A_1264 = vector.shape_cast %get3A_1263 : vector<500x1x64xf32> to vector<500x64xf32>
    %get3A_1265 = arith.constant 0 : index
    %get3A_1266 = arith.constant 0 : index
    %get3A_1267 = vector.load %arg9[%get3A_1265, %get3A_1266] : memref<64x8xf32, #tpu.memory_space<vmem>>, vector<64x8xf32>
    %dot_general3A_1268 = arith.constant dense<0.000000e+00> : vector<500x8xf32>
    %dot_general3A_1269 = tpu.matmul %get3A_1264, %get3A_1267, %dot_general3A_1268 {dimension_numbers = #tpu.dot_dimension_numbers<[1], [0], [0], [1], [0, 0, 1, 1], [], []>, transpose_lhs_hint = false} : vector<500x64xf32>, vector<64x8xf32>, vector<500x8xf32> -> vector<500x8xf32>
    %slice3A_1270 = vector.extract_strided_slice %dot_general3A_1269 {offsets = [0, 0], sizes = [499, 8], strides = [1, 1]} : vector<500x8xf32> to vector<499x8xf32>
    %mul3A_1271 = vector.broadcast %mul3A_1259 : vector<499x1xf32> to vector<499x8xf32>
    %mul3A_1272 = arith.mulf %mul3A_1271, %slice3A_1270 : vector<499x8xf32>
    %dot_general3A_1273 = arith.constant dense<0.000000e+00> : vector<500x8xf32>
    %dot_general3A_1274 = tpu.matmul %convert_element_type3A_1248, %mul3A_1272, %dot_general3A_1273 {dimension_numbers = #tpu.dot_dimension_numbers<[1], [0], [0], [1], [0, 0, 1, 1], [], []>, transpose_lhs_hint = false} : vector<500x499xf32>, vector<499x8xf32>, vector<500x8xf32> -> vector<500x8xf32>
    %mul3A_1275 = vector.broadcast %mul3A_1256 : vector<500x1xf32> to vector<500x8xf32>
    %mul3A_1276 = arith.mulf %mul3A_1275, %dot_general3A_1269 : vector<500x8xf32>
    %add3A_1277 = arith.addf %dot_general3A_1274, %mul3A_1276 : vector<500x8xf32>
    %get3A_1278 = arith.constant 0 : index
    %get3A_1279 = arith.constant 0 : index
    %get3A_1280 = vector.load %arg24[%get3A_1278, %get3A_1279] : memref<1x8xf32, #tpu.memory_space<vmem>>, vector<1x8xf32>
    %add3A_1281 = vector.broadcast %get3A_1280 : vector<1x8xf32> to vector<500x8xf32>
    %add3A_1282 = arith.addf %add3A_1277, %add3A_1281 : vector<500x8xf32>
    %max3A_1283 = arith.constant 0.000000e+00 : f32
    %max3A_1284 = vector.broadcast %max3A_1283 : f32 to vector<500x8xf32>
    %max3A_1285 = arith.maximumf %add3A_1282, %max3A_1284 : vector<500x8xf32>
    %slice3A_1286 = vector.extract_strided_slice %max3A_1285 {offsets = [0, 0], sizes = [499, 8], strides = [1, 1]} : vector<500x8xf32> to vector<499x8xf32>
    %mul3A_1287 = vector.broadcast %mul3A_1259 : vector<499x1xf32> to vector<499x8xf32>
    %mul3A_1288 = arith.mulf %mul3A_1287, %slice3A_1286 : vector<499x8xf32>
    %dot_general3A_1289 = arith.constant dense<0.000000e+00> : vector<500x8xf32>
    %dot_general3A_1290 = tpu.matmul %convert_element_type3A_1248, %mul3A_1288, %dot_general3A_1289 {dimension_numbers = #tpu.dot_dimension_numbers<[1], [0], [0], [1], [0, 0, 1, 1], [], []>, transpose_lhs_hint = false} : vector<500x499xf32>, vector<499x8xf32>, vector<500x8xf32> -> vector<500x8xf32>
    %mul3A_1291 = vector.broadcast %mul3A_1256 : vector<500x1xf32> to vector<500x8xf32>
    %mul3A_1292 = arith.mulf %mul3A_1291, %max3A_1285 : vector<500x8xf32>
    %add3A_1293 = arith.addf %dot_general3A_1290, %mul3A_1292 : vector<500x8xf32>
    %get3A_1294 = arith.constant 0 : index
    %get3A_1295 = arith.constant 0 : index
    %get3A_1296 = vector.load %arg10[%get3A_1294, %get3A_1295] : memref<8x64xf32, #tpu.memory_space<vmem>>, vector<8x64xf32>
    %dot_general3A_1297 = arith.constant dense<0.000000e+00> : vector<500x64xf32>
    %dot_general3A_1298 = tpu.matmul %add3A_1293, %get3A_1296, %dot_general3A_1297 {dimension_numbers = #tpu.dot_dimension_numbers<[1], [0], [0], [1], [0, 0, 1, 1], [], []>, transpose_lhs_hint = false} : vector<500x8xf32>, vector<8x64xf32>, vector<500x64xf32> -> vector<500x64xf32>
    %get3A_1299 = arith.constant 0 : index
    %get3A_1300 = arith.constant 0 : index
    %get3A_1301 = vector.load %arg25[%get3A_1299, %get3A_1300] : memref<1x64xf32, #tpu.memory_space<vmem>>, vector<1x64xf32>
    %add3A_1302 = vector.broadcast %get3A_1301 : vector<1x64xf32> to vector<500x64xf32>
    %add3A_1303 = arith.addf %dot_general3A_1298, %add3A_1302 : vector<500x64xf32>
    %mul3A_1304 = vector.broadcast %div3A_6 : vector<500x1xf32> to vector<500x64xf32>
    %mul3A_1305 = arith.mulf %add3A_1303, %mul3A_1304 : vector<500x64xf32>
    %reduce_sum3A_1306 = arith.constant dense<0.000000e+00> : vector<64xf32>
    %reduce_sum3A_1307 = vector.multi_reduction <add>, %mul3A_1305, %reduce_sum3A_1306 [0] : vector<500x64xf32> to vector<64xf32>
    %broadcast_in_dim3A_1308 = vector.shape_cast %reduce_sum3A_1307 : vector<64xf32> to vector<1x64xf32>
    %get3A_1309 = arith.constant 0 : index
    %get3A_1310 = arith.constant 0 : index
    %get3A_1311 = vector.load %arg18[%get3A_1309, %get3A_1310] : memref<1x64xf32, #tpu.memory_space<vmem>>, vector<1x64xf32>
    %mul3A_1312 = arith.mulf %broadcast_in_dim3A_1308, %get3A_1311 : vector<1x64xf32>
    %reduce_sum3A_1313 = arith.constant dense<0.000000e+00> : vector<1xf32>
    %reduce_sum3A_1314 = vector.multi_reduction <add>, %mul3A_1312, %reduce_sum3A_1313 [1] : vector<1x64xf32> to vector<1xf32>
    %broadcast_in_dim3A_1315 = vector.shape_cast %reduce_sum3A_1314 : vector<1xf32> to vector<1x1xf32>
    %get3A_1316 = arith.constant 0 : index
    %get3A_1317 = arith.constant 0 : index
    %get3A_1318 = vector.load %arg19[%get3A_1316, %get3A_1317] : memref<64x1xf32, #tpu.memory_space<vmem>>, vector<64x1xf32>
    %dot_general3A_1319 = arith.constant dense<0.000000e+00> : vector<500x1xf32>
    %dot_general3A_1320 = tpu.matmul %get3A_1264, %get3A_1318, %dot_general3A_1319 {dimension_numbers = #tpu.dot_dimension_numbers<[1], [0], [0], [1], [0, 0, 1, 1], [], []>, transpose_lhs_hint = false} : vector<500x64xf32>, vector<64x1xf32>, vector<500x1xf32> -> vector<500x1xf32>
    %add3A_1321 = vector.broadcast %broadcast_in_dim3A_1315 : vector<1x1xf32> to vector<500x1xf32>
    %add3A_1322 = arith.addf %add3A_1321, %dot_general3A_1320 : vector<500x1xf32>
    %get3A_1323 = arith.constant 0 : index
    %get3A_1324 = arith.constant 0 : index
    %get3A_1325 = vector.load %arg20[%get3A_1323, %get3A_1324] : memref<1x1xf32, #tpu.memory_space<vmem>>, vector<1x1xf32>
    %add3A_1326 = vector.broadcast %get3A_1325 : vector<1x1xf32> to vector<500x1xf32>
    %add3A_1327 = arith.addf %add3A_1322, %add3A_1326 : vector<500x1xf32>
    %logistic3A_1328 = arith.negf %add3A_1327 : vector<500x1xf32>
    %logistic3A_1329 = math.exp %logistic3A_1328 : vector<500x1xf32>
    %logistic3A_1330 = arith.constant 1.000000e+00 : f32
    %logistic3A_1331 = vector.broadcast %logistic3A_1330 : f32 to vector<500x1xf32>
    %logistic3A_1332 = arith.addf %logistic3A_1331, %logistic3A_1329 : vector<500x1xf32>
    %logistic3A_1333 = arith.divf %logistic3A_1331, %logistic3A_1332 : vector<500x1xf32>
    %mul3A_1334 = vector.broadcast %logistic3A_1333 : vector<500x1xf32> to vector<500x64xf32>
    %mul3A_1335 = vector.broadcast %broadcast_in_dim3A_1308 : vector<1x64xf32> to vector<500x64xf32>
    %mul3A_1336 = arith.mulf %mul3A_1334, %mul3A_1335 : vector<500x64xf32>
    %sub3A_1337 = arith.constant 1.000000e+00 : f32
    %sub3A_1338 = vector.broadcast %sub3A_1337 : f32 to vector<500x1xf32>
    %sub3A_1339 = arith.subf %sub3A_1338, %logistic3A_1333 : vector<500x1xf32>
    %mul3A_1340 = vector.broadcast %sub3A_1339 : vector<500x1xf32> to vector<500x64xf32>
    %mul3A_1341 = arith.mulf %mul3A_1340, %get3A_1264 : vector<500x64xf32>
    %add3A_1342 = arith.addf %mul3A_1336, %mul3A_1341 : vector<500x64xf32>
    %get3A_1343 = arith.constant 0 : index
    %get3A_1344 = arith.constant 6 : index
    %get3A_1345 = arith.constant 0 : index
    %get3A_1346 = vector.load %arg3[%get3A_1343, %get3A_1344, %get3A_1345] : memref<500x8x64xf32, #tpu.memory_space<vmem>>, vector<500x1x64xf32>
    %get3A_1347 = vector.shape_cast %get3A_1346 : vector<500x1x64xf32> to vector<500x64xf32>
    %get3A_1348 = arith.constant 0 : index
    %get3A_1349 = arith.constant 0 : index
    %get3A_1350 = vector.load %arg21[%get3A_1348, %get3A_1349] : memref<1x64xf32, #tpu.memory_space<vmem>>, vector<1x64xf32>
    %mul3A_1351 = arith.mulf %broadcast_in_dim3A_1308, %get3A_1350 : vector<1x64xf32>
    %reduce_sum3A_1352 = arith.constant dense<0.000000e+00> : vector<1xf32>
    %reduce_sum3A_1353 = vector.multi_reduction <add>, %mul3A_1351, %reduce_sum3A_1352 [1] : vector<1x64xf32> to vector<1xf32>
    %broadcast_in_dim3A_1354 = vector.shape_cast %reduce_sum3A_1353 : vector<1xf32> to vector<1x1xf32>
    %get3A_1355 = arith.constant 0 : index
    %get3A_1356 = arith.constant 0 : index
    %get3A_1357 = vector.load %arg22[%get3A_1355, %get3A_1356] : memref<64x1xf32, #tpu.memory_space<vmem>>, vector<64x1xf32>
    %dot_general3A_1358 = arith.constant dense<0.000000e+00> : vector<500x1xf32>
    %dot_general3A_1359 = tpu.matmul %get3A_1347, %get3A_1357, %dot_general3A_1358 {dimension_numbers = #tpu.dot_dimension_numbers<[1], [0], [0], [1], [0, 0, 1, 1], [], []>, transpose_lhs_hint = false} : vector<500x64xf32>, vector<64x1xf32>, vector<500x1xf32> -> vector<500x1xf32>
    %add3A_1360 = vector.broadcast %broadcast_in_dim3A_1354 : vector<1x1xf32> to vector<500x1xf32>
    %add3A_1361 = arith.addf %add3A_1360, %dot_general3A_1359 : vector<500x1xf32>
    %get3A_1362 = arith.constant 0 : index
    %get3A_1363 = arith.constant 0 : index
    %get3A_1364 = vector.load %arg23[%get3A_1362, %get3A_1363] : memref<1x1xf32, #tpu.memory_space<vmem>>, vector<1x1xf32>
    %add3A_1365 = vector.broadcast %get3A_1364 : vector<1x1xf32> to vector<500x1xf32>
    %add3A_1366 = arith.addf %add3A_1361, %add3A_1365 : vector<500x1xf32>
    %logistic3A_1367 = arith.negf %add3A_1366 : vector<500x1xf32>
    %logistic3A_1368 = math.exp %logistic3A_1367 : vector<500x1xf32>
    %logistic3A_1369 = arith.constant 1.000000e+00 : f32
    %logistic3A_1370 = vector.broadcast %logistic3A_1369 : f32 to vector<500x1xf32>
    %logistic3A_1371 = arith.addf %logistic3A_1370, %logistic3A_1368 : vector<500x1xf32>
    %logistic3A_1372 = arith.divf %logistic3A_1370, %logistic3A_1371 : vector<500x1xf32>
    %mul3A_1373 = vector.broadcast %logistic3A_1372 : vector<500x1xf32> to vector<500x64xf32>
    %mul3A_1374 = vector.broadcast %broadcast_in_dim3A_1308 : vector<1x64xf32> to vector<500x64xf32>
    %mul3A_1375 = arith.mulf %mul3A_1373, %mul3A_1374 : vector<500x64xf32>
    %sub3A_1376 = arith.constant 1.000000e+00 : f32
    %sub3A_1377 = vector.broadcast %sub3A_1376 : f32 to vector<500x1xf32>
    %sub3A_1378 = arith.subf %sub3A_1377, %logistic3A_1372 : vector<500x1xf32>
    %mul3A_1379 = vector.broadcast %sub3A_1378 : vector<500x1xf32> to vector<500x64xf32>
    %mul3A_1380 = arith.mulf %mul3A_1379, %get3A_1347 : vector<500x64xf32>
    %add3A_1381 = arith.addf %mul3A_1375, %mul3A_1380 : vector<500x64xf32>
    %get3A_1382 = arith.constant 0 : index
    %get3A_1383 = arith.constant 0 : index
    %get3A_1384 = vector.load %arg7[%get3A_1382, %get3A_1383] : memref<64x50xf32, #tpu.memory_space<vmem>>, vector<64x50xf32>
    %dot_general3A_1385 = arith.constant dense<0.000000e+00> : vector<500x50xf32>
    %dot_general3A_1386 = tpu.matmul %add3A_1342, %get3A_1384, %dot_general3A_1385 {dimension_numbers = #tpu.dot_dimension_numbers<[1], [0], [0], [1], [0, 0, 1, 1], [], []>, transpose_lhs_hint = false} : vector<500x64xf32>, vector<64x50xf32>, vector<500x50xf32> -> vector<500x50xf32>
    %reduce_max3A_1387 = arith.constant dense<0xFF800000> : vector<500xf32>
    %reduce_max3A_1388 = vector.multi_reduction <maximumf>, %dot_general3A_1386, %reduce_max3A_1387 [1] : vector<500x50xf32> to vector<500xf32>
    %broadcast_in_dim3A_1389 = vector.shape_cast %reduce_max3A_1388 : vector<500xf32> to vector<500x1xf32>
    %sub3A_1390 = vector.broadcast %broadcast_in_dim3A_1389 : vector<500x1xf32> to vector<500x50xf32>
    %sub3A_1391 = arith.subf %dot_general3A_1386, %sub3A_1390 : vector<500x50xf32>
    %exp3A_1392 = math.exp %sub3A_1391 : vector<500x50xf32>
    %reduce_sum3A_1393 = arith.constant dense<0.000000e+00> : vector<500xf32>
    %reduce_sum3A_1394 = vector.multi_reduction <add>, %exp3A_1392, %reduce_sum3A_1393 [1] : vector<500x50xf32> to vector<500xf32>
    %broadcast_in_dim3A_1395 = vector.shape_cast %reduce_sum3A_1394 : vector<500xf32> to vector<500x1xf32>
    %div3A_1396 = vector.broadcast %broadcast_in_dim3A_1395 : vector<500x1xf32> to vector<500x50xf32>
    %div3A_1397 = arith.divf %exp3A_1392, %div3A_1396 : vector<500x50xf32>
    %get3A_1398 = arith.constant 0 : index
    %get3A_1399 = arith.constant 0 : index
    %get3A_1400 = vector.load %arg11[%get3A_1398, %get3A_1399] : memref<64x64xf32, #tpu.memory_space<vmem>>, vector<64x64xf32>
    %dot_general3A_1401 = arith.constant dense<0.000000e+00> : vector<500x64xf32>
    %dot_general3A_1402 = tpu.matmul %add3A_1381, %get3A_1400, %dot_general3A_1401 {dimension_numbers = #tpu.dot_dimension_numbers<[1], [0], [0], [1], [0, 0, 1, 1], [], []>, transpose_lhs_hint = false} : vector<500x64xf32>, vector<64x64xf32>, vector<500x64xf32> -> vector<500x64xf32>
    %get3A_1403 = arith.constant 0 : index
    %get3A_1404 = arith.constant 0 : index
    %get3A_1405 = vector.load %arg12[%get3A_1403, %get3A_1404] : memref<1x64xf32, #tpu.memory_space<vmem>>, vector<1x64xf32>
    %add3A_1406 = vector.broadcast %get3A_1405 : vector<1x64xf32> to vector<500x64xf32>
    %add3A_1407 = arith.addf %dot_general3A_1402, %add3A_1406 : vector<500x64xf32>
    %logistic3A_1408 = arith.negf %add3A_1407 : vector<500x64xf32>
    %logistic3A_1409 = math.exp %logistic3A_1408 : vector<500x64xf32>
    %logistic3A_1410 = arith.constant 1.000000e+00 : f32
    %logistic3A_1411 = vector.broadcast %logistic3A_1410 : f32 to vector<500x64xf32>
    %logistic3A_1412 = arith.addf %logistic3A_1411, %logistic3A_1409 : vector<500x64xf32>
    %logistic3A_1413 = arith.divf %logistic3A_1411, %logistic3A_1412 : vector<500x64xf32>
    %get3A_1414 = arith.constant 0 : index
    %get3A_1415 = arith.constant 0 : index
    %get3A_1416 = vector.load %arg13[%get3A_1414, %get3A_1415] : memref<64x64xf32, #tpu.memory_space<vmem>>, vector<64x64xf32>
    %dot_general3A_1417 = arith.constant dense<0.000000e+00> : vector<500x64xf32>
    %dot_general3A_1418 = tpu.matmul %add3A_1381, %get3A_1416, %dot_general3A_1417 {dimension_numbers = #tpu.dot_dimension_numbers<[1], [0], [0], [1], [0, 0, 1, 1], [], []>, transpose_lhs_hint = false} : vector<500x64xf32>, vector<64x64xf32>, vector<500x64xf32> -> vector<500x64xf32>
    %get3A_1419 = arith.constant 0 : index
    %get3A_1420 = arith.constant 0 : index
    %get3A_1421 = vector.load %arg14[%get3A_1419, %get3A_1420] : memref<1x64xf32, #tpu.memory_space<vmem>>, vector<1x64xf32>
    %add3A_1422 = vector.broadcast %get3A_1421 : vector<1x64xf32> to vector<500x64xf32>
    %add3A_1423 = arith.addf %dot_general3A_1418, %add3A_1422 : vector<500x64xf32>
    %tanh3A_1424 = math.tanh %add3A_1423 : vector<500x64xf32>
    %broadcast_in_dim3A_1425 = vector.shape_cast %div3A_1397 : vector<500x50xf32> to vector<500x1x50xf32>
    %swap3A_1426 = arith.constant 0 : index
    %swap3A_1427 = arith.constant 6 : index
    %swap3A_1428 = arith.constant 0 : index
    %swap3A_1429 = vector.load %arg27[%swap3A_1426, %swap3A_1427, %swap3A_1428] : memref<500x8x50xf32, #tpu.memory_space<vmem>>, vector<500x1x50xf32>
    tpu.vector_store %arg27[%swap3A_1426, %swap3A_1427, %swap3A_1428], %broadcast_in_dim3A_1425 {strides = array<i32>} : memref<500x8x50xf32, #tpu.memory_space<vmem>>, vector<500x1x50xf32>,
    %broadcast_in_dim3A_1430 = vector.shape_cast %logistic3A_1413 : vector<500x64xf32> to vector<500x1x64xf32>
    %swap3A_1431 = arith.constant 0 : index
    %swap3A_1432 = arith.constant 6 : index
    %swap3A_1433 = arith.constant 0 : index
    %swap3A_1434 = vector.load %arg28[%swap3A_1431, %swap3A_1432, %swap3A_1433] : memref<500x8x64xf32, #tpu.memory_space<vmem>>, vector<500x1x64xf32>
    tpu.vector_store %arg28[%swap3A_1431, %swap3A_1432, %swap3A_1433], %broadcast_in_dim3A_1430 {strides = array<i32>} : memref<500x8x64xf32, #tpu.memory_space<vmem>>, vector<500x1x64xf32>,
    %broadcast_in_dim3A_1435 = vector.shape_cast %tanh3A_1424 : vector<500x64xf32> to vector<500x1x64xf32>
    %swap3A_1436 = arith.constant 0 : index
    %swap3A_1437 = arith.constant 6 : index
    %swap3A_1438 = arith.constant 0 : index
    %swap3A_1439 = vector.load %arg29[%swap3A_1436, %swap3A_1437, %swap3A_1438] : memref<500x8x64xf32, #tpu.memory_space<vmem>>, vector<500x1x64xf32>
    tpu.vector_store %arg29[%swap3A_1436, %swap3A_1437, %swap3A_1438], %broadcast_in_dim3A_1435 {strides = array<i32>} : memref<500x8x64xf32, #tpu.memory_space<vmem>>, vector<500x1x64xf32>,
    %broadcast_in_dim3A_1440 = vector.shape_cast %add3A_1342 : vector<500x64xf32> to vector<500x1x64xf32>
    %swap3A_1441 = arith.constant 0 : index
    %swap3A_1442 = arith.constant 6 : index
    %swap3A_1443 = arith.constant 0 : index
    %swap3A_1444 = vector.load %arg30[%swap3A_1441, %swap3A_1442, %swap3A_1443] : memref<500x8x64xf32, #tpu.memory_space<vmem>>, vector<500x1x64xf32>
    tpu.vector_store %arg30[%swap3A_1441, %swap3A_1442, %swap3A_1443], %broadcast_in_dim3A_1440 {strides = array<i32>} : memref<500x8x64xf32, #tpu.memory_space<vmem>>, vector<500x1x64xf32>,
    %get3A_1445 = arith.constant 0 : index
    %get3A_1446 = arith.constant 7 : index
    %get3A_1447 = vector.load %arg0[%get3A_1445, %get3A_1446] : memref<500x8xi32, #tpu.memory_space<vmem>>, vector<500x1xi32>
    %get3A_1448 = arith.constant 7 : index
    %get3A_1449 = arith.constant 0 : index
    %get3A_1450 = vector.load %arg1[%get3A_1448, %get3A_1449] : memref<8x499xi32, #tpu.memory_space<vmem>>, vector<1x499xi32>
    %eq3A_1451 = vector.broadcast %get3A_1447 : vector<500x1xi32> to vector<500x499xi32>
    %eq3A_1452 = vector.broadcast %get3A_1450 : vector<1x499xi32> to vector<500x499xi32>
    %eq3A_1453 = arith.cmpi eq, %eq3A_1451, %eq3A_1452 : vector<500x499xi32>
    %convert_element_type3A_1454 = arith.extui %eq3A_1453 : vector<500x499xi1> to vector<500x499xi32>
    %convert_element_type3A_1455 = arith.sitofp %convert_element_type3A_1454 : vector<500x499xi32> to vector<500x499xf32>
    %reduce_sum3A_1456 = arith.constant dense<0.000000e+00> : vector<500xf32>
    %reduce_sum3A_1457 = vector.multi_reduction <add>, %convert_element_type3A_1455, %reduce_sum3A_1456 [1] : vector<500x499xf32> to vector<500xf32>
    %broadcast_in_dim3A_1458 = vector.shape_cast %reduce_sum3A_1457 : vector<500xf32> to vector<500x1xf32>
    %add3A_1459 = arith.constant 1.000000e+00 : f32
    %add3A_1460 = vector.broadcast %add3A_1459 : f32 to vector<500x1xf32>
    %add3A_1461 = arith.addf %add3A_1460, %broadcast_in_dim3A_1458 : vector<500x1xf32>
    %rsqrt3A_1462 = math.rsqrt %add3A_1461 : vector<500x1xf32>
    %mul3A_1463 = arith.mulf %rsqrt3A_1462, %rsqrt3A_1462 : vector<500x1xf32>
    %slice3A_1464 = vector.extract_strided_slice %rsqrt3A_1462 {offsets = [0, 0], sizes = [499, 1], strides = [1, 1]} : vector<500x1xf32> to vector<499x1xf32>
    %slice3A_1465 = vector.extract_strided_slice %rsqrt3A_1462 {offsets = [1, 0], sizes = [499, 1], strides = [1, 1]} : vector<500x1xf32> to vector<499x1xf32>
    %mul3A_1466 = arith.mulf %slice3A_1464, %slice3A_1465 : vector<499x1xf32>
    %get3A_1467 = arith.constant 0 : index
    %get3A_1468 = arith.constant 7 : index
    %get3A_1469 = arith.constant 0 : index
    %get3A_1470 = vector.load %arg2[%get3A_1467, %get3A_1468, %get3A_1469] : memref<500x8x64xf32, #tpu.memory_space<vmem>>, vector<500x1x64xf32>
    %get3A_1471 = vector.shape_cast %get3A_1470 : vector<500x1x64xf32> to vector<500x64xf32>
    %get3A_1472 = arith.constant 0 : index
    %get3A_1473 = arith.constant 0 : index
    %get3A_1474 = vector.load %arg9[%get3A_1472, %get3A_1473] : memref<64x8xf32, #tpu.memory_space<vmem>>, vector<64x8xf32>
    %dot_general3A_1475 = arith.constant dense<0.000000e+00> : vector<500x8xf32>
    %dot_general3A_1476 = tpu.matmul %get3A_1471, %get3A_1474, %dot_general3A_1475 {dimension_numbers = #tpu.dot_dimension_numbers<[1], [0], [0], [1], [0, 0, 1, 1], [], []>, transpose_lhs_hint = false} : vector<500x64xf32>, vector<64x8xf32>, vector<500x8xf32> -> vector<500x8xf32>
    %slice3A_1477 = vector.extract_strided_slice %dot_general3A_1476 {offsets = [0, 0], sizes = [499, 8], strides = [1, 1]} : vector<500x8xf32> to vector<499x8xf32>
    %mul3A_1478 = vector.broadcast %mul3A_1466 : vector<499x1xf32> to vector<499x8xf32>
    %mul3A_1479 = arith.mulf %mul3A_1478, %slice3A_1477 : vector<499x8xf32>
    %dot_general3A_1480 = arith.constant dense<0.000000e+00> : vector<500x8xf32>
    %dot_general3A_1481 = tpu.matmul %convert_element_type3A_1455, %mul3A_1479, %dot_general3A_1480 {dimension_numbers = #tpu.dot_dimension_numbers<[1], [0], [0], [1], [0, 0, 1, 1], [], []>, transpose_lhs_hint = false} : vector<500x499xf32>, vector<499x8xf32>, vector<500x8xf32> -> vector<500x8xf32>
    %mul3A_1482 = vector.broadcast %mul3A_1463 : vector<500x1xf32> to vector<500x8xf32>
    %mul3A_1483 = arith.mulf %mul3A_1482, %dot_general3A_1476 : vector<500x8xf32>
    %add3A_1484 = arith.addf %dot_general3A_1481, %mul3A_1483 : vector<500x8xf32>
    %get3A_1485 = arith.constant 0 : index
    %get3A_1486 = arith.constant 0 : index
    %get3A_1487 = vector.load %arg24[%get3A_1485, %get3A_1486] : memref<1x8xf32, #tpu.memory_space<vmem>>, vector<1x8xf32>
    %add3A_1488 = vector.broadcast %get3A_1487 : vector<1x8xf32> to vector<500x8xf32>
    %add3A_1489 = arith.addf %add3A_1484, %add3A_1488 : vector<500x8xf32>
    %max3A_1490 = arith.constant 0.000000e+00 : f32
    %max3A_1491 = vector.broadcast %max3A_1490 : f32 to vector<500x8xf32>
    %max3A_1492 = arith.maximumf %add3A_1489, %max3A_1491 : vector<500x8xf32>
    %slice3A_1493 = vector.extract_strided_slice %max3A_1492 {offsets = [0, 0], sizes = [499, 8], strides = [1, 1]} : vector<500x8xf32> to vector<499x8xf32>
    %mul3A_1494 = vector.broadcast %mul3A_1466 : vector<499x1xf32> to vector<499x8xf32>
    %mul3A_1495 = arith.mulf %mul3A_1494, %slice3A_1493 : vector<499x8xf32>
    %dot_general3A_1496 = arith.constant dense<0.000000e+00> : vector<500x8xf32>
    %dot_general3A_1497 = tpu.matmul %convert_element_type3A_1455, %mul3A_1495, %dot_general3A_1496 {dimension_numbers = #tpu.dot_dimension_numbers<[1], [0], [0], [1], [0, 0, 1, 1], [], []>, transpose_lhs_hint = false} : vector<500x499xf32>, vector<499x8xf32>, vector<500x8xf32> -> vector<500x8xf32>
    %mul3A_1498 = vector.broadcast %mul3A_1463 : vector<500x1xf32> to vector<500x8xf32>
    %mul3A_1499 = arith.mulf %mul3A_1498, %max3A_1492 : vector<500x8xf32>
    %add3A_1500 = arith.addf %dot_general3A_1497, %mul3A_1499 : vector<500x8xf32>
    %get3A_1501 = arith.constant 0 : index
    %get3A_1502 = arith.constant 0 : index
    %get3A_1503 = vector.load %arg10[%get3A_1501, %get3A_1502] : memref<8x64xf32, #tpu.memory_space<vmem>>, vector<8x64xf32>
    %dot_general3A_1504 = arith.constant dense<0.000000e+00> : vector<500x64xf32>
    %dot_general3A_1505 = tpu.matmul %add3A_1500, %get3A_1503, %dot_general3A_1504 {dimension_numbers = #tpu.dot_dimension_numbers<[1], [0], [0], [1], [0, 0, 1, 1], [], []>, transpose_lhs_hint = false} : vector<500x8xf32>, vector<8x64xf32>, vector<500x64xf32> -> vector<500x64xf32>
    %get3A_1506 = arith.constant 0 : index
    %get3A_1507 = arith.constant 0 : index
    %get3A_1508 = vector.load %arg25[%get3A_1506, %get3A_1507] : memref<1x64xf32, #tpu.memory_space<vmem>>, vector<1x64xf32>
    %add3A_1509 = vector.broadcast %get3A_1508 : vector<1x64xf32> to vector<500x64xf32>
    %add3A_1510 = arith.addf %dot_general3A_1505, %add3A_1509 : vector<500x64xf32>
    %mul3A_1511 = vector.broadcast %div3A_6 : vector<500x1xf32> to vector<500x64xf32>
    %mul3A_1512 = arith.mulf %add3A_1510, %mul3A_1511 : vector<500x64xf32>
    %reduce_sum3A_1513 = arith.constant dense<0.000000e+00> : vector<64xf32>
    %reduce_sum3A_1514 = vector.multi_reduction <add>, %mul3A_1512, %reduce_sum3A_1513 [0] : vector<500x64xf32> to vector<64xf32>
    %broadcast_in_dim3A_1515 = vector.shape_cast %reduce_sum3A_1514 : vector<64xf32> to vector<1x64xf32>
    %get3A_1516 = arith.constant 0 : index
    %get3A_1517 = arith.constant 0 : index
    %get3A_1518 = vector.load %arg18[%get3A_1516, %get3A_1517] : memref<1x64xf32, #tpu.memory_space<vmem>>, vector<1x64xf32>
    %mul3A_1519 = arith.mulf %broadcast_in_dim3A_1515, %get3A_1518 : vector<1x64xf32>
    %reduce_sum3A_1520 = arith.constant dense<0.000000e+00> : vector<1xf32>
    %reduce_sum3A_1521 = vector.multi_reduction <add>, %mul3A_1519, %reduce_sum3A_1520 [1] : vector<1x64xf32> to vector<1xf32>
    %broadcast_in_dim3A_1522 = vector.shape_cast %reduce_sum3A_1521 : vector<1xf32> to vector<1x1xf32>
    %get3A_1523 = arith.constant 0 : index
    %get3A_1524 = arith.constant 0 : index
    %get3A_1525 = vector.load %arg19[%get3A_1523, %get3A_1524] : memref<64x1xf32, #tpu.memory_space<vmem>>, vector<64x1xf32>
    %dot_general3A_1526 = arith.constant dense<0.000000e+00> : vector<500x1xf32>
    %dot_general3A_1527 = tpu.matmul %get3A_1471, %get3A_1525, %dot_general3A_1526 {dimension_numbers = #tpu.dot_dimension_numbers<[1], [0], [0], [1], [0, 0, 1, 1], [], []>, transpose_lhs_hint = false} : vector<500x64xf32>, vector<64x1xf32>, vector<500x1xf32> -> vector<500x1xf32>
    %add3A_1528 = vector.broadcast %broadcast_in_dim3A_1522 : vector<1x1xf32> to vector<500x1xf32>
    %add3A_1529 = arith.addf %add3A_1528, %dot_general3A_1527 : vector<500x1xf32>
    %get3A_1530 = arith.constant 0 : index
    %get3A_1531 = arith.constant 0 : index
    %get3A_1532 = vector.load %arg20[%get3A_1530, %get3A_1531] : memref<1x1xf32, #tpu.memory_space<vmem>>, vector<1x1xf32>
    %add3A_1533 = vector.broadcast %get3A_1532 : vector<1x1xf32> to vector<500x1xf32>
    %add3A_1534 = arith.addf %add3A_1529, %add3A_1533 : vector<500x1xf32>
    %logistic3A_1535 = arith.negf %add3A_1534 : vector<500x1xf32>
    %logistic3A_1536 = math.exp %logistic3A_1535 : vector<500x1xf32>
    %logistic3A_1537 = arith.constant 1.000000e+00 : f32
    %logistic3A_1538 = vector.broadcast %logistic3A_1537 : f32 to vector<500x1xf32>
    %logistic3A_1539 = arith.addf %logistic3A_1538, %logistic3A_1536 : vector<500x1xf32>
    %logistic3A_1540 = arith.divf %logistic3A_1538, %logistic3A_1539 : vector<500x1xf32>
    %mul3A_1541 = vector.broadcast %logistic3A_1540 : vector<500x1xf32> to vector<500x64xf32>
    %mul3A_1542 = vector.broadcast %broadcast_in_dim3A_1515 : vector<1x64xf32> to vector<500x64xf32>
    %mul3A_1543 = arith.mulf %mul3A_1541, %mul3A_1542 : vector<500x64xf32>
    %sub3A_1544 = arith.constant 1.000000e+00 : f32
    %sub3A_1545 = vector.broadcast %sub3A_1544 : f32 to vector<500x1xf32>
    %sub3A_1546 = arith.subf %sub3A_1545, %logistic3A_1540 : vector<500x1xf32>
    %mul3A_1547 = vector.broadcast %sub3A_1546 : vector<500x1xf32> to vector<500x64xf32>
    %mul3A_1548 = arith.mulf %mul3A_1547, %get3A_1471 : vector<500x64xf32>
    %add3A_1549 = arith.addf %mul3A_1543, %mul3A_1548 : vector<500x64xf32>
    %get3A_1550 = arith.constant 0 : index
    %get3A_1551 = arith.constant 7 : index
    %get3A_1552 = arith.constant 0 : index
    %get3A_1553 = vector.load %arg3[%get3A_1550, %get3A_1551, %get3A_1552] : memref<500x8x64xf32, #tpu.memory_space<vmem>>, vector<500x1x64xf32>
    %get3A_1554 = vector.shape_cast %get3A_1553 : vector<500x1x64xf32> to vector<500x64xf32>
    %get3A_1555 = arith.constant 0 : index
    %get3A_1556 = arith.constant 0 : index
    %get3A_1557 = vector.load %arg21[%get3A_1555, %get3A_1556] : memref<1x64xf32, #tpu.memory_space<vmem>>, vector<1x64xf32>
    %mul3A_1558 = arith.mulf %broadcast_in_dim3A_1515, %get3A_1557 : vector<1x64xf32>
    %reduce_sum3A_1559 = arith.constant dense<0.000000e+00> : vector<1xf32>
    %reduce_sum3A_1560 = vector.multi_reduction <add>, %mul3A_1558, %reduce_sum3A_1559 [1] : vector<1x64xf32> to vector<1xf32>
    %broadcast_in_dim3A_1561 = vector.shape_cast %reduce_sum3A_1560 : vector<1xf32> to vector<1x1xf32>
    %get3A_1562 = arith.constant 0 : index
    %get3A_1563 = arith.constant 0 : index
    %get3A_1564 = vector.load %arg22[%get3A_1562, %get3A_1563] : memref<64x1xf32, #tpu.memory_space<vmem>>, vector<64x1xf32>
    %dot_general3A_1565 = arith.constant dense<0.000000e+00> : vector<500x1xf32>
    %dot_general3A_1566 = tpu.matmul %get3A_1554, %get3A_1564, %dot_general3A_1565 {dimension_numbers = #tpu.dot_dimension_numbers<[1], [0], [0], [1], [0, 0, 1, 1], [], []>, transpose_lhs_hint = false} : vector<500x64xf32>, vector<64x1xf32>, vector<500x1xf32> -> vector<500x1xf32>
    %add3A_1567 = vector.broadcast %broadcast_in_dim3A_1561 : vector<1x1xf32> to vector<500x1xf32>
    %add3A_1568 = arith.addf %add3A_1567, %dot_general3A_1566 : vector<500x1xf32>
    %get3A_1569 = arith.constant 0 : index
    %get3A_1570 = arith.constant 0 : index
    %get3A_1571 = vector.load %arg23[%get3A_1569, %get3A_1570] : memref<1x1xf32, #tpu.memory_space<vmem>>, vector<1x1xf32>
    %add3A_1572 = vector.broadcast %get3A_1571 : vector<1x1xf32> to vector<500x1xf32>
    %add3A_1573 = arith.addf %add3A_1568, %add3A_1572 : vector<500x1xf32>
    %logistic3A_1574 = arith.negf %add3A_1573 : vector<500x1xf32>
    %logistic3A_1575 = math.exp %logistic3A_1574 : vector<500x1xf32>
    %logistic3A_1576 = arith.constant 1.000000e+00 : f32
    %logistic3A_1577 = vector.broadcast %logistic3A_1576 : f32 to vector<500x1xf32>
    %logistic3A_1578 = arith.addf %logistic3A_1577, %logistic3A_1575 : vector<500x1xf32>
    %logistic3A_1579 = arith.divf %logistic3A_1577, %logistic3A_1578 : vector<500x1xf32>
    %mul3A_1580 = vector.broadcast %logistic3A_1579 : vector<500x1xf32> to vector<500x64xf32>
    %mul3A_1581 = vector.broadcast %broadcast_in_dim3A_1515 : vector<1x64xf32> to vector<500x64xf32>
    %mul3A_1582 = arith.mulf %mul3A_1580, %mul3A_1581 : vector<500x64xf32>
    %sub3A_1583 = arith.constant 1.000000e+00 : f32
    %sub3A_1584 = vector.broadcast %sub3A_1583 : f32 to vector<500x1xf32>
    %sub3A_1585 = arith.subf %sub3A_1584, %logistic3A_1579 : vector<500x1xf32>
    %mul3A_1586 = vector.broadcast %sub3A_1585 : vector<500x1xf32> to vector<500x64xf32>
    %mul3A_1587 = arith.mulf %mul3A_1586, %get3A_1554 : vector<500x64xf32>
    %add3A_1588 = arith.addf %mul3A_1582, %mul3A_1587 : vector<500x64xf32>
    %get3A_1589 = arith.constant 0 : index
    %get3A_1590 = arith.constant 0 : index
    %get3A_1591 = vector.load %arg7[%get3A_1589, %get3A_1590] : memref<64x50xf32, #tpu.memory_space<vmem>>, vector<64x50xf32>
    %dot_general3A_1592 = arith.constant dense<0.000000e+00> : vector<500x50xf32>
    %dot_general3A_1593 = tpu.matmul %add3A_1549, %get3A_1591, %dot_general3A_1592 {dimension_numbers = #tpu.dot_dimension_numbers<[1], [0], [0], [1], [0, 0, 1, 1], [], []>, transpose_lhs_hint = false} : vector<500x64xf32>, vector<64x50xf32>, vector<500x50xf32> -> vector<500x50xf32>
    %reduce_max3A_1594 = arith.constant dense<0xFF800000> : vector<500xf32>
    %reduce_max3A_1595 = vector.multi_reduction <maximumf>, %dot_general3A_1593, %reduce_max3A_1594 [1] : vector<500x50xf32> to vector<500xf32>
    %broadcast_in_dim3A_1596 = vector.shape_cast %reduce_max3A_1595 : vector<500xf32> to vector<500x1xf32>
    %sub3A_1597 = vector.broadcast %broadcast_in_dim3A_1596 : vector<500x1xf32> to vector<500x50xf32>
    %sub3A_1598 = arith.subf %dot_general3A_1593, %sub3A_1597 : vector<500x50xf32>
    %exp3A_1599 = math.exp %sub3A_1598 : vector<500x50xf32>
    %reduce_sum3A_1600 = arith.constant dense<0.000000e+00> : vector<500xf32>
    %reduce_sum3A_1601 = vector.multi_reduction <add>, %exp3A_1599, %reduce_sum3A_1600 [1] : vector<500x50xf32> to vector<500xf32>
    %broadcast_in_dim3A_1602 = vector.shape_cast %reduce_sum3A_1601 : vector<500xf32> to vector<500x1xf32>
    %div3A_1603 = vector.broadcast %broadcast_in_dim3A_1602 : vector<500x1xf32> to vector<500x50xf32>
    %div3A_1604 = arith.divf %exp3A_1599, %div3A_1603 : vector<500x50xf32>
    %get3A_1605 = arith.constant 0 : index
    %get3A_1606 = arith.constant 0 : index
    %get3A_1607 = vector.load %arg11[%get3A_1605, %get3A_1606] : memref<64x64xf32, #tpu.memory_space<vmem>>, vector<64x64xf32>
    %dot_general3A_1608 = arith.constant dense<0.000000e+00> : vector<500x64xf32>
    %dot_general3A_1609 = tpu.matmul %add3A_1588, %get3A_1607, %dot_general3A_1608 {dimension_numbers = #tpu.dot_dimension_numbers<[1], [0], [0], [1], [0, 0, 1, 1], [], []>, transpose_lhs_hint = false} : vector<500x64xf32>, vector<64x64xf32>, vector<500x64xf32> -> vector<500x64xf32>
    %get3A_1610 = arith.constant 0 : index
    %get3A_1611 = arith.constant 0 : index
    %get3A_1612 = vector.load %arg12[%get3A_1610, %get3A_1611] : memref<1x64xf32, #tpu.memory_space<vmem>>, vector<1x64xf32>
    %add3A_1613 = vector.broadcast %get3A_1612 : vector<1x64xf32> to vector<500x64xf32>
    %add3A_1614 = arith.addf %dot_general3A_1609, %add3A_1613 : vector<500x64xf32>
    %logistic3A_1615 = arith.negf %add3A_1614 : vector<500x64xf32>
    %logistic3A_1616 = math.exp %logistic3A_1615 : vector<500x64xf32>
    %logistic3A_1617 = arith.constant 1.000000e+00 : f32
    %logistic3A_1618 = vector.broadcast %logistic3A_1617 : f32 to vector<500x64xf32>
    %logistic3A_1619 = arith.addf %logistic3A_1618, %logistic3A_1616 : vector<500x64xf32>
    %logistic3A_1620 = arith.divf %logistic3A_1618, %logistic3A_1619 : vector<500x64xf32>
    %get3A_1621 = arith.constant 0 : index
    %get3A_1622 = arith.constant 0 : index
    %get3A_1623 = vector.load %arg13[%get3A_1621, %get3A_1622] : memref<64x64xf32, #tpu.memory_space<vmem>>, vector<64x64xf32>
    %dot_general3A_1624 = arith.constant dense<0.000000e+00> : vector<500x64xf32>
    %dot_general3A_1625 = tpu.matmul %add3A_1588, %get3A_1623, %dot_general3A_1624 {dimension_numbers = #tpu.dot_dimension_numbers<[1], [0], [0], [1], [0, 0, 1, 1], [], []>, transpose_lhs_hint = false} : vector<500x64xf32>, vector<64x64xf32>, vector<500x64xf32> -> vector<500x64xf32>
    %get3A_1626 = arith.constant 0 : index
    %get3A_1627 = arith.constant 0 : index
    %get3A_1628 = vector.load %arg14[%get3A_1626, %get3A_1627] : memref<1x64xf32, #tpu.memory_space<vmem>>, vector<1x64xf32>
    %add3A_1629 = vector.broadcast %get3A_1628 : vector<1x64xf32> to vector<500x64xf32>
    %add3A_1630 = arith.addf %dot_general3A_1625, %add3A_1629 : vector<500x64xf32>
    %tanh3A_1631 = math.tanh %add3A_1630 : vector<500x64xf32>
    %broadcast_in_dim3A_1632 = vector.shape_cast %div3A_1604 : vector<500x50xf32> to vector<500x1x50xf32>
    %swap3A_1633 = arith.constant 0 : index
    %swap3A_1634 = arith.constant 7 : index
    %swap3A_1635 = arith.constant 0 : index
    %swap3A_1636 = vector.load %arg27[%swap3A_1633, %swap3A_1634, %swap3A_1635] : memref<500x8x50xf32, #tpu.memory_space<vmem>>, vector<500x1x50xf32>
    tpu.vector_store %arg27[%swap3A_1633, %swap3A_1634, %swap3A_1635], %broadcast_in_dim3A_1632 {strides = array<i32>} : memref<500x8x50xf32, #tpu.memory_space<vmem>>, vector<500x1x50xf32>,
    %broadcast_in_dim3A_1637 = vector.shape_cast %logistic3A_1620 : vector<500x64xf32> to vector<500x1x64xf32>
    %swap3A_1638 = arith.constant 0 : index
    %swap3A_1639 = arith.constant 7 : index
    %swap3A_1640 = arith.constant 0 : index
    %swap3A_1641 = vector.load %arg28[%swap3A_1638, %swap3A_1639, %swap3A_1640] : memref<500x8x64xf32, #tpu.memory_space<vmem>>, vector<500x1x64xf32>
    tpu.vector_store %arg28[%swap3A_1638, %swap3A_1639, %swap3A_1640], %broadcast_in_dim3A_1637 {strides = array<i32>} : memref<500x8x64xf32, #tpu.memory_space<vmem>>, vector<500x1x64xf32>,
    %broadcast_in_dim3A_1642 = vector.shape_cast %tanh3A_1631 : vector<500x64xf32> to vector<500x1x64xf32>
    %swap3A_1643 = arith.constant 0 : index
    %swap3A_1644 = arith.constant 7 : index
    %swap3A_1645 = arith.constant 0 : index
    %swap3A_1646 = vector.load %arg29[%swap3A_1643, %swap3A_1644, %swap3A_1645] : memref<500x8x64xf32, #tpu.memory_space<vmem>>, vector<500x1x64xf32>
    tpu.vector_store %arg29[%swap3A_1643, %swap3A_1644, %swap3A_1645], %broadcast_in_dim3A_1642 {strides = array<i32>} : memref<500x8x64xf32, #tpu.memory_space<vmem>>, vector<500x1x64xf32>,
    %broadcast_in_dim3A_1647 = vector.shape_cast %add3A_1549 : vector<500x64xf32> to vector<500x1x64xf32>
    %swap3A_1648 = arith.constant 0 : index
    %swap3A_1649 = arith.constant 7 : index
    %swap3A_1650 = arith.constant 0 : index
    %swap3A_1651 = vector.load %arg30[%swap3A_1648, %swap3A_1649, %swap3A_1650] : memref<500x8x64xf32, #tpu.memory_space<vmem>>, vector<500x1x64xf32>
    tpu.vector_store %arg30[%swap3A_1648, %swap3A_1649, %swap3A_1650], %broadcast_in_dim3A_1647 {strides = array<i32>} : memref<500x8x64xf32, #tpu.memory_space<vmem>>, vector<500x1x64xf32>,
    %get3A_1652 = arith.constant 0 : index
    %get3A_1653 = arith.constant 0 : index
    %get3A_1654 = vector.load %arg8[%get3A_1652, %get3A_1653] : memref<50x64xf32, #tpu.memory_space<vmem>>, vector<50x64xf32>
    %broadcast_in_dim3A_1655 = vector.shape_cast %get3A_1654 : vector<50x64xf32> to vector<1x50x64xf32>
    %broadcast_in_dim3A_1656 = vector.shape_cast %broadcast_in_dim3A_1655 : vector<1x50x64xf32> to vector<1x50x64xf32>
    %broadcast_in_dim3A_1657 = vector.broadcast %broadcast_in_dim3A_1656 : vector<1x50x64xf32> to vector<8x50x64xf32>
    %scan3A = arith.constant 0 : i32
    %scan3A_1658 = arith.constant 124 : i32
    %scan3A_1659 = arith.addi %scan3A, %scan3A_1658 : i32
    %scan3A_1660 = arith.constant 1 : i32
    %scan3A_1661 = scf.for %scan3A_2079 = %scan3A to %scan3A_1659 step %scan3A_1660 iter_args(%scan3A_2080 = %broadcast_in_dim3A_1657) -> (vector<8x50x64xf32>)  : i32 {
      %mul3A_2081 = arith.constant 4 : i32
      %mul3A_2082 = arith.muli %scan3A_2079, %mul3A_2081 : i32
      %add3A_2083 = arith.constant 0 : i32
      %add3A_2084 = arith.addi %mul3A_2082, %add3A_2083 : i32
      %get3A_2085 = arith.index_cast %add3A_2084 : i32 to index
      %get3A_2086 = arith.constant 0 : index
      %get3A_2087 = arith.constant 0 : index
      %get3A_2088 = vector.load %arg27[%get3A_2085, %get3A_2086, %get3A_2087] : memref<500x8x50xf32, #tpu.memory_space<vmem>>, vector<1x8x50xf32>
      %get3A_2089 = vector.shape_cast %get3A_2088 : vector<1x8x50xf32> to vector<8x50xf32>
      %broadcast_in_dim3A_2090 = vector.shape_cast %get3A_2089 : vector<8x50xf32> to vector<8x50x1xf32>
      %get3A_2091 = arith.index_cast %add3A_2084 : i32 to index
      %get3A_2092 = arith.constant 0 : index
      %get3A_2093 = arith.constant 0 : index
      %get3A_2094 = vector.load %arg28[%get3A_2091, %get3A_2092, %get3A_2093] : memref<500x8x64xf32, #tpu.memory_space<vmem>>, vector<1x8x64xf32>
      %get3A_2095 = vector.shape_cast %get3A_2094 : vector<1x8x64xf32> to vector<8x64xf32>
      %broadcast_in_dim3A_2096 = vector.shape_cast %get3A_2095 : vector<8x64xf32> to vector<8x1x64xf32>
      %get3A_2097 = arith.index_cast %add3A_2084 : i32 to index
      %get3A_2098 = arith.constant 0 : index
      %get3A_2099 = arith.constant 0 : index
      %get3A_2100 = vector.load %arg29[%get3A_2097, %get3A_2098, %get3A_2099] : memref<500x8x64xf32, #tpu.memory_space<vmem>>, vector<1x8x64xf32>
      %get3A_2101 = vector.shape_cast %get3A_2100 : vector<1x8x64xf32> to vector<8x64xf32>
      %broadcast_in_dim3A_2102 = vector.shape_cast %get3A_2101 : vector<8x64xf32> to vector<8x1x64xf32>
      %mul3A_2103 = vector.broadcast %broadcast_in_dim3A_2090 : vector<8x50x1xf32> to vector<8x50x64xf32>
      %mul3A_2104 = arith.mulf %mul3A_2103, %scan3A_2080 : vector<8x50x64xf32>
      %reduce_sum3A_2105 = arith.constant dense<0.000000e+00> : vector<8x64xf32>
      %reduce_sum3A_2106 = vector.multi_reduction <add>, %mul3A_2104, %reduce_sum3A_2105 [1] : vector<8x50x64xf32> to vector<8x64xf32>
      %swap3A_2107 = arith.index_cast %add3A_2084 : i32 to index
      %swap3A_2108 = arith.constant 0 : index
      %swap3A_2109 = arith.constant 0 : index
      %swap3A_2110 = vector.load %arg31[%swap3A_2107, %swap3A_2108, %swap3A_2109] : memref<499x8x64xf32, #tpu.memory_space<vmem>>, vector<1x8x64xf32>
      %swap3A_2111 = vector.shape_cast %swap3A_2110 : vector<1x8x64xf32> to vector<8x64xf32>
      %swap3A_2112 = vector.shape_cast %reduce_sum3A_2106 : vector<8x64xf32> to vector<1x8x64xf32>
      tpu.vector_store %arg31[%swap3A_2107, %swap3A_2108, %swap3A_2109], %swap3A_2112 {strides = array<i32>} : memref<499x8x64xf32, #tpu.memory_space<vmem>>, vector<1x8x64xf32>,
      %mul3A_2113 = vector.broadcast %broadcast_in_dim3A_2096 : vector<8x1x64xf32> to vector<8x50x64xf32>
      %mul3A_2114 = arith.mulf %scan3A_2080, %mul3A_2113 : vector<8x50x64xf32>
      %sub3A_2115 = vector.broadcast %broadcast_in_dim3A_2102 : vector<8x1x64xf32> to vector<8x50x64xf32>
      %sub3A_2116 = arith.subf %mul3A_2114, %sub3A_2115 : vector<8x50x64xf32>
      %mul3A_2117 = vector.broadcast %broadcast_in_dim3A_2090 : vector<8x50x1xf32> to vector<8x50x64xf32>
      %mul3A_2118 = arith.mulf %sub3A_2116, %mul3A_2117 : vector<8x50x64xf32>
      %sub3A_2119 = arith.subf %scan3A_2080, %mul3A_2118 : vector<8x50x64xf32>
      %add3A_2120 = arith.constant 1 : i32
      %add3A_2121 = arith.addi %mul3A_2082, %add3A_2120 : i32
      %get3A_2122 = arith.index_cast %add3A_2121 : i32 to index
      %get3A_2123 = arith.constant 0 : index
      %get3A_2124 = arith.constant 0 : index
      %get3A_2125 = vector.load %arg27[%get3A_2122, %get3A_2123, %get3A_2124] : memref<500x8x50xf32, #tpu.memory_space<vmem>>, vector<1x8x50xf32>
      %get3A_2126 = vector.shape_cast %get3A_2125 : vector<1x8x50xf32> to vector<8x50xf32>
      %broadcast_in_dim3A_2127 = vector.shape_cast %get3A_2126 : vector<8x50xf32> to vector<8x50x1xf32>
      %get3A_2128 = arith.index_cast %add3A_2121 : i32 to index
      %get3A_2129 = arith.constant 0 : index
      %get3A_2130 = arith.constant 0 : index
      %get3A_2131 = vector.load %arg28[%get3A_2128, %get3A_2129, %get3A_2130] : memref<500x8x64xf32, #tpu.memory_space<vmem>>, vector<1x8x64xf32>
      %get3A_2132 = vector.shape_cast %get3A_2131 : vector<1x8x64xf32> to vector<8x64xf32>
      %broadcast_in_dim3A_2133 = vector.shape_cast %get3A_2132 : vector<8x64xf32> to vector<8x1x64xf32>
      %get3A_2134 = arith.index_cast %add3A_2121 : i32 to index
      %get3A_2135 = arith.constant 0 : index
      %get3A_2136 = arith.constant 0 : index
      %get3A_2137 = vector.load %arg29[%get3A_2134, %get3A_2135, %get3A_2136] : memref<500x8x64xf32, #tpu.memory_space<vmem>>, vector<1x8x64xf32>
      %get3A_2138 = vector.shape_cast %get3A_2137 : vector<1x8x64xf32> to vector<8x64xf32>
      %broadcast_in_dim3A_2139 = vector.shape_cast %get3A_2138 : vector<8x64xf32> to vector<8x1x64xf32>
      %mul3A_2140 = vector.broadcast %broadcast_in_dim3A_2127 : vector<8x50x1xf32> to vector<8x50x64xf32>
      %mul3A_2141 = arith.mulf %mul3A_2140, %sub3A_2119 : vector<8x50x64xf32>
      %reduce_sum3A_2142 = arith.constant dense<0.000000e+00> : vector<8x64xf32>
      %reduce_sum3A_2143 = vector.multi_reduction <add>, %mul3A_2141, %reduce_sum3A_2142 [1] : vector<8x50x64xf32> to vector<8x64xf32>
      %swap3A_2144 = arith.index_cast %add3A_2121 : i32 to index
      %swap3A_2145 = arith.constant 0 : index
      %swap3A_2146 = arith.constant 0 : index
      %swap3A_2147 = vector.load %arg31[%swap3A_2144, %swap3A_2145, %swap3A_2146] : memref<499x8x64xf32, #tpu.memory_space<vmem>>, vector<1x8x64xf32>
      %swap3A_2148 = vector.shape_cast %swap3A_2147 : vector<1x8x64xf32> to vector<8x64xf32>
      %swap3A_2149 = vector.shape_cast %reduce_sum3A_2143 : vector<8x64xf32> to vector<1x8x64xf32>
      tpu.vector_store %arg31[%swap3A_2144, %swap3A_2145, %swap3A_2146], %swap3A_2149 {strides = array<i32>} : memref<499x8x64xf32, #tpu.memory_space<vmem>>, vector<1x8x64xf32>,
      %mul3A_2150 = vector.broadcast %broadcast_in_dim3A_2133 : vector<8x1x64xf32> to vector<8x50x64xf32>
      %mul3A_2151 = arith.mulf %sub3A_2119, %mul3A_2150 : vector<8x50x64xf32>
      %sub3A_2152 = vector.broadcast %broadcast_in_dim3A_2139 : vector<8x1x64xf32> to vector<8x50x64xf32>
      %sub3A_2153 = arith.subf %mul3A_2151, %sub3A_2152 : vector<8x50x64xf32>
      %mul3A_2154 = vector.broadcast %broadcast_in_dim3A_2127 : vector<8x50x1xf32> to vector<8x50x64xf32>
      %mul3A_2155 = arith.mulf %sub3A_2153, %mul3A_2154 : vector<8x50x64xf32>
      %sub3A_2156 = arith.subf %sub3A_2119, %mul3A_2155 : vector<8x50x64xf32>
      %add3A_2157 = arith.constant 2 : i32
      %add3A_2158 = arith.addi %mul3A_2082, %add3A_2157 : i32
      %get3A_2159 = arith.index_cast %add3A_2158 : i32 to index
      %get3A_2160 = arith.constant 0 : index
      %get3A_2161 = arith.constant 0 : index
      %get3A_2162 = vector.load %arg27[%get3A_2159, %get3A_2160, %get3A_2161] : memref<500x8x50xf32, #tpu.memory_space<vmem>>, vector<1x8x50xf32>
      %get3A_2163 = vector.shape_cast %get3A_2162 : vector<1x8x50xf32> to vector<8x50xf32>
      %broadcast_in_dim3A_2164 = vector.shape_cast %get3A_2163 : vector<8x50xf32> to vector<8x50x1xf32>
      %get3A_2165 = arith.index_cast %add3A_2158 : i32 to index
      %get3A_2166 = arith.constant 0 : index
      %get3A_2167 = arith.constant 0 : index
      %get3A_2168 = vector.load %arg28[%get3A_2165, %get3A_2166, %get3A_2167] : memref<500x8x64xf32, #tpu.memory_space<vmem>>, vector<1x8x64xf32>
      %get3A_2169 = vector.shape_cast %get3A_2168 : vector<1x8x64xf32> to vector<8x64xf32>
      %broadcast_in_dim3A_2170 = vector.shape_cast %get3A_2169 : vector<8x64xf32> to vector<8x1x64xf32>
      %get3A_2171 = arith.index_cast %add3A_2158 : i32 to index
      %get3A_2172 = arith.constant 0 : index
      %get3A_2173 = arith.constant 0 : index
      %get3A_2174 = vector.load %arg29[%get3A_2171, %get3A_2172, %get3A_2173] : memref<500x8x64xf32, #tpu.memory_space<vmem>>, vector<1x8x64xf32>
      %get3A_2175 = vector.shape_cast %get3A_2174 : vector<1x8x64xf32> to vector<8x64xf32>
      %broadcast_in_dim3A_2176 = vector.shape_cast %get3A_2175 : vector<8x64xf32> to vector<8x1x64xf32>
      %mul3A_2177 = vector.broadcast %broadcast_in_dim3A_2164 : vector<8x50x1xf32> to vector<8x50x64xf32>
      %mul3A_2178 = arith.mulf %mul3A_2177, %sub3A_2156 : vector<8x50x64xf32>
      %reduce_sum3A_2179 = arith.constant dense<0.000000e+00> : vector<8x64xf32>
      %reduce_sum3A_2180 = vector.multi_reduction <add>, %mul3A_2178, %reduce_sum3A_2179 [1] : vector<8x50x64xf32> to vector<8x64xf32>
      %swap3A_2181 = arith.index_cast %add3A_2158 : i32 to index
      %swap3A_2182 = arith.constant 0 : index
      %swap3A_2183 = arith.constant 0 : index
      %swap3A_2184 = vector.load %arg31[%swap3A_2181, %swap3A_2182, %swap3A_2183] : memref<499x8x64xf32, #tpu.memory_space<vmem>>, vector<1x8x64xf32>
      %swap3A_2185 = vector.shape_cast %swap3A_2184 : vector<1x8x64xf32> to vector<8x64xf32>
      %swap3A_2186 = vector.shape_cast %reduce_sum3A_2180 : vector<8x64xf32> to vector<1x8x64xf32>
      tpu.vector_store %arg31[%swap3A_2181, %swap3A_2182, %swap3A_2183], %swap3A_2186 {strides = array<i32>} : memref<499x8x64xf32, #tpu.memory_space<vmem>>, vector<1x8x64xf32>,
      %mul3A_2187 = vector.broadcast %broadcast_in_dim3A_2170 : vector<8x1x64xf32> to vector<8x50x64xf32>
      %mul3A_2188 = arith.mulf %sub3A_2156, %mul3A_2187 : vector<8x50x64xf32>
      %sub3A_2189 = vector.broadcast %broadcast_in_dim3A_2176 : vector<8x1x64xf32> to vector<8x50x64xf32>
      %sub3A_2190 = arith.subf %mul3A_2188, %sub3A_2189 : vector<8x50x64xf32>
      %mul3A_2191 = vector.broadcast %broadcast_in_dim3A_2164 : vector<8x50x1xf32> to vector<8x50x64xf32>
      %mul3A_2192 = arith.mulf %sub3A_2190, %mul3A_2191 : vector<8x50x64xf32>
      %sub3A_2193 = arith.subf %sub3A_2156, %mul3A_2192 : vector<8x50x64xf32>
      %add3A_2194 = arith.constant 3 : i32
      %add3A_2195 = arith.addi %mul3A_2082, %add3A_2194 : i32
      %get3A_2196 = arith.index_cast %add3A_2195 : i32 to index
      %get3A_2197 = arith.constant 0 : index
      %get3A_2198 = arith.constant 0 : index
      %get3A_2199 = vector.load %arg27[%get3A_2196, %get3A_2197, %get3A_2198] : memref<500x8x50xf32, #tpu.memory_space<vmem>>, vector<1x8x50xf32>
      %get3A_2200 = vector.shape_cast %get3A_2199 : vector<1x8x50xf32> to vector<8x50xf32>
      %broadcast_in_dim3A_2201 = vector.shape_cast %get3A_2200 : vector<8x50xf32> to vector<8x50x1xf32>
      %get3A_2202 = arith.index_cast %add3A_2195 : i32 to index
      %get3A_2203 = arith.constant 0 : index
      %get3A_2204 = arith.constant 0 : index
      %get3A_2205 = vector.load %arg28[%get3A_2202, %get3A_2203, %get3A_2204] : memref<500x8x64xf32, #tpu.memory_space<vmem>>, vector<1x8x64xf32>
      %get3A_2206 = vector.shape_cast %get3A_2205 : vector<1x8x64xf32> to vector<8x64xf32>
      %broadcast_in_dim3A_2207 = vector.shape_cast %get3A_2206 : vector<8x64xf32> to vector<8x1x64xf32>
      %get3A_2208 = arith.index_cast %add3A_2195 : i32 to index
      %get3A_2209 = arith.constant 0 : index
      %get3A_2210 = arith.constant 0 : index
      %get3A_2211 = vector.load %arg29[%get3A_2208, %get3A_2209, %get3A_2210] : memref<500x8x64xf32, #tpu.memory_space<vmem>>, vector<1x8x64xf32>
      %get3A_2212 = vector.shape_cast %get3A_2211 : vector<1x8x64xf32> to vector<8x64xf32>
      %broadcast_in_dim3A_2213 = vector.shape_cast %get3A_2212 : vector<8x64xf32> to vector<8x1x64xf32>
      %mul3A_2214 = vector.broadcast %broadcast_in_dim3A_2201 : vector<8x50x1xf32> to vector<8x50x64xf32>
      %mul3A_2215 = arith.mulf %mul3A_2214, %sub3A_2193 : vector<8x50x64xf32>
      %reduce_sum3A_2216 = arith.constant dense<0.000000e+00> : vector<8x64xf32>
      %reduce_sum3A_2217 = vector.multi_reduction <add>, %mul3A_2215, %reduce_sum3A_2216 [1] : vector<8x50x64xf32> to vector<8x64xf32>
      %swap3A_2218 = arith.index_cast %add3A_2195 : i32 to index
      %swap3A_2219 = arith.constant 0 : index
      %swap3A_2220 = arith.constant 0 : index
      %swap3A_2221 = vector.load %arg31[%swap3A_2218, %swap3A_2219, %swap3A_2220] : memref<499x8x64xf32, #tpu.memory_space<vmem>>, vector<1x8x64xf32>
      %swap3A_2222 = vector.shape_cast %swap3A_2221 : vector<1x8x64xf32> to vector<8x64xf32>
      %swap3A_2223 = vector.shape_cast %reduce_sum3A_2217 : vector<8x64xf32> to vector<1x8x64xf32>
      tpu.vector_store %arg31[%swap3A_2218, %swap3A_2219, %swap3A_2220], %swap3A_2223 {strides = array<i32>} : memref<499x8x64xf32, #tpu.memory_space<vmem>>, vector<1x8x64xf32>,
      %mul3A_2224 = vector.broadcast %broadcast_in_dim3A_2207 : vector<8x1x64xf32> to vector<8x50x64xf32>
      %mul3A_2225 = arith.mulf %sub3A_2193, %mul3A_2224 : vector<8x50x64xf32>
      %sub3A_2226 = vector.broadcast %broadcast_in_dim3A_2213 : vector<8x1x64xf32> to vector<8x50x64xf32>
      %sub3A_2227 = arith.subf %mul3A_2225, %sub3A_2226 : vector<8x50x64xf32>
      %mul3A_2228 = vector.broadcast %broadcast_in_dim3A_2201 : vector<8x50x1xf32> to vector<8x50x64xf32>
      %mul3A_2229 = arith.mulf %sub3A_2227, %mul3A_2228 : vector<8x50x64xf32>
      %sub3A_2230 = arith.subf %sub3A_2193, %mul3A_2229 : vector<8x50x64xf32>
      scf.yield %sub3A_2230 : vector<8x50x64xf32>
    }
    %scan3A_1662 = arith.constant 124 : i32
    %get3A_1663 = arith.constant 496 : index
    %get3A_1664 = arith.constant 0 : index
    %get3A_1665 = arith.constant 0 : index
    %get3A_1666 = vector.load %arg27[%get3A_1663, %get3A_1664, %get3A_1665] : memref<500x8x50xf32, #tpu.memory_space<vmem>>, vector<1x8x50xf32>
    %get3A_1667 = vector.shape_cast %get3A_1666 : vector<1x8x50xf32> to vector<8x50xf32>
    %broadcast_in_dim3A_1668 = vector.shape_cast %get3A_1667 : vector<8x50xf32> to vector<8x50x1xf32>
    %get3A_1669 = arith.constant 496 : index
    %get3A_1670 = arith.constant 0 : index
    %get3A_1671 = arith.constant 0 : index
    %get3A_1672 = vector.load %arg28[%get3A_1669, %get3A_1670, %get3A_1671] : memref<500x8x64xf32, #tpu.memory_space<vmem>>, vector<1x8x64xf32>
    %get3A_1673 = vector.shape_cast %get3A_1672 : vector<1x8x64xf32> to vector<8x64xf32>
    %broadcast_in_dim3A_1674 = vector.shape_cast %get3A_1673 : vector<8x64xf32> to vector<8x1x64xf32>
    %get3A_1675 = arith.constant 496 : index
    %get3A_1676 = arith.constant 0 : index
    %get3A_1677 = arith.constant 0 : index
    %get3A_1678 = vector.load %arg29[%get3A_1675, %get3A_1676, %get3A_1677] : memref<500x8x64xf32, #tpu.memory_space<vmem>>, vector<1x8x64xf32>
    %get3A_1679 = vector.shape_cast %get3A_1678 : vector<1x8x64xf32> to vector<8x64xf32>
    %broadcast_in_dim3A_1680 = vector.shape_cast %get3A_1679 : vector<8x64xf32> to vector<8x1x64xf32>
    %mul3A_1681 = vector.broadcast %broadcast_in_dim3A_1668 : vector<8x50x1xf32> to vector<8x50x64xf32>
    %mul3A_1682 = arith.mulf %mul3A_1681, %scan3A_1661 : vector<8x50x64xf32>
    %reduce_sum3A_1683 = arith.constant dense<0.000000e+00> : vector<8x64xf32>
    %reduce_sum3A_1684 = vector.multi_reduction <add>, %mul3A_1682, %reduce_sum3A_1683 [1] : vector<8x50x64xf32> to vector<8x64xf32>
    %swap3A_1685 = arith.constant 496 : index
    %swap3A_1686 = arith.constant 0 : index
    %swap3A_1687 = arith.constant 0 : index
    %swap3A_1688 = vector.load %arg31[%swap3A_1685, %swap3A_1686, %swap3A_1687] : memref<499x8x64xf32, #tpu.memory_space<vmem>>, vector<1x8x64xf32>
    %swap3A_1689 = vector.shape_cast %swap3A_1688 : vector<1x8x64xf32> to vector<8x64xf32>
    %swap3A_1690 = vector.shape_cast %reduce_sum3A_1684 : vector<8x64xf32> to vector<1x8x64xf32>
    tpu.vector_store %arg31[%swap3A_1685, %swap3A_1686, %swap3A_1687], %swap3A_1690 {strides = array<i32>} : memref<499x8x64xf32, #tpu.memory_space<vmem>>, vector<1x8x64xf32>,
    %mul3A_1691 = vector.broadcast %broadcast_in_dim3A_1674 : vector<8x1x64xf32> to vector<8x50x64xf32>
    %mul3A_1692 = arith.mulf %scan3A_1661, %mul3A_1691 : vector<8x50x64xf32>
    %sub3A_1693 = vector.broadcast %broadcast_in_dim3A_1680 : vector<8x1x64xf32> to vector<8x50x64xf32>
    %sub3A_1694 = arith.subf %mul3A_1692, %sub3A_1693 : vector<8x50x64xf32>
    %mul3A_1695 = vector.broadcast %broadcast_in_dim3A_1668 : vector<8x50x1xf32> to vector<8x50x64xf32>
    %mul3A_1696 = arith.mulf %sub3A_1694, %mul3A_1695 : vector<8x50x64xf32>
    %sub3A_1697 = arith.subf %scan3A_1661, %mul3A_1696 : vector<8x50x64xf32>
    %get3A_1698 = arith.constant 497 : index
    %get3A_1699 = arith.constant 0 : index
    %get3A_1700 = arith.constant 0 : index
    %get3A_1701 = vector.load %arg27[%get3A_1698, %get3A_1699, %get3A_1700] : memref<500x8x50xf32, #tpu.memory_space<vmem>>, vector<1x8x50xf32>
    %get3A_1702 = vector.shape_cast %get3A_1701 : vector<1x8x50xf32> to vector<8x50xf32>
    %broadcast_in_dim3A_1703 = vector.shape_cast %get3A_1702 : vector<8x50xf32> to vector<8x50x1xf32>
    %get3A_1704 = arith.constant 497 : index
    %get3A_1705 = arith.constant 0 : index
    %get3A_1706 = arith.constant 0 : index
    %get3A_1707 = vector.load %arg28[%get3A_1704, %get3A_1705, %get3A_1706] : memref<500x8x64xf32, #tpu.memory_space<vmem>>, vector<1x8x64xf32>
    %get3A_1708 = vector.shape_cast %get3A_1707 : vector<1x8x64xf32> to vector<8x64xf32>
    %broadcast_in_dim3A_1709 = vector.shape_cast %get3A_1708 : vector<8x64xf32> to vector<8x1x64xf32>
    %get3A_1710 = arith.constant 497 : index
    %get3A_1711 = arith.constant 0 : index
    %get3A_1712 = arith.constant 0 : index
    %get3A_1713 = vector.load %arg29[%get3A_1710, %get3A_1711, %get3A_1712] : memref<500x8x64xf32, #tpu.memory_space<vmem>>, vector<1x8x64xf32>
    %get3A_1714 = vector.shape_cast %get3A_1713 : vector<1x8x64xf32> to vector<8x64xf32>
    %broadcast_in_dim3A_1715 = vector.shape_cast %get3A_1714 : vector<8x64xf32> to vector<8x1x64xf32>
    %mul3A_1716 = vector.broadcast %broadcast_in_dim3A_1703 : vector<8x50x1xf32> to vector<8x50x64xf32>
    %mul3A_1717 = arith.mulf %mul3A_1716, %sub3A_1697 : vector<8x50x64xf32>
    %reduce_sum3A_1718 = arith.constant dense<0.000000e+00> : vector<8x64xf32>
    %reduce_sum3A_1719 = vector.multi_reduction <add>, %mul3A_1717, %reduce_sum3A_1718 [1] : vector<8x50x64xf32> to vector<8x64xf32>
    %swap3A_1720 = arith.constant 497 : index
    %swap3A_1721 = arith.constant 0 : index
    %swap3A_1722 = arith.constant 0 : index
    %swap3A_1723 = vector.load %arg31[%swap3A_1720, %swap3A_1721, %swap3A_1722] : memref<499x8x64xf32, #tpu.memory_space<vmem>>, vector<1x8x64xf32>
    %swap3A_1724 = vector.shape_cast %swap3A_1723 : vector<1x8x64xf32> to vector<8x64xf32>
    %swap3A_1725 = vector.shape_cast %reduce_sum3A_1719 : vector<8x64xf32> to vector<1x8x64xf32>
    tpu.vector_store %arg31[%swap3A_1720, %swap3A_1721, %swap3A_1722], %swap3A_1725 {strides = array<i32>} : memref<499x8x64xf32, #tpu.memory_space<vmem>>, vector<1x8x64xf32>,
    %mul3A_1726 = vector.broadcast %broadcast_in_dim3A_1709 : vector<8x1x64xf32> to vector<8x50x64xf32>
    %mul3A_1727 = arith.mulf %sub3A_1697, %mul3A_1726 : vector<8x50x64xf32>
    %sub3A_1728 = vector.broadcast %broadcast_in_dim3A_1715 : vector<8x1x64xf32> to vector<8x50x64xf32>
    %sub3A_1729 = arith.subf %mul3A_1727, %sub3A_1728 : vector<8x50x64xf32>
    %mul3A_1730 = vector.broadcast %broadcast_in_dim3A_1703 : vector<8x50x1xf32> to vector<8x50x64xf32>
    %mul3A_1731 = arith.mulf %sub3A_1729, %mul3A_1730 : vector<8x50x64xf32>
    %sub3A_1732 = arith.subf %sub3A_1697, %mul3A_1731 : vector<8x50x64xf32>
    %get3A_1733 = arith.constant 498 : index
    %get3A_1734 = arith.constant 0 : index
    %get3A_1735 = arith.constant 0 : index
    %get3A_1736 = vector.load %arg27[%get3A_1733, %get3A_1734, %get3A_1735] : memref<500x8x50xf32, #tpu.memory_space<vmem>>, vector<1x8x50xf32>
    %get3A_1737 = vector.shape_cast %get3A_1736 : vector<1x8x50xf32> to vector<8x50xf32>
    %broadcast_in_dim3A_1738 = vector.shape_cast %get3A_1737 : vector<8x50xf32> to vector<8x50x1xf32>
    %mul3A_1739 = vector.broadcast %broadcast_in_dim3A_1738 : vector<8x50x1xf32> to vector<8x50x64xf32>
    %mul3A_1740 = arith.mulf %mul3A_1739, %sub3A_1732 : vector<8x50x64xf32>
    %reduce_sum3A_1741 = arith.constant dense<0.000000e+00> : vector<8x64xf32>
    %reduce_sum3A_1742 = vector.multi_reduction <add>, %mul3A_1740, %reduce_sum3A_1741 [1] : vector<8x50x64xf32> to vector<8x64xf32>
    %swap3A_1743 = arith.constant 498 : index
    %swap3A_1744 = arith.constant 0 : index
    %swap3A_1745 = arith.constant 0 : index
    %swap3A_1746 = vector.load %arg31[%swap3A_1743, %swap3A_1744, %swap3A_1745] : memref<499x8x64xf32, #tpu.memory_space<vmem>>, vector<1x8x64xf32>
    %swap3A_1747 = vector.shape_cast %swap3A_1746 : vector<1x8x64xf32> to vector<8x64xf32>
    %swap3A_1748 = vector.shape_cast %reduce_sum3A_1742 : vector<8x64xf32> to vector<1x8x64xf32>
    tpu.vector_store %arg31[%swap3A_1743, %swap3A_1744, %swap3A_1745], %swap3A_1748 {strides = array<i32>} : memref<499x8x64xf32, #tpu.memory_space<vmem>>, vector<1x8x64xf32>,
    %get3A_1749 = arith.constant 0 : index
    %get3A_1750 = arith.constant 0 : index
    %get3A_1751 = arith.constant 0 : index
    %get3A_1752 = vector.load %arg31[%get3A_1749, %get3A_1750, %get3A_1751] : memref<499x8x64xf32, #tpu.memory_space<vmem>>, vector<499x8x64xf32>
    %get3A_1753 = arith.constant 0 : index
    %get3A_1754 = arith.constant 0 : index
    %get3A_1755 = arith.constant 0 : index
    %get3A_1756 = vector.load %arg30[%get3A_1753, %get3A_1754, %get3A_1755] : memref<500x8x64xf32, #tpu.memory_space<vmem>>, vector<500x8x64xf32>
    %slice3A_1757 = vector.extract_strided_slice %get3A_1752 {offsets = [0, 0, 0], sizes = [499, 1, 64], strides = [1, 1, 1]} : vector<499x8x64xf32> to vector<499x1x64xf32>
    %squeeze3A = vector.shape_cast %slice3A_1757 : vector<499x1x64xf32> to vector<499x64xf32>
    %slice3A_1758 = vector.extract_strided_slice %get3A_1756 {offsets = [0, 0, 0], sizes = [499, 1, 64], strides = [1, 1, 1]} : vector<500x8x64xf32> to vector<499x1x64xf32>
    %squeeze3A_1759 = vector.shape_cast %slice3A_1758 : vector<499x1x64xf32> to vector<499x64xf32>
    %get3A_1760 = arith.constant 0 : index
    %get3A_1761 = arith.constant 0 : index
    %get3A_1762 = vector.load %arg15[%get3A_1760, %get3A_1761] : memref<64x64xf32, #tpu.memory_space<vmem>>, vector<64x64xf32>
    %dot_general3A_1763 = arith.constant dense<0.000000e+00> : vector<499x64xf32>
    %dot_general3A_1764 = tpu.matmul %squeeze3A, %get3A_1762, %dot_general3A_1763 {dimension_numbers = #tpu.dot_dimension_numbers<[1], [0], [0], [1], [0, 0, 1, 1], [], []>, transpose_lhs_hint = false} : vector<499x64xf32>, vector<64x64xf32>, vector<499x64xf32> -> vector<499x64xf32>
    %get3A_1765 = arith.constant 0 : index
    %get3A_1766 = arith.constant 0 : index
    %get3A_1767 = vector.load %arg16[%get3A_1765, %get3A_1766] : memref<64x64xf32, #tpu.memory_space<vmem>>, vector<64x64xf32>
    %dot_general3A_1768 = arith.constant dense<0.000000e+00> : vector<499x64xf32>
    %dot_general3A_1769 = tpu.matmul %squeeze3A_1759, %get3A_1767, %dot_general3A_1768 {dimension_numbers = #tpu.dot_dimension_numbers<[1], [0], [0], [1], [0, 0, 1, 1], [], []>, transpose_lhs_hint = false} : vector<499x64xf32>, vector<64x64xf32>, vector<499x64xf32> -> vector<499x64xf32>
    %add3A_1770 = arith.addf %dot_general3A_1764, %dot_general3A_1769 : vector<499x64xf32>
    %get3A_1771 = arith.constant 0 : index
    %get3A_1772 = arith.constant 0 : index
    %get3A_1773 = vector.load %arg17[%get3A_1771, %get3A_1772] : memref<1x64xf32, #tpu.memory_space<vmem>>, vector<1x64xf32>
    %add3A_1774 = vector.broadcast %get3A_1773 : vector<1x64xf32> to vector<499x64xf32>
    %add3A_1775 = arith.addf %add3A_1770, %add3A_1774 : vector<499x64xf32>
    %tanh3A_1776 = math.tanh %add3A_1775 : vector<499x64xf32>
    %get3A_1777 = arith.constant 0 : index
    %get3A_1778 = arith.constant 0 : index
    %get3A_1779 = arith.constant 0 : index
    %get3A_1780 = vector.load %arg4[%get3A_1777, %get3A_1778, %get3A_1779] : memref<499x8x64xf32, #tpu.memory_space<vmem>>, vector<499x1x64xf32>
    %get3A_1781 = vector.shape_cast %get3A_1780 : vector<499x1x64xf32> to vector<499x64xf32>
    %mul3A_1782 = arith.mulf %tanh3A_1776, %get3A_1781 : vector<499x64xf32>
    %reduce_sum3A_1783 = arith.constant dense<0.000000e+00> : vector<499xf32>
    %reduce_sum3A_1784 = vector.multi_reduction <add>, %mul3A_1782, %reduce_sum3A_1783 [1] : vector<499x64xf32> to vector<499xf32>
    %broadcast_in_dim3A_1785 = vector.shape_cast %reduce_sum3A_1784 : vector<499xf32> to vector<499x1xf32>
    %get3A_1786 = arith.constant 0 : index
    %get3A_1787 = arith.constant 0 : index
    %get3A_1788 = vector.load %arg5[%get3A_1786, %get3A_1787] : memref<499x8xf32, #tpu.memory_space<vmem>>, vector<499x1xf32>
    %add3A_1789 = arith.addf %broadcast_in_dim3A_1785, %get3A_1788 : vector<499x1xf32>
    %logistic3A_1790 = arith.negf %add3A_1789 : vector<499x1xf32>
    %logistic3A_1791 = math.exp %logistic3A_1790 : vector<499x1xf32>
    %logistic3A_1792 = arith.constant 1.000000e+00 : f32
    %logistic3A_1793 = vector.broadcast %logistic3A_1792 : f32 to vector<499x1xf32>
    %logistic3A_1794 = arith.addf %logistic3A_1793, %logistic3A_1791 : vector<499x1xf32>
    %logistic3A_1795 = arith.divf %logistic3A_1793, %logistic3A_1794 : vector<499x1xf32>
    %slice3A_1796 = vector.extract_strided_slice %get3A_1752 {offsets = [0, 1, 0], sizes = [499, 1, 64], strides = [1, 1, 1]} : vector<499x8x64xf32> to vector<499x1x64xf32>
    %squeeze3A_1797 = vector.shape_cast %slice3A_1796 : vector<499x1x64xf32> to vector<499x64xf32>
    %slice3A_1798 = vector.extract_strided_slice %get3A_1756 {offsets = [0, 1, 0], sizes = [499, 1, 64], strides = [1, 1, 1]} : vector<500x8x64xf32> to vector<499x1x64xf32>
    %squeeze3A_1799 = vector.shape_cast %slice3A_1798 : vector<499x1x64xf32> to vector<499x64xf32>
    %get3A_1800 = arith.constant 0 : index
    %get3A_1801 = arith.constant 0 : index
    %get3A_1802 = vector.load %arg15[%get3A_1800, %get3A_1801] : memref<64x64xf32, #tpu.memory_space<vmem>>, vector<64x64xf32>
    %dot_general3A_1803 = arith.constant dense<0.000000e+00> : vector<499x64xf32>
    %dot_general3A_1804 = tpu.matmul %squeeze3A_1797, %get3A_1802, %dot_general3A_1803 {dimension_numbers = #tpu.dot_dimension_numbers<[1], [0], [0], [1], [0, 0, 1, 1], [], []>, transpose_lhs_hint = false} : vector<499x64xf32>, vector<64x64xf32>, vector<499x64xf32> -> vector<499x64xf32>
    %get3A_1805 = arith.constant 0 : index
    %get3A_1806 = arith.constant 0 : index
    %get3A_1807 = vector.load %arg16[%get3A_1805, %get3A_1806] : memref<64x64xf32, #tpu.memory_space<vmem>>, vector<64x64xf32>
    %dot_general3A_1808 = arith.constant dense<0.000000e+00> : vector<499x64xf32>
    %dot_general3A_1809 = tpu.matmul %squeeze3A_1799, %get3A_1807, %dot_general3A_1808 {dimension_numbers = #tpu.dot_dimension_numbers<[1], [0], [0], [1], [0, 0, 1, 1], [], []>, transpose_lhs_hint = false} : vector<499x64xf32>, vector<64x64xf32>, vector<499x64xf32> -> vector<499x64xf32>
    %add3A_1810 = arith.addf %dot_general3A_1804, %dot_general3A_1809 : vector<499x64xf32>
    %get3A_1811 = arith.constant 0 : index
    %get3A_1812 = arith.constant 0 : index
    %get3A_1813 = vector.load %arg17[%get3A_1811, %get3A_1812] : memref<1x64xf32, #tpu.memory_space<vmem>>, vector<1x64xf32>
    %add3A_1814 = vector.broadcast %get3A_1813 : vector<1x64xf32> to vector<499x64xf32>
    %add3A_1815 = arith.addf %add3A_1810, %add3A_1814 : vector<499x64xf32>
    %tanh3A_1816 = math.tanh %add3A_1815 : vector<499x64xf32>
    %get3A_1817 = arith.constant 0 : index
    %get3A_1818 = arith.constant 1 : index
    %get3A_1819 = arith.constant 0 : index
    %get3A_1820 = vector.load %arg4[%get3A_1817, %get3A_1818, %get3A_1819] : memref<499x8x64xf32, #tpu.memory_space<vmem>>, vector<499x1x64xf32>
    %get3A_1821 = vector.shape_cast %get3A_1820 : vector<499x1x64xf32> to vector<499x64xf32>
    %mul3A_1822 = arith.mulf %tanh3A_1816, %get3A_1821 : vector<499x64xf32>
    %reduce_sum3A_1823 = arith.constant dense<0.000000e+00> : vector<499xf32>
    %reduce_sum3A_1824 = vector.multi_reduction <add>, %mul3A_1822, %reduce_sum3A_1823 [1] : vector<499x64xf32> to vector<499xf32>
    %broadcast_in_dim3A_1825 = vector.shape_cast %reduce_sum3A_1824 : vector<499xf32> to vector<499x1xf32>
    %get3A_1826 = arith.constant 0 : index
    %get3A_1827 = arith.constant 1 : index
    %get3A_1828 = vector.load %arg5[%get3A_1826, %get3A_1827] : memref<499x8xf32, #tpu.memory_space<vmem>>, vector<499x1xf32>
    %add3A_1829 = arith.addf %broadcast_in_dim3A_1825, %get3A_1828 : vector<499x1xf32>
    %logistic3A_1830 = arith.negf %add3A_1829 : vector<499x1xf32>
    %logistic3A_1831 = math.exp %logistic3A_1830 : vector<499x1xf32>
    %logistic3A_1832 = arith.constant 1.000000e+00 : f32
    %logistic3A_1833 = vector.broadcast %logistic3A_1832 : f32 to vector<499x1xf32>
    %logistic3A_1834 = arith.addf %logistic3A_1833, %logistic3A_1831 : vector<499x1xf32>
    %logistic3A_1835 = arith.divf %logistic3A_1833, %logistic3A_1834 : vector<499x1xf32>
    %slice3A_1836 = vector.extract_strided_slice %get3A_1752 {offsets = [0, 2, 0], sizes = [499, 1, 64], strides = [1, 1, 1]} : vector<499x8x64xf32> to vector<499x1x64xf32>
    %squeeze3A_1837 = vector.shape_cast %slice3A_1836 : vector<499x1x64xf32> to vector<499x64xf32>
    %slice3A_1838 = vector.extract_strided_slice %get3A_1756 {offsets = [0, 2, 0], sizes = [499, 1, 64], strides = [1, 1, 1]} : vector<500x8x64xf32> to vector<499x1x64xf32>
    %squeeze3A_1839 = vector.shape_cast %slice3A_1838 : vector<499x1x64xf32> to vector<499x64xf32>
    %get3A_1840 = arith.constant 0 : index
    %get3A_1841 = arith.constant 0 : index
    %get3A_1842 = vector.load %arg15[%get3A_1840, %get3A_1841] : memref<64x64xf32, #tpu.memory_space<vmem>>, vector<64x64xf32>
    %dot_general3A_1843 = arith.constant dense<0.000000e+00> : vector<499x64xf32>
    %dot_general3A_1844 = tpu.matmul %squeeze3A_1837, %get3A_1842, %dot_general3A_1843 {dimension_numbers = #tpu.dot_dimension_numbers<[1], [0], [0], [1], [0, 0, 1, 1], [], []>, transpose_lhs_hint = false} : vector<499x64xf32>, vector<64x64xf32>, vector<499x64xf32> -> vector<499x64xf32>
    %get3A_1845 = arith.constant 0 : index
    %get3A_1846 = arith.constant 0 : index
    %get3A_1847 = vector.load %arg16[%get3A_1845, %get3A_1846] : memref<64x64xf32, #tpu.memory_space<vmem>>, vector<64x64xf32>
    %dot_general3A_1848 = arith.constant dense<0.000000e+00> : vector<499x64xf32>
    %dot_general3A_1849 = tpu.matmul %squeeze3A_1839, %get3A_1847, %dot_general3A_1848 {dimension_numbers = #tpu.dot_dimension_numbers<[1], [0], [0], [1], [0, 0, 1, 1], [], []>, transpose_lhs_hint = false} : vector<499x64xf32>, vector<64x64xf32>, vector<499x64xf32> -> vector<499x64xf32>
    %add3A_1850 = arith.addf %dot_general3A_1844, %dot_general3A_1849 : vector<499x64xf32>
    %get3A_1851 = arith.constant 0 : index
    %get3A_1852 = arith.constant 0 : index
    %get3A_1853 = vector.load %arg17[%get3A_1851, %get3A_1852] : memref<1x64xf32, #tpu.memory_space<vmem>>, vector<1x64xf32>
    %add3A_1854 = vector.broadcast %get3A_1853 : vector<1x64xf32> to vector<499x64xf32>
    %add3A_1855 = arith.addf %add3A_1850, %add3A_1854 : vector<499x64xf32>
    %tanh3A_1856 = math.tanh %add3A_1855 : vector<499x64xf32>
    %get3A_1857 = arith.constant 0 : index
    %get3A_1858 = arith.constant 2 : index
    %get3A_1859 = arith.constant 0 : index
    %get3A_1860 = vector.load %arg4[%get3A_1857, %get3A_1858, %get3A_1859] : memref<499x8x64xf32, #tpu.memory_space<vmem>>, vector<499x1x64xf32>
    %get3A_1861 = vector.shape_cast %get3A_1860 : vector<499x1x64xf32> to vector<499x64xf32>
    %mul3A_1862 = arith.mulf %tanh3A_1856, %get3A_1861 : vector<499x64xf32>
    %reduce_sum3A_1863 = arith.constant dense<0.000000e+00> : vector<499xf32>
    %reduce_sum3A_1864 = vector.multi_reduction <add>, %mul3A_1862, %reduce_sum3A_1863 [1] : vector<499x64xf32> to vector<499xf32>
    %broadcast_in_dim3A_1865 = vector.shape_cast %reduce_sum3A_1864 : vector<499xf32> to vector<499x1xf32>
    %get3A_1866 = arith.constant 0 : index
    %get3A_1867 = arith.constant 2 : index
    %get3A_1868 = vector.load %arg5[%get3A_1866, %get3A_1867] : memref<499x8xf32, #tpu.memory_space<vmem>>, vector<499x1xf32>
    %add3A_1869 = arith.addf %broadcast_in_dim3A_1865, %get3A_1868 : vector<499x1xf32>
    %logistic3A_1870 = arith.negf %add3A_1869 : vector<499x1xf32>
    %logistic3A_1871 = math.exp %logistic3A_1870 : vector<499x1xf32>
    %logistic3A_1872 = arith.constant 1.000000e+00 : f32
    %logistic3A_1873 = vector.broadcast %logistic3A_1872 : f32 to vector<499x1xf32>
    %logistic3A_1874 = arith.addf %logistic3A_1873, %logistic3A_1871 : vector<499x1xf32>
    %logistic3A_1875 = arith.divf %logistic3A_1873, %logistic3A_1874 : vector<499x1xf32>
    %slice3A_1876 = vector.extract_strided_slice %get3A_1752 {offsets = [0, 3, 0], sizes = [499, 1, 64], strides = [1, 1, 1]} : vector<499x8x64xf32> to vector<499x1x64xf32>
    %squeeze3A_1877 = vector.shape_cast %slice3A_1876 : vector<499x1x64xf32> to vector<499x64xf32>
    %slice3A_1878 = vector.extract_strided_slice %get3A_1756 {offsets = [0, 3, 0], sizes = [499, 1, 64], strides = [1, 1, 1]} : vector<500x8x64xf32> to vector<499x1x64xf32>
    %squeeze3A_1879 = vector.shape_cast %slice3A_1878 : vector<499x1x64xf32> to vector<499x64xf32>
    %get3A_1880 = arith.constant 0 : index
    %get3A_1881 = arith.constant 0 : index
    %get3A_1882 = vector.load %arg15[%get3A_1880, %get3A_1881] : memref<64x64xf32, #tpu.memory_space<vmem>>, vector<64x64xf32>
    %dot_general3A_1883 = arith.constant dense<0.000000e+00> : vector<499x64xf32>
    %dot_general3A_1884 = tpu.matmul %squeeze3A_1877, %get3A_1882, %dot_general3A_1883 {dimension_numbers = #tpu.dot_dimension_numbers<[1], [0], [0], [1], [0, 0, 1, 1], [], []>, transpose_lhs_hint = false} : vector<499x64xf32>, vector<64x64xf32>, vector<499x64xf32> -> vector<499x64xf32>
    %get3A_1885 = arith.constant 0 : index
    %get3A_1886 = arith.constant 0 : index
    %get3A_1887 = vector.load %arg16[%get3A_1885, %get3A_1886] : memref<64x64xf32, #tpu.memory_space<vmem>>, vector<64x64xf32>
    %dot_general3A_1888 = arith.constant dense<0.000000e+00> : vector<499x64xf32>
    %dot_general3A_1889 = tpu.matmul %squeeze3A_1879, %get3A_1887, %dot_general3A_1888 {dimension_numbers = #tpu.dot_dimension_numbers<[1], [0], [0], [1], [0, 0, 1, 1], [], []>, transpose_lhs_hint = false} : vector<499x64xf32>, vector<64x64xf32>, vector<499x64xf32> -> vector<499x64xf32>
    %add3A_1890 = arith.addf %dot_general3A_1884, %dot_general3A_1889 : vector<499x64xf32>
    %get3A_1891 = arith.constant 0 : index
    %get3A_1892 = arith.constant 0 : index
    %get3A_1893 = vector.load %arg17[%get3A_1891, %get3A_1892] : memref<1x64xf32, #tpu.memory_space<vmem>>, vector<1x64xf32>
    %add3A_1894 = vector.broadcast %get3A_1893 : vector<1x64xf32> to vector<499x64xf32>
    %add3A_1895 = arith.addf %add3A_1890, %add3A_1894 : vector<499x64xf32>
    %tanh3A_1896 = math.tanh %add3A_1895 : vector<499x64xf32>
    %get3A_1897 = arith.constant 0 : index
    %get3A_1898 = arith.constant 3 : index
    %get3A_1899 = arith.constant 0 : index
    %get3A_1900 = vector.load %arg4[%get3A_1897, %get3A_1898, %get3A_1899] : memref<499x8x64xf32, #tpu.memory_space<vmem>>, vector<499x1x64xf32>
    %get3A_1901 = vector.shape_cast %get3A_1900 : vector<499x1x64xf32> to vector<499x64xf32>
    %mul3A_1902 = arith.mulf %tanh3A_1896, %get3A_1901 : vector<499x64xf32>
    %reduce_sum3A_1903 = arith.constant dense<0.000000e+00> : vector<499xf32>
    %reduce_sum3A_1904 = vector.multi_reduction <add>, %mul3A_1902, %reduce_sum3A_1903 [1] : vector<499x64xf32> to vector<499xf32>
    %broadcast_in_dim3A_1905 = vector.shape_cast %reduce_sum3A_1904 : vector<499xf32> to vector<499x1xf32>
    %get3A_1906 = arith.constant 0 : index
    %get3A_1907 = arith.constant 3 : index
    %get3A_1908 = vector.load %arg5[%get3A_1906, %get3A_1907] : memref<499x8xf32, #tpu.memory_space<vmem>>, vector<499x1xf32>
    %add3A_1909 = arith.addf %broadcast_in_dim3A_1905, %get3A_1908 : vector<499x1xf32>
    %logistic3A_1910 = arith.negf %add3A_1909 : vector<499x1xf32>
    %logistic3A_1911 = math.exp %logistic3A_1910 : vector<499x1xf32>
    %logistic3A_1912 = arith.constant 1.000000e+00 : f32
    %logistic3A_1913 = vector.broadcast %logistic3A_1912 : f32 to vector<499x1xf32>
    %logistic3A_1914 = arith.addf %logistic3A_1913, %logistic3A_1911 : vector<499x1xf32>
    %logistic3A_1915 = arith.divf %logistic3A_1913, %logistic3A_1914 : vector<499x1xf32>
    %slice3A_1916 = vector.extract_strided_slice %get3A_1752 {offsets = [0, 4, 0], sizes = [499, 1, 64], strides = [1, 1, 1]} : vector<499x8x64xf32> to vector<499x1x64xf32>
    %squeeze3A_1917 = vector.shape_cast %slice3A_1916 : vector<499x1x64xf32> to vector<499x64xf32>
    %slice3A_1918 = vector.extract_strided_slice %get3A_1756 {offsets = [0, 4, 0], sizes = [499, 1, 64], strides = [1, 1, 1]} : vector<500x8x64xf32> to vector<499x1x64xf32>
    %squeeze3A_1919 = vector.shape_cast %slice3A_1918 : vector<499x1x64xf32> to vector<499x64xf32>
    %get3A_1920 = arith.constant 0 : index
    %get3A_1921 = arith.constant 0 : index
    %get3A_1922 = vector.load %arg15[%get3A_1920, %get3A_1921] : memref<64x64xf32, #tpu.memory_space<vmem>>, vector<64x64xf32>
    %dot_general3A_1923 = arith.constant dense<0.000000e+00> : vector<499x64xf32>
    %dot_general3A_1924 = tpu.matmul %squeeze3A_1917, %get3A_1922, %dot_general3A_1923 {dimension_numbers = #tpu.dot_dimension_numbers<[1], [0], [0], [1], [0, 0, 1, 1], [], []>, transpose_lhs_hint = false} : vector<499x64xf32>, vector<64x64xf32>, vector<499x64xf32> -> vector<499x64xf32>
    %get3A_1925 = arith.constant 0 : index
    %get3A_1926 = arith.constant 0 : index
    %get3A_1927 = vector.load %arg16[%get3A_1925, %get3A_1926] : memref<64x64xf32, #tpu.memory_space<vmem>>, vector<64x64xf32>
    %dot_general3A_1928 = arith.constant dense<0.000000e+00> : vector<499x64xf32>
    %dot_general3A_1929 = tpu.matmul %squeeze3A_1919, %get3A_1927, %dot_general3A_1928 {dimension_numbers = #tpu.dot_dimension_numbers<[1], [0], [0], [1], [0, 0, 1, 1], [], []>, transpose_lhs_hint = false} : vector<499x64xf32>, vector<64x64xf32>, vector<499x64xf32> -> vector<499x64xf32>
    %add3A_1930 = arith.addf %dot_general3A_1924, %dot_general3A_1929 : vector<499x64xf32>
    %get3A_1931 = arith.constant 0 : index
    %get3A_1932 = arith.constant 0 : index
    %get3A_1933 = vector.load %arg17[%get3A_1931, %get3A_1932] : memref<1x64xf32, #tpu.memory_space<vmem>>, vector<1x64xf32>
    %add3A_1934 = vector.broadcast %get3A_1933 : vector<1x64xf32> to vector<499x64xf32>
    %add3A_1935 = arith.addf %add3A_1930, %add3A_1934 : vector<499x64xf32>
    %tanh3A_1936 = math.tanh %add3A_1935 : vector<499x64xf32>
    %get3A_1937 = arith.constant 0 : index
    %get3A_1938 = arith.constant 4 : index
    %get3A_1939 = arith.constant 0 : index
    %get3A_1940 = vector.load %arg4[%get3A_1937, %get3A_1938, %get3A_1939] : memref<499x8x64xf32, #tpu.memory_space<vmem>>, vector<499x1x64xf32>
    %get3A_1941 = vector.shape_cast %get3A_1940 : vector<499x1x64xf32> to vector<499x64xf32>
    %mul3A_1942 = arith.mulf %tanh3A_1936, %get3A_1941 : vector<499x64xf32>
    %reduce_sum3A_1943 = arith.constant dense<0.000000e+00> : vector<499xf32>
    %reduce_sum3A_1944 = vector.multi_reduction <add>, %mul3A_1942, %reduce_sum3A_1943 [1] : vector<499x64xf32> to vector<499xf32>
    %broadcast_in_dim3A_1945 = vector.shape_cast %reduce_sum3A_1944 : vector<499xf32> to vector<499x1xf32>
    %get3A_1946 = arith.constant 0 : index
    %get3A_1947 = arith.constant 4 : index
    %get3A_1948 = vector.load %arg5[%get3A_1946, %get3A_1947] : memref<499x8xf32, #tpu.memory_space<vmem>>, vector<499x1xf32>
    %add3A_1949 = arith.addf %broadcast_in_dim3A_1945, %get3A_1948 : vector<499x1xf32>
    %logistic3A_1950 = arith.negf %add3A_1949 : vector<499x1xf32>
    %logistic3A_1951 = math.exp %logistic3A_1950 : vector<499x1xf32>
    %logistic3A_1952 = arith.constant 1.000000e+00 : f32
    %logistic3A_1953 = vector.broadcast %logistic3A_1952 : f32 to vector<499x1xf32>
    %logistic3A_1954 = arith.addf %logistic3A_1953, %logistic3A_1951 : vector<499x1xf32>
    %logistic3A_1955 = arith.divf %logistic3A_1953, %logistic3A_1954 : vector<499x1xf32>
    %slice3A_1956 = vector.extract_strided_slice %get3A_1752 {offsets = [0, 5, 0], sizes = [499, 1, 64], strides = [1, 1, 1]} : vector<499x8x64xf32> to vector<499x1x64xf32>
    %squeeze3A_1957 = vector.shape_cast %slice3A_1956 : vector<499x1x64xf32> to vector<499x64xf32>
    %slice3A_1958 = vector.extract_strided_slice %get3A_1756 {offsets = [0, 5, 0], sizes = [499, 1, 64], strides = [1, 1, 1]} : vector<500x8x64xf32> to vector<499x1x64xf32>
    %squeeze3A_1959 = vector.shape_cast %slice3A_1958 : vector<499x1x64xf32> to vector<499x64xf32>
    %get3A_1960 = arith.constant 0 : index
    %get3A_1961 = arith.constant 0 : index
    %get3A_1962 = vector.load %arg15[%get3A_1960, %get3A_1961] : memref<64x64xf32, #tpu.memory_space<vmem>>, vector<64x64xf32>
    %dot_general3A_1963 = arith.constant dense<0.000000e+00> : vector<499x64xf32>
    %dot_general3A_1964 = tpu.matmul %squeeze3A_1957, %get3A_1962, %dot_general3A_1963 {dimension_numbers = #tpu.dot_dimension_numbers<[1], [0], [0], [1], [0, 0, 1, 1], [], []>, transpose_lhs_hint = false} : vector<499x64xf32>, vector<64x64xf32>, vector<499x64xf32> -> vector<499x64xf32>
    %get3A_1965 = arith.constant 0 : index
    %get3A_1966 = arith.constant 0 : index
    %get3A_1967 = vector.load %arg16[%get3A_1965, %get3A_1966] : memref<64x64xf32, #tpu.memory_space<vmem>>, vector<64x64xf32>
    %dot_general3A_1968 = arith.constant dense<0.000000e+00> : vector<499x64xf32>
    %dot_general3A_1969 = tpu.matmul %squeeze3A_1959, %get3A_1967, %dot_general3A_1968 {dimension_numbers = #tpu.dot_dimension_numbers<[1], [0], [0], [1], [0, 0, 1, 1], [], []>, transpose_lhs_hint = false} : vector<499x64xf32>, vector<64x64xf32>, vector<499x64xf32> -> vector<499x64xf32>
    %add3A_1970 = arith.addf %dot_general3A_1964, %dot_general3A_1969 : vector<499x64xf32>
    %get3A_1971 = arith.constant 0 : index
    %get3A_1972 = arith.constant 0 : index
    %get3A_1973 = vector.load %arg17[%get3A_1971, %get3A_1972] : memref<1x64xf32, #tpu.memory_space<vmem>>, vector<1x64xf32>
    %add3A_1974 = vector.broadcast %get3A_1973 : vector<1x64xf32> to vector<499x64xf32>
    %add3A_1975 = arith.addf %add3A_1970, %add3A_1974 : vector<499x64xf32>
    %tanh3A_1976 = math.tanh %add3A_1975 : vector<499x64xf32>
    %get3A_1977 = arith.constant 0 : index
    %get3A_1978 = arith.constant 5 : index
    %get3A_1979 = arith.constant 0 : index
    %get3A_1980 = vector.load %arg4[%get3A_1977, %get3A_1978, %get3A_1979] : memref<499x8x64xf32, #tpu.memory_space<vmem>>, vector<499x1x64xf32>
    %get3A_1981 = vector.shape_cast %get3A_1980 : vector<499x1x64xf32> to vector<499x64xf32>
    %mul3A_1982 = arith.mulf %tanh3A_1976, %get3A_1981 : vector<499x64xf32>
    %reduce_sum3A_1983 = arith.constant dense<0.000000e+00> : vector<499xf32>
    %reduce_sum3A_1984 = vector.multi_reduction <add>, %mul3A_1982, %reduce_sum3A_1983 [1] : vector<499x64xf32> to vector<499xf32>
    %broadcast_in_dim3A_1985 = vector.shape_cast %reduce_sum3A_1984 : vector<499xf32> to vector<499x1xf32>
    %get3A_1986 = arith.constant 0 : index
    %get3A_1987 = arith.constant 5 : index
    %get3A_1988 = vector.load %arg5[%get3A_1986, %get3A_1987] : memref<499x8xf32, #tpu.memory_space<vmem>>, vector<499x1xf32>
    %add3A_1989 = arith.addf %broadcast_in_dim3A_1985, %get3A_1988 : vector<499x1xf32>
    %logistic3A_1990 = arith.negf %add3A_1989 : vector<499x1xf32>
    %logistic3A_1991 = math.exp %logistic3A_1990 : vector<499x1xf32>
    %logistic3A_1992 = arith.constant 1.000000e+00 : f32
    %logistic3A_1993 = vector.broadcast %logistic3A_1992 : f32 to vector<499x1xf32>
    %logistic3A_1994 = arith.addf %logistic3A_1993, %logistic3A_1991 : vector<499x1xf32>
    %logistic3A_1995 = arith.divf %logistic3A_1993, %logistic3A_1994 : vector<499x1xf32>
    %slice3A_1996 = vector.extract_strided_slice %get3A_1752 {offsets = [0, 6, 0], sizes = [499, 1, 64], strides = [1, 1, 1]} : vector<499x8x64xf32> to vector<499x1x64xf32>
    %squeeze3A_1997 = vector.shape_cast %slice3A_1996 : vector<499x1x64xf32> to vector<499x64xf32>
    %slice3A_1998 = vector.extract_strided_slice %get3A_1756 {offsets = [0, 6, 0], sizes = [499, 1, 64], strides = [1, 1, 1]} : vector<500x8x64xf32> to vector<499x1x64xf32>
    %squeeze3A_1999 = vector.shape_cast %slice3A_1998 : vector<499x1x64xf32> to vector<499x64xf32>
    %get3A_2000 = arith.constant 0 : index
    %get3A_2001 = arith.constant 0 : index
    %get3A_2002 = vector.load %arg15[%get3A_2000, %get3A_2001] : memref<64x64xf32, #tpu.memory_space<vmem>>, vector<64x64xf32>
    %dot_general3A_2003 = arith.constant dense<0.000000e+00> : vector<499x64xf32>
    %dot_general3A_2004 = tpu.matmul %squeeze3A_1997, %get3A_2002, %dot_general3A_2003 {dimension_numbers = #tpu.dot_dimension_numbers<[1], [0], [0], [1], [0, 0, 1, 1], [], []>, transpose_lhs_hint = false} : vector<499x64xf32>, vector<64x64xf32>, vector<499x64xf32> -> vector<499x64xf32>
    %get3A_2005 = arith.constant 0 : index
    %get3A_2006 = arith.constant 0 : index
    %get3A_2007 = vector.load %arg16[%get3A_2005, %get3A_2006] : memref<64x64xf32, #tpu.memory_space<vmem>>, vector<64x64xf32>
    %dot_general3A_2008 = arith.constant dense<0.000000e+00> : vector<499x64xf32>
    %dot_general3A_2009 = tpu.matmul %squeeze3A_1999, %get3A_2007, %dot_general3A_2008 {dimension_numbers = #tpu.dot_dimension_numbers<[1], [0], [0], [1], [0, 0, 1, 1], [], []>, transpose_lhs_hint = false} : vector<499x64xf32>, vector<64x64xf32>, vector<499x64xf32> -> vector<499x64xf32>
    %add3A_2010 = arith.addf %dot_general3A_2004, %dot_general3A_2009 : vector<499x64xf32>
    %get3A_2011 = arith.constant 0 : index
    %get3A_2012 = arith.constant 0 : index
    %get3A_2013 = vector.load %arg17[%get3A_2011, %get3A_2012] : memref<1x64xf32, #tpu.memory_space<vmem>>, vector<1x64xf32>
    %add3A_2014 = vector.broadcast %get3A_2013 : vector<1x64xf32> to vector<499x64xf32>
    %add3A_2015 = arith.addf %add3A_2010, %add3A_2014 : vector<499x64xf32>
    %tanh3A_2016 = math.tanh %add3A_2015 : vector<499x64xf32>
    %get3A_2017 = arith.constant 0 : index
    %get3A_2018 = arith.constant 6 : index
    %get3A_2019 = arith.constant 0 : index
    %get3A_2020 = vector.load %arg4[%get3A_2017, %get3A_2018, %get3A_2019] : memref<499x8x64xf32, #tpu.memory_space<vmem>>, vector<499x1x64xf32>
    %get3A_2021 = vector.shape_cast %get3A_2020 : vector<499x1x64xf32> to vector<499x64xf32>
    %mul3A_2022 = arith.mulf %tanh3A_2016, %get3A_2021 : vector<499x64xf32>
    %reduce_sum3A_2023 = arith.constant dense<0.000000e+00> : vector<499xf32>
    %reduce_sum3A_2024 = vector.multi_reduction <add>, %mul3A_2022, %reduce_sum3A_2023 [1] : vector<499x64xf32> to vector<499xf32>
    %broadcast_in_dim3A_2025 = vector.shape_cast %reduce_sum3A_2024 : vector<499xf32> to vector<499x1xf32>
    %get3A_2026 = arith.constant 0 : index
    %get3A_2027 = arith.constant 6 : index
    %get3A_2028 = vector.load %arg5[%get3A_2026, %get3A_2027] : memref<499x8xf32, #tpu.memory_space<vmem>>, vector<499x1xf32>
    %add3A_2029 = arith.addf %broadcast_in_dim3A_2025, %get3A_2028 : vector<499x1xf32>
    %logistic3A_2030 = arith.negf %add3A_2029 : vector<499x1xf32>
    %logistic3A_2031 = math.exp %logistic3A_2030 : vector<499x1xf32>
    %logistic3A_2032 = arith.constant 1.000000e+00 : f32
    %logistic3A_2033 = vector.broadcast %logistic3A_2032 : f32 to vector<499x1xf32>
    %logistic3A_2034 = arith.addf %logistic3A_2033, %logistic3A_2031 : vector<499x1xf32>
    %logistic3A_2035 = arith.divf %logistic3A_2033, %logistic3A_2034 : vector<499x1xf32>
    %slice3A_2036 = vector.extract_strided_slice %get3A_1752 {offsets = [0, 7, 0], sizes = [499, 1, 64], strides = [1, 1, 1]} : vector<499x8x64xf32> to vector<499x1x64xf32>
    %squeeze3A_2037 = vector.shape_cast %slice3A_2036 : vector<499x1x64xf32> to vector<499x64xf32>
    %slice3A_2038 = vector.extract_strided_slice %get3A_1756 {offsets = [0, 7, 0], sizes = [499, 1, 64], strides = [1, 1, 1]} : vector<500x8x64xf32> to vector<499x1x64xf32>
    %squeeze3A_2039 = vector.shape_cast %slice3A_2038 : vector<499x1x64xf32> to vector<499x64xf32>
    %get3A_2040 = arith.constant 0 : index
    %get3A_2041 = arith.constant 0 : index
    %get3A_2042 = vector.load %arg15[%get3A_2040, %get3A_2041] : memref<64x64xf32, #tpu.memory_space<vmem>>, vector<64x64xf32>
    %dot_general3A_2043 = arith.constant dense<0.000000e+00> : vector<499x64xf32>
    %dot_general3A_2044 = tpu.matmul %squeeze3A_2037, %get3A_2042, %dot_general3A_2043 {dimension_numbers = #tpu.dot_dimension_numbers<[1], [0], [0], [1], [0, 0, 1, 1], [], []>, transpose_lhs_hint = false} : vector<499x64xf32>, vector<64x64xf32>, vector<499x64xf32> -> vector<499x64xf32>
    %get3A_2045 = arith.constant 0 : index
    %get3A_2046 = arith.constant 0 : index
    %get3A_2047 = vector.load %arg16[%get3A_2045, %get3A_2046] : memref<64x64xf32, #tpu.memory_space<vmem>>, vector<64x64xf32>
    %dot_general3A_2048 = arith.constant dense<0.000000e+00> : vector<499x64xf32>
    %dot_general3A_2049 = tpu.matmul %squeeze3A_2039, %get3A_2047, %dot_general3A_2048 {dimension_numbers = #tpu.dot_dimension_numbers<[1], [0], [0], [1], [0, 0, 1, 1], [], []>, transpose_lhs_hint = false} : vector<499x64xf32>, vector<64x64xf32>, vector<499x64xf32> -> vector<499x64xf32>
    %add3A_2050 = arith.addf %dot_general3A_2044, %dot_general3A_2049 : vector<499x64xf32>
    %get3A_2051 = arith.constant 0 : index
    %get3A_2052 = arith.constant 0 : index
    %get3A_2053 = vector.load %arg17[%get3A_2051, %get3A_2052] : memref<1x64xf32, #tpu.memory_space<vmem>>, vector<1x64xf32>
    %add3A_2054 = vector.broadcast %get3A_2053 : vector<1x64xf32> to vector<499x64xf32>
    %add3A_2055 = arith.addf %add3A_2050, %add3A_2054 : vector<499x64xf32>
    %tanh3A_2056 = math.tanh %add3A_2055 : vector<499x64xf32>
    %get3A_2057 = arith.constant 0 : index
    %get3A_2058 = arith.constant 7 : index
    %get3A_2059 = arith.constant 0 : index
    %get3A_2060 = vector.load %arg4[%get3A_2057, %get3A_2058, %get3A_2059] : memref<499x8x64xf32, #tpu.memory_space<vmem>>, vector<499x1x64xf32>
    %get3A_2061 = vector.shape_cast %get3A_2060 : vector<499x1x64xf32> to vector<499x64xf32>
    %mul3A_2062 = arith.mulf %tanh3A_2056, %get3A_2061 : vector<499x64xf32>
    %reduce_sum3A_2063 = arith.constant dense<0.000000e+00> : vector<499xf32>
    %reduce_sum3A_2064 = vector.multi_reduction <add>, %mul3A_2062, %reduce_sum3A_2063 [1] : vector<499x64xf32> to vector<499xf32>
    %broadcast_in_dim3A_2065 = vector.shape_cast %reduce_sum3A_2064 : vector<499xf32> to vector<499x1xf32>
    %get3A_2066 = arith.constant 0 : index
    %get3A_2067 = arith.constant 7 : index
    %get3A_2068 = vector.load %arg5[%get3A_2066, %get3A_2067] : memref<499x8xf32, #tpu.memory_space<vmem>>, vector<499x1xf32>
    %add3A_2069 = arith.addf %broadcast_in_dim3A_2065, %get3A_2068 : vector<499x1xf32>
    %logistic3A_2070 = arith.negf %add3A_2069 : vector<499x1xf32>
    %logistic3A_2071 = math.exp %logistic3A_2070 : vector<499x1xf32>
    %logistic3A_2072 = arith.constant 1.000000e+00 : f32
    %logistic3A_2073 = vector.broadcast %logistic3A_2072 : f32 to vector<499x1xf32>
    %logistic3A_2074 = arith.addf %logistic3A_2073, %logistic3A_2071 : vector<499x1xf32>
    %logistic3A_2075 = arith.divf %logistic3A_2073, %logistic3A_2074 : vector<499x1xf32>
    %concatenate3A = tpu.concatenate %logistic3A_1795, %logistic3A_1835, %logistic3A_1875, %logistic3A_1915, %logistic3A_1955, %logistic3A_1995, %logistic3A_2035, %logistic3A_2075 in 1 : vector<499x1xf32>, vector<499x1xf32>, vector<499x1xf32>, vector<499x1xf32>, vector<499x1xf32>, vector<499x1xf32>, vector<499x1xf32>, vector<499x1xf32> -> vector<499x8xf32>
    %swap3A_2076 = arith.constant 0 : index
    %swap3A_2077 = arith.constant 0 : index
    %swap3A_2078 = vector.load %arg26[%swap3A_2076, %swap3A_2077] : memref<499x8xf32, #tpu.memory_space<vmem>>, vector<499x8xf32>
    tpu.vector_store %arg26[%swap3A_2076, %swap3A_2077], %concatenate3A {strides = array<i32>} : memref<499x8xf32, #tpu.memory_space<vmem>>, vector<499x8xf32>,
    return
  }
}

</mosaic_0001>

<sc_bundles>
// kernel: kernel.4.cloned.1.call-start
scs
__scs_entry_jumppad:
0x0: {  	(pc) =	sbr.rel $0x88, $3  }
0x1: {  	(tag) =	ssettag $0x0;
	lr =	simm.s32 $0x1  }
0x2: {  	[smem:$0x3F8A] =	sst lr;
	_ =	strace $0xD0000000  }
0x3: {  	_ = 	snop  }
0x4: {  	_ = 	snop  }
0x5: {  	_ = 	snop  }
0x6: {  	_ = 	snop  }
0x7: {  	_ = 	snop  }
__scs_overlays_trampoline_lowered:
0x8: {  	[smem:$0x3F99] =	sst s0  }
0x9: {  	[smem:$0x3F9A] =	sst s1  }
0xa: {  	[smem:$0x3F9B] =	sst s2  }
0xb: {  	[smem:$0x3F9C] =	sst s3  }
0xc: {  	[smem:$0x3F9D] =	sst s4  }
0xd: {  	[smem:$0x3F9E] =	sst s5  }
0xe: {  	[smem:$0x3F9F] =	sst s6  }
0xf: {  	[smem:$0x3FA0] =	sst s7  }
0x10: {  	[smem:$0x3FA1] =	sst s8  }
0x11: {  	[smem:$0x3FA2] =	sst s9;
	s0 =	simm.s32 @!p0 $0x0  }
0x12: {  	s1 =	sld [smem:$0x3F88];
	s0 =	simm.s32 @p0 $0x1  }
0x13: {  	[smem:$0x3FA3] =	sst s0;
	s0 =	simm.s32 @!p1 $0x0  }
0x14: {  	s2 =	sld [smem:$0x3F87];
	s0 =	simm.s32 @p1 $0x1  }
0x15: {  	[smem:$0x3FA4] =	sst s0;
	s0 =	simm.s32 @!p2 $0x0  }
0x16: {  	s3 =	sld [smem:$0x3FDB];
	s0 =	simm.s32 @p2 $0x1  }
0x17: {  	s4 =	simm.s32 $0x1BF5;
	[smem:$0x3FA6] =	sst s0  }
0x18: {  	s0 =	sld [smem:$0x3F89];
	_ =	swait.ge [sflag:s4], $0x0  }
0x19: {  	s7 =	sld [smem:$0x3F8A]  }
0x1a: {  	s8 =	sadd.s32 $0xFFFFE003, lr  }
0x1b: {  	s9 =	sadd.s32 $0xFFFFFEF7, lr;
	s5 =	simm.s32 $0xFFFFFFFF;
	p2 =	slt.u32 s8, $0xFFFFF086  }
0x1c: {  	p1 =	slt.u32 s9, $0xF7A;
	s5 =	simm.s32 @!p2 $0x0  }
0x1d: {  	s5 =	simm.s32 @p1 $0x1;
	p0 =	seq.s32 s7, s2  }
0x1e: {  	s7 =	smul.u32 @!p0 $0xF7A, s2;
	p2 =	seq.s32 @!p0 s5, $0x0  }
0x1f: {  	s9 =	smul.u32 $0xF7A, s1;
	s8 =	simm.s32 @!p0 $0x1BF5;
	p2 =	por !p2, p0  }
0x20: {  	[sflag:s8] =	ssyncset.s32 @!p0 $0xFFFFF086;
	s6 =	sadd.s32 @!p0 s3, s7;
	s7 =	simm.s32 @!p0 $0x108  }
0x21: {  	s3 =	sadd.s32 s3, s9;
	s6 =	sadd.s32 @!p0 $0x88, s6;
	s7 =	simm.s32 @p2 $0x1082  }
0x22: {  	[simem:s7], [sflag:s8] =	dma.local @!p0 [hbm:s6], $0xF7A  }
0x23: {  	s9 =	sor.u32 $0xD0000000, s2;
	s6 =	simm.s32 $0x108;
	_ =	swait.ge @!p0 [sflag:s8], $0x0  }
0x24: {  	s3 =	sadd.s32 $0x88, s3;
	s6 =	simm.s32 @!p1 $0x1082;
	[sflag:s4] =	ssyncset.s32 $0xFFFFF086  }
0x25: {  	[simem:s6], [sflag:s4] =	dma.local [hbm:s3], $0xF7A  }
0x26: {  	[smem:$0x3F8A] =	sst s1;
	(tag) =	ssettag s2;
	_ =	strace s9  }
0x27: {  	s1 =	sld [smem:$0x3F9A]  }
0x28: {  	s2 =	sld [smem:$0x3F9B]  }
0x29: {  	s4 =	sld [smem:$0x3F9D]  }
0x2a: {  	p0 =	seq.s32 s5, $0x0;
	s5 =	sld [smem:$0x3F9E]  }
0x2b: {  	s6 =	sld [smem:$0x3F9F]  }
0x2c: {  	s7 =	sld [smem:$0x3FA0]  }
0x2d: {  	s3 =	simm.s32 $0x108;
	s8 =	sld [smem:$0x3FA1]  }
0x2e: {  	s3 =	simm.s32 @!p0 $0x1082;
	s9 =	sld [smem:$0x3FA2]  }
0x2f: {  	lr =	sadd.s32 s0, s3;
	s0 =	sld [smem:$0x3F99]  }
0x30: {  	s3 =	sld [smem:$0x3F9C]  }
0x31: {  	[smem:$0x3FA5] =	sst s10  }
0x32: {  	s10 =	sld [smem:$0x3FA3];
	_ =	sdelay $0x3  }
0x33: {  	p0 =	seq.s32 s10, $0x1;
	s10 =	sld [smem:$0x3FA5];
	_ =	sdelay $0x3  }
0x34: {  	[smem:$0x3FA5] =	sst s10  }
0x35: {  	s10 =	sld [smem:$0x3FA4];
	_ =	sdelay $0x3  }
0x36: {  	p1 =	seq.s32 s10, $0x1;
	s10 =	sld [smem:$0x3FA5];
	_ =	sdelay $0x3  }
0x37: {  	[smem:$0x3FA5] =	sst s10  }
0x38: {  	s10 =	sld [smem:$0x3FA6]  }
0x39: {  	_ = 	snop;
	(pc) =	sbr.ind lr, $3  }
0x3a: {  	_ = 	snop  }
0x3b: {  	_ = 	snop  }
0x3c: {  	p2 =	seq.s32 s10, $0x1;
	s10 =	sld [smem:$0x3FA5]  }
0x3d: {  	_ =	shalt  }
0x3e: {  	_ =	shalt  }
0x3f: {  	_ =	shalt  }
0x40: {  	_ =	shalt  }
0x41: {  	_ =	shalt  }
0x42: {  	_ =	shalt  }
0x43: {  	_ =	shalt  }
0x44: {  	_ =	shalt  }
0x45: {  	_ =	shalt  }
0x46: {  	_ =	shalt  }
0x47: {  	_ =	shalt  }
0x48: {  	_ =	shalt  }
0x49: {  	_ =	shalt  }
0x4a: {  	_ =	shalt  }
0x4b: {  	_ =	shalt  }
0x4c: {  	_ =	shalt  }
0x4d: {  	_ =	shalt  }
0x4e: {  	_ =	shalt  }
0x4f: {  	_ =	shalt  }
0x50: {  	_ =	shalt  }
0x51: {  	_ =	shalt  }
0x52: {  	_ =	shalt  }
0x53: {  	_ =	shalt  }
0x54: {  	_ =	shalt  }
0x55: {  	_ =	shalt  }
0x56: {  	_ =	shalt  }
0x57: {  	_ =	shalt  }
0x58: {  	_ =	shalt  }
0x59: {  	_ =	shalt  }
0x5a: {  	_ =	shalt  }
0x5b: {  	_ =	shalt  }
0x5c: {  	_ =	shalt  }
0x5d: {  	_ =	shalt  }
0x5e: {  	_ =	shalt  }
0x5f: {  	_ =	shalt  }
0x60: {  	_ =	shalt  }
0x61: {  	_ =	shalt  }
0x62: {  	_ =	shalt  }
0x63: {  	_ =	shalt  }
0x64: {  	_ =	shalt  }
0x65: {  	_ =	shalt  }
0x66: {  	_ =	shalt  }
0x67: {  	_ =	shalt  }
0x68: {  	_ =	shalt  }
0x69: {  	_ =	shalt  }
0x6a: {  	_ =	shalt  }
0x6b: {  	_ =	shalt  }
0x6c: {  	_ =	shalt  }
0x6d: {  	_ =	shalt  }
0x6e: {  	_ =	shalt  }
0x6f: {  	_ =	shalt  }
0x70: {  	_ =	shalt  }
0x71: {  	_ =	shalt  }
0x72: {  	_ =	shalt  }
0x73: {  	_ =	shalt  }
0x74: {  	_ =	shalt  }
0x75: {  	_ =	shalt  }
0x76: {  	_ =	shalt  }
0x77: {  	_ =	shalt  }
0x78: {  	_ =	shalt  }
0x79: {  	_ =	shalt  }
0x7a: {  	_ =	shalt  }
0x7b: {  	_ =	shalt  }
0x7c: {  	_ =	shalt  }
0x7d: {  	_ =	shalt  }
0x7e: {  	_ =	shalt  }
0x7f: {  	_ =	shalt  }
0x80: {  	_ =	shalt  }
0x81: {  	_ =	shalt  }
0x82: {  	_ =	shalt  }
0x83: {  	_ =	shalt  }
0x84: {  	_ =	shalt  }
0x85: {  	_ =	shalt  }
0x86: {  	_ =	shalt  }
0x87: {  	_ =	shalt  }
.Lfunc_end0:
.L_simem_size_0:
called_computation_lowered:
.L_overlay_start_0:
0x88: {  	s2 =	sld [smem:$0x3FD9]  }
0x89: {  	s3 =	sld [smem:$0x3FFE];
	_ =	sdelay $0x1  }
0x8a: {  	s1 =	srdreg.scid  }
0x8b: {  	s0 =	sand.u32 $0x1, s1  }
0x8c: {  	s17 =	sshll.u32 s0, $0xA;
	s2 =	sadd.s32 s3, s2  }
0x8d: {  	s2 =	sadd.s32 s2, s17  }
0x8e: {  	[smem:$0x3FB1] =	sst s2  }
0x8f: {  	_ = 	snop  }
0x90: {  	s2 =	sld [smem:$0x3FD0];
	(tm) =	ssettm $0x1  }
0x91: {  	s18 =	sld [smem:$0x3FFB];
	_ =	sdelay $0x3  }
0x92: {  	_ =	strace s18  }
0x93: {  	s3 =	sld [smem:$0x3FFC];
	_ =	sdelay $0x3  }
0x94: {  	_ =	strace s3  }
0x95: {  	s3 =	sld [smem:$0x3FFD];
	_ =	sdelay $0x3  }
0x96: {  	_ =	strace s3  }
0x97: {  	_ =	strace $0x8FFFFFFF  }
0x98: {  	s19 =	sld [smem:$0x3FDB];
	_ =	sdelay $0x1  }
0x99: {  	s4 =	simm.s32 $_scs_section_size  }
0x9a: {  	s5 =	simm.s32 $_size__tile_overlayer_lowered;
	s6 =	simm.s32 $_tile_overlayer_lowered  }
0x9b: {  	s22 =	simm.s32 $0x1BFF;
	s21 =	sshll.u32 s6, $0x1;
	s3 =	sadd.s32 s4, s19  }
0x9c: {  	s7 =	simm.s32 $0x0;
	s20 =	sshll.u32 s5, $0x1;
	s5 =	sadd.s32 s21, s3  }
0x9d: {  	[timem:s7], [sflag:s22] =	dma.local [hbm:s5], s20  }
0x9e: {  	_ =	swait.ge [sflag:s22], s20  }
0x9f: {  	s4 =	ssub.s32 $0x0, s20;
	[sflag:s22] =	ssyncset.done $0x0  }
0xa0: {  	[sflag:s22] =	ssyncadd.s32 s4;
	_ =	sdelay $0x1  }
0xa1: {  	s23 =	simm.s32 $0x1B8B  }
0xa2: {  	_ =	swait.ge [sflag:s23], $0x1  }
0xa3: {  	[sflag:s23] =	ssyncset.done $0x0  }
0xa4: {  	s25 =	simm.s32 $0x1B8E;
	s24 =	sld [smem:$0x3FFE];
	[sflag:s23] =	ssyncadd.s32 $0xFFFFFFFF  }
0xa5: {  	s26 =	simm.s32 $execute0_lowered;
	[smem:$0x3FD2] =	sst s25  }
0xa6: {  	s5 =	sshll.u32 s26, $0x1;
	_ =	strace $0x80000046;
	[dreg:$0x1] =	wrdreg $0xFFFFFFFF  }
0xa7: {  	s28 =	simm.s32 $_size_execute0_lowered;
	s3 =	sadd.s32 s3, s5;
	[dreg:$0x0] =	wrdreg $0x0  }
0xa8: {  	s5 =	sshll.u32 s28, $0x1;
	[dreg:$0x2] =	wrdreg s3  }
0xa9: {  	[dreg:$0x3] =	wrdreg s5  }
0xaa: {  	[dreg:$0x4] =	wrdreg $0xC0  }
0xab: {  	_ =	task [dreg:s7], $0x5FFFF  }
0xac: {  	[dreg:$0x1] =	wrdreg $0xFFFFFFFF  }
0xad: {  	[dreg:$0x0] =	wrdreg $0x60  }
0xae: {  	[dreg:$0x2] =	wrdreg s24  }
0xaf: {  	[dreg:$0x3] =	wrdreg s2  }
0xb0: {  	[dreg:$0x4] =	wrdreg $0x9  }
0xb1: {  	_ =	task.clear_ibuf [dreg:s7], $0x5FFFF;
	_ =	strace $0x90000046  }
0xb2: {  	s29 =	simm.s32 $0x9;
	_ =	strace $0x80000048  }
0xb3: {  	_ =	swait.ge [sflag:s29], $0x1  }
0xb4: {  	[sflag:s29] =	ssyncadd.s32 $0xFFFFFFFF  }
0xb5: {  	_ =	strace $0x90000048  }
0xb6: {  	_ =	sfence  }
0xb7: {  	s30 =	sld [smem:$0x0];
	_ =	sdelay $0x2  }
0xb8: {  	s31 =	sshll.u32 s1, $0xD;
	s1 =	sshrl.u32 s1, $0x2  }
0xb9: {  	s3 =	sand.u32 $0x4000, s31;
	s1 =	sadd.s32 s1, s30  }
0xba: {  	s0 =	sor.u32 s3, s0;
	s1 =	sshll.u32 s1, $0x11  }
0xbb: {  	s0 =	sor.u32 s1, s0  }
0xbc: {  	s0 =	sadd.s32 $0x8F2B, s0  }
0xbd: {  	[sflag:s0] =	ssyncadd.remote.s32 $0x1  }
0xbe: {  	_ =	sfence.sel $0xFFFF  }
0xbf: {  	[dreg:$0x0] =	wrdreg $0xFFFFFFFF;
	(pc) =	sbr.abs _section_cstart, $3  }
0xc0: {  	[dreg:$0x1] =	wrdreg $0xFFFFFFFF  }
0xc1: {  	_ =	task.clear_ibuf [dreg:s7], $0x2FFFF;
	_ =	strace $0x9FFFFFFF  }
0xc2: {  	(tm) =	ssettm $0x7FFFFFFF  }
0xc3: {  	_ =	shalt  }
tec
execute0_lowered:
.L_overlay_start_1:
0x0: {  	(tag) =	ssettag $0x1  }
0x1: {  	s1 =	srdreg.scid  }
0x2: {  	s12 =	rddreg [dreg:$0x0];
	s0 =	stileid.u32;
	s13 =	sand.u32 $0x1, s1  }
0x3: {  	s3 =	rddreg [dreg:$0x1];
	s4 =	sshll.u32 s0, $0x8;
	s5 =	sshll.u32 s13, $0x7  }
0x4: {  	s2 =	simm.s32 $0x0;
	s1 =	rddreg [dreg:$0x2];
	s14 =	sor.u32 s5, s4  }
0x5: {  	[smem:$0x7FF] =	sst s2;
	s10 =	sshrl.u32 s14, $0x3  }
0x6: {  	_ =	strace $0x80000047;
	s6 =	sadd.s32 s3, s10;
	s3 =	simm.s32 $0x2  }
0x7: {  	[tilespmem:s2], [sflag:$0x2] =	stream.linear.gather [hbm4b:s6+s2], $0x80, $0x38;
	[tilespmem:$0x4900] =	vst v63  }
0x8: {  	_ =	swait.ge [sflag:s3], $0x80  }
0x9: {  	s8 =	simm.s32 $0x100;
	s7 =	sadd.s32 $0x43600, s12;
	[sflag:s3] =	ssyncset.done $0x0  }
0xa: {  	s4 =	simm.s32 $0x80;
	s5 =	simm.s32 $0x1;
	[sflag:s3] =	ssyncadd.s32 $0xFFFFFF80  }
0xb: {  	[tilespmem:s8], [sflag:$0x1] =	stream.indirect.gather [hbm4b:s7+s4], $0x40, s2, s4, $0xb8;
	[tilespmem:$0x4900] =	vst v63  }
0xc: {  	s9 =	sshll.u32 s14, $0x3;
	_ =	swait.ge [sflag:s5], $0x2000  }
0xd: {  	s15 =	sadd.s32 s9, s12;
	[sflag:s5] =	ssyncset.done $0x0  }
0xe: {  	s9 =	sadd.s32 $0x69200, s15;
	[sflag:s5] =	ssyncadd.s32 $0xFFFFE000  }
0xf: {  	[hbm4b:s9+s2] =	stream.linear.scatter [tilespmem:s8], [sflag:$0x2], $0x2000, $0x38;
	[tilespmem:$0x4900] =	vst v63  }
0x10: {  	_ =	swait.ge [sflag:s3], $0x2000  }
0x11: {  	s16 =	sadd.s32 s10, s12;
	[sflag:s3] =	ssyncset.done $0x0  }
0x12: {  	s10 =	sadd.s32 $0x57000, s16;
	[sflag:s3] =	ssyncadd.s32 $0xFFFFE000  }
0x13: {  	[tilespmem:s4], [sflag:$0x2] =	stream.linear.gather [hbm4b:s10+s2], $0x80, $0x38;
	[tilespmem:$0x4900] =	vst v63  }
0x14: {  	_ =	swait.ge [sflag:s3], $0x80  }
0x15: {  	[sflag:s3] =	ssyncset.done $0x0  }
0x16: {  	[sflag:s3] =	ssyncadd.s32 $0xFFFFFF80  }
0x17: {  	v0 =	vld [tilespmem:$0x60]  }
0x18: {  	v1 =	vld [tilespmem:$0x50]  }
0x19: {  	v2 =	vld [tilespmem:$0x30]  }
0x1a: {  	v3 =	vld [tilespmem:$0xE0]  }
0x1b: {  	v4 =	vld [tilespmem:$0x20]  }
0x1c: {  	v5 =	vld [tilespmem:$0x10]  }
0x1d: {  	v6 =	vld [tilespmem:$0xB0]  }
0x1e: {  	v7 =	vld [tilespmem:$0x70]  }
0x1f: {  	v8 =	vld [tilespmem:$0xA0]  }
0x20: {  	v9 =	vld [tilespmem:$0xF0]  }
0x21: {  	v10 =	vld [tilespmem:$0x90]  }
0x22: {  	v11 =	vld [tilespmem:$0xD0];
	v3 =	vmul.u32 $0x2710, v3  }
0x23: {  	v12 =	vld [tilespmem:$0xC0];
	v6 =	vmul.u32 $0x2710, v6  }
0x24: {  	v56 =	vld [tilespmem:$0x80];
	v8 =	vmul.u32 $0x2710, v8;
	v0 =	vadd.s32 v0, v3  }
0x25: {  	v58 =	vld [tilespmem:$0x40];
	v59 =	vmul.u32 $0x2710, v9;
	v57 =	vadd.s32 v2, v6;
	[tilespmem:$0xE0] =	vst v0  }
0x26: {  	v60 =	vld [tilespmem:$0x0];
	v61 =	vmul.u32 $0x2710, v10;
	v4 =	vadd.s32 v4, v8;
	[tilespmem:$0xB0] =	vst v57  }
0x27: {  	v62 =	vmul.u32 $0x2710, v11;
	v6 =	vadd.s32 v7, v59;
	[tilespmem:$0xA0] =	vst v4  }
0x28: {  	s13 =	ssub.s32 $0x2, s13;
	v63 =	vmul.u32 $0x2710, v12;
	v5 =	vadd.s32 v5, v61;
	[tilespmem:$0xF0] =	vst v6  }
0x29: {  	s17 =	sshrl.u32 s13, $0x1;
	v3 =	vmul.u32 $0x2710, v56;
	v1 =	vadd.s32 v1, v62;
	[tilespmem:$0x90] =	vst v5  }
0x2a: {  	s13 =	ssub.s32 s13, s17;
	v2 =	vadd.s32 v58, v63;
	[tilespmem:$0xD0] =	vst v1  }
0x2b: {  	s17 =	smax.u32 s13, $0x1;
	[tilespmem:$0xC0] =	vst v2;
	v0 =	vadd.s32 v60, v3  }
0x2c: {  	s11 =	sadd.s32 $0x1C400, s12;
	s14 =	smul.u32 $0xA, s14;
	p0 =	sne.s32 s17, $0x1;
	[tilespmem:$0x80] =	vst v0  }
0x2d: {  	[tilespmem:s8], [sflag:$0x1] =	stream.indirect.gather [hbm4b:s11+s4], $0x40, s4, s4, $0xb8;
	[tilespmem:$0x4900] =	vst v63  }
.Ltmp0:
0x2e: {  	s14 =	sadd.s32 s14, s12;
	_ =	swait.ge [sflag:s5], $0x2000;
	(pc) =	sbr.rel @!p0 .LBB2_2-.Ltmp0, $4  }
0x2f: {  	s12 =	sadd.s32 $0x3C00, s12;
	s15 =	sadd.s32 $0x61200, s15;
	[sflag:s5] =	ssyncset.done $0x0  }
0x30: {  	s16 =	sadd.s32 $0x3A00, s16;
	s17 =	sadd.s32 $0xFFFFFFFF, s17;
	[sflag:s5] =	ssyncadd.s32 $0xFFFFE000  }
0x31: {  	[hbm4b:s15+s2] =	stream.linear.scatter [tilespmem:s8], [sflag:$0x2], $0x2000, $0x38;
	[tilespmem:$0x4900] =	vst v63  }
0x32: {  	s13 =	sadd.s32 $0x57200, s14;
	s14 =	simm.s32 $0x2100;
	_ =	swait.ge [sflag:s3], $0x2000  }
.LBB2_1:
0x33: {  	p0 =	sne.s32 s17, $0x1;
	s17 =	sadd.s32 $0xFFFFFFFF, s17;
	[sflag:s3] =	ssyncset.done $0x0  }
0x34: {  	[sflag:s3] =	ssyncadd.s32 $0xFFFFE000  }
0x35: {  	[tilespmem:s2], [sflag:$0x2] =	stream.linear.gather [hbm4b:s16+s2], $0x80, $0x38;
	[tilespmem:$0x4900] =	vst v63  }
0x36: {  	_ =	swait.ge [sflag:s3], $0x80  }
0x37: {  	[sflag:s3] =	ssyncset.done $0x0  }
0x38: {  	[sflag:s3] =	ssyncadd.s32 $0xFFFFFF80  }
0x39: {  	[tilespmem:s14], [sflag:$0x1] =	stream.indirect.gather [hbm4b:s12+s4], $0x50, s2, s4, $0xb8;
	[tilespmem:$0x4900] =	vst v63  }
0x3a: {  	_ =	swait.ge [sflag:s5], $0x2800  }
0x3b: {  	[sflag:s5] =	ssyncset.done $0x0  }
0x3c: {  	[sflag:s5] =	ssyncadd.s32 $0xFFFFD800  }
0x3d: {  	[hbm4b:s13+s2] =	stream.linear.scatter [tilespmem:s14], [sflag:$0x2], $0x2800, $0x38;
	[tilespmem:$0x4900] =	vst v63  }
0x3e: {  	_ =	swait.ge [sflag:s3], $0x2800  }
0x3f: {  	[sflag:s3] =	ssyncset.done $0x0  }
0x40: {  	[sflag:s3] =	ssyncadd.s32 $0xFFFFD800  }
0x41: {  	[tilespmem:s2], [sflag:$0x2] =	stream.linear.gather [hbm4b:s6+s2], $0x80, $0x38;
	[tilespmem:$0x4900] =	vst v63  }
0x42: {  	_ =	swait.ge [sflag:s3], $0x80  }
0x43: {  	[sflag:s3] =	ssyncset.done $0x0  }
0x44: {  	[sflag:s3] =	ssyncadd.s32 $0xFFFFFF80  }
0x45: {  	[tilespmem:s8], [sflag:$0x1] =	stream.indirect.gather [hbm4b:s7+s4], $0x40, s2, s4, $0xb8;
	[tilespmem:$0x4900] =	vst v63  }
0x46: {  	_ =	swait.ge [sflag:s5], $0x2000  }
0x47: {  	[sflag:s5] =	ssyncset.done $0x0  }
0x48: {  	[sflag:s5] =	ssyncadd.s32 $0xFFFFE000  }
0x49: {  	[hbm4b:s9+s2] =	stream.linear.scatter [tilespmem:s8], [sflag:$0x2], $0x2000, $0x38;
	[tilespmem:$0x4900] =	vst v63  }
0x4a: {  	_ =	swait.ge [sflag:s3], $0x2000  }
0x4b: {  	[sflag:s3] =	ssyncset.done $0x0  }
0x4c: {  	[sflag:s3] =	ssyncadd.s32 $0xFFFFE000  }
0x4d: {  	[tilespmem:s4], [sflag:$0x2] =	stream.linear.gather [hbm4b:s10+s2], $0x80, $0x38;
	[tilespmem:$0x4900] =	vst v63  }
0x4e: {  	_ =	swait.ge [sflag:s3], $0x80  }
0x4f: {  	[sflag:s3] =	ssyncset.done $0x0  }
0x50: {  	[sflag:s3] =	ssyncadd.s32 $0xFFFFFF80  }
0x51: {  	v0 =	vld [tilespmem:$0x60]  }
0x52: {  	v1 =	vld [tilespmem:$0x50]  }
0x53: {  	v2 =	vld [tilespmem:$0x30]  }
0x54: {  	v3 =	vld [tilespmem:$0xE0]  }
0x55: {  	v4 =	vld [tilespmem:$0x20]  }
0x56: {  	v5 =	vld [tilespmem:$0x10]  }
0x57: {  	v6 =	vld [tilespmem:$0xB0]  }
0x58: {  	v7 =	vld [tilespmem:$0x70]  }
0x59: {  	v8 =	vld [tilespmem:$0xA0];
	v3 =	vmul.u32 $0x2710, v3  }
0x5a: {  	v9 =	vld [tilespmem:$0xF0]  }
0x5b: {  	v10 =	vld [tilespmem:$0x90];
	v0 =	vadd.s32 v0, v3  }
0x5c: {  	v3 =	vmul.u32 $0x2710, v6;
	v6 =	vld [tilespmem:$0xD0];
	[tilespmem:$0xE0] =	vst v0  }
0x5d: {  	v0 =	vld [tilespmem:$0xC0]  }
0x5e: {  	v11 =	vld [tilespmem:$0x80];
	v8 =	vmul.u32 $0x2710, v8;
	v2 =	vadd.s32 v2, v3  }
0x5f: {  	[tilespmem:$0xB0] =	vst v2;
	v2 =	vld [tilespmem:$0x40];
	v3 =	vmul.u32 $0x2710, v9  }
0x60: {  	v9 =	vld [tilespmem:$0x0];
	v10 =	vmul.u32 $0x2710, v10;
	v4 =	vadd.s32 v4, v8  }
0x61: {  	[tilespmem:$0xA0] =	vst v4;
	v4 =	vmul.u32 $0x2710, v6;
	v3 =	vadd.s32 v7, v3  }
0x62: {  	v5 =	vadd.s32 v5, v10;
	v0 =	vmul.u32 $0x2710, v0;
	[tilespmem:$0xF0] =	vst v3  }
0x63: {  	v3 =	vmul.u32 $0x2710, v11;
	[tilespmem:$0x90] =	vst v5;
	v1 =	vadd.s32 v1, v4  }
0x64: {  	v0 =	vadd.s32 v2, v0;
	[tilespmem:$0xD0] =	vst v1  }
0x65: {  	v1 =	vadd.s32 v9, v3;
	[tilespmem:$0xC0] =	vst v0  }
0x66: {  	[tilespmem:$0x80] =	vst v1  }
0x67: {  	[tilespmem:s8], [sflag:$0x1] =	stream.indirect.gather [hbm4b:s11+s4], $0x40, s4, s4, $0xb8;
	[tilespmem:$0x4900] =	vst v63  }
.Ltmp1:
0x68: {  	_ =	swait.ge [sflag:s5], $0x2000;
	(pc) =	sbr.rel @p0 .LBB2_1-.Ltmp1, $4  }
0x69: {  	[sflag:s5] =	ssyncset.done $0x0  }
0x6a: {  	[sflag:s5] =	ssyncadd.s32 $0xFFFFE000  }
0x6b: {  	[hbm4b:s15+s2] =	stream.linear.scatter [tilespmem:s8], [sflag:$0x2], $0x2000, $0x38;
	[tilespmem:$0x4900] =	vst v63  }
0x6c: {  	_ =	swait.ge [sflag:s3], $0x2000  }
.LBB2_2:
0x6d: {  	[sflag:s3] =	ssyncset.done $0x0  }
0x6e: {  	[sflag:s3] =	ssyncadd.s32 $0xFFFFE000  }
0x6f: {  	[tilespmem:s2], [sflag:$0x2] =	stream.linear.gather [hbm4b:s16+s2], $0x80, $0x38;
	[tilespmem:$0x4900] =	vst v63  }
0x70: {  	_ =	swait.ge [sflag:s3], $0x80  }
0x71: {  	[sflag:s3] =	ssyncset.done $0x0  }
0x72: {  	[sflag:s3] =	ssyncadd.s32 $0xFFFFFF80  }
0x73: {  	[tilespmem:s14], [sflag:$0x1] =	stream.indirect.gather [hbm4b:s12+s4], $0x50, s2, s4, $0xb8;
	[tilespmem:$0x4900] =	vst v63  }
0x74: {  	_ =	swait.ge [sflag:s5], $0x2800  }
0x75: {  	[sflag:s5] =	ssyncset.done $0x0  }
0x76: {  	[sflag:s5] =	ssyncadd.s32 $0xFFFFD800  }
0x77: {  	[hbm4b:s13+s2] =	stream.linear.scatter [tilespmem:s14], [sflag:$0x2], $0x2800, $0x38;
	[tilespmem:$0x4900] =	vst v63  }
0x78: {  	_ =	swait.ge [sflag:s3], $0x2800  }
0x79: {  	[sflag:s3] =	ssyncset.done $0x0  }
0x7a: {  	[sflag:s3] =	ssyncadd.s32 $0xFFFFD800  }
0x7b: {  	_ =	sfence.sel $0x180000  }
0x7c: {  	[bflag:$0x0] =	sbarrier.arrive $0xFFFF  }
0x7d: {  	p0 =	sne.s32 s0, $0x0;
	_ =	strace $0x90000047  }
0x7e: {  	s0 =	sadd.s32 @!p0 $0x100000, s1;
	[bflag:$0x2] =	sbarrier.arrive $0xFFFF  }
0x7f: {  	[sflag:s0] =	ssyncadd.tile.s32 @!p0 $0x1;
	_ =	shalt  }
.Lfunc_end2:
_tile_overlayer_lowered:
.L_overlay_start_2:
0x80: {  	(tag) =	ssettag $0x2  }
0x81: {  	s0 =	rddreg [dreg:$0x0];
	s2 =	stileid.u32  }
0x82: {  	s1 =	rddreg [dreg:$0x1];
	p0 =	sne.s32 s2, $0x0  }
0x83: {  	s3 =	rddreg [dreg:$0x2];
	[bflag:$0x3] =	sbarrier.arrive $0xFFFF;
	s2 =	simm.s32 @!p0 $0x1C02  }
0x84: {  	[timem:s3], [sflag:s2] =	dma.local @!p0 [hbm:s0], s1  }
0x85: {  	s0 =	simm.s32 @!p0 $0x2  }
0x86: {  	_ =	swait.ge @!p0 [sflag:s0], s1  }
0x87: {  	s1 =	ssub.s32 @!p0 $0x0, s1;
	[sflag:s0] =	ssyncset.done @!p0 $0x0  }
0x88: {  	[sflag:s0] =	ssyncadd.s32 @!p0 s1  }
0x89: {  	[bflag:$0x3] =	sbarrier.arrive $0xFFFF  }
0x8a: {  	_ =	shalt  }

</sc_bundles>
